<compile_context>
chip_gen: v7x
topology: tpu7x:2x2x1
jax: 0.10.2.dev20260603
libtpu: 0.0.44.dev20260713+nightly
codegen_flags: <defaults>
</compile_context>

<pallas_src>
import functools

import jax
import jax.numpy as jnp
import numpy as np
from jax import lax
from jax.experimental import pallas as pl
from jax.experimental.pallas import tpu as pltpu
from jax.experimental.pallas import tpu_sc as plsc

N_ROWS = 16384
N_COLS = 1000
NBINS = 11
BC = 2048
NB = N_ROWS // BC

NSUB = 16
PER_W = N_ROWS // NSUB
NCH = PER_W // 16

_BOUNDS = np.arange(NBINS + 1, dtype=np.float32) * (np.float32(1.0) / np.float32(NBINS))
_BOUNDS[-1] = 1.0
_LOB = [float(v) for v in _BOUNDS[:NBINS]]
_HIB = [float(v) for v in _BOUNDS[1:]]


def _tc_body(x_ref, lab_ref, conf_ref, acc_ref):
    x = x_ref[...]
    m = jnp.max(x, axis=0, keepdims=True)
    s = jnp.sum(jnp.exp(x - m), axis=0, keepdims=True)
    conf = 1.0 / s
    row = lax.broadcasted_iota(jnp.int32, (N_COLS, BC), 0)
    cand = jnp.where(x == m, row, N_COLS)
    idx = jnp.min(cand, axis=0, keepdims=True)
    lab = lab_ref[0]
    conf_ref[...] = conf
    acc_ref[...] = (idx == lab).astype(jnp.float32)


def _allsum(v):
    iota = lax.iota(jnp.int32, 16)
    for k in (1, 2, 4, 8):
        perm = jnp.bitwise_xor(iota, k)
        v = v + v.at[perm].get(mode="promise_in_bounds")
    return v


def _sc_hist_body(conf_hbm, acc_hbm, out_hbm, conf_v, acc_v, part_v, shared_v, gath_v):
    sid = lax.axis_index("s")
    base = sid * PER_W
    pltpu.sync_copy(conf_hbm.at[pl.ds(base, PER_W)], conf_v)
    pltpu.sync_copy(acc_hbm.at[pl.ds(base, PER_W)], acc_v)

    zero16 = jnp.zeros((16,), jnp.float32)

    def chunk_body(i, accs):
        c = conf_v[pl.ds(i * 16, 16)]
        a = acc_v[pl.ds(i * 16, 16)]
        new = []
        for j in range(NBINS):
            m = (c > _LOB[j]) & (c <= _HIB[j])
            new.append(accs[3 * j] + jnp.where(m, 1.0, 0.0))
            new.append(accs[3 * j + 1] + jnp.where(m, c, 0.0))
            new.append(accs[3 * j + 2] + jnp.where(m, a, 0.0))
        return tuple(new)

    accs_fin = lax.fori_loop(0, NCH, chunk_body, (zero16,) * (3 * NBINS))

    iota = lax.iota(jnp.int32, 16)
    cntv = zero16
    csv = zero16
    asv = zero16
    for j in range(NBINS):
        cntv = jnp.where(iota == j, _allsum(accs_fin[3 * j]), cntv)
        csv = jnp.where(iota == j, _allsum(accs_fin[3 * j + 1]), csv)
        asv = jnp.where(iota == j, _allsum(accs_fin[3 * j + 2]), asv)
    part_v[pl.ds(0, 16)] = cntv
    part_v[pl.ds(16, 16)] = csv
    part_v[pl.ds(32, 16)] = asv
    pltpu.sync_copy(part_v, shared_v.at[pl.ds(sid * 48, 48)])
    plsc.subcore_barrier()

    @pl.when(sid == 0)
    def _finalize():
        pltpu.sync_copy(shared_v, gath_v)

        def red_body(t, vecs):
            cnt, cs, as_ = vecs
            o = t * 48
            cnt = cnt + gath_v[pl.ds(o, 16)]
            cs = cs + gath_v[pl.ds(o + 16, 16)]
            as_ = as_ + gath_v[pl.ds(o + 32, 16)]
            return (cnt, cs, as_)

        cnt, cs, as_ = lax.fori_loop(0, NSUB, red_body, (zero16, zero16, zero16))
        nonempty = cnt > 0.0
        safe = jnp.maximum(cnt, 1.0)
        accs = jnp.where(nonempty, as_ / safe, 0.0)
        confs = jnp.where(nonempty, cs / safe, 0.0)
        contrib = jnp.where(nonempty, jnp.abs(confs - accs) * cnt * (1.0 / N_ROWS), 0.0)
        ece = _allsum(contrib)
        part_v[pl.ds(0, 16)] = jnp.where(iota == 0, ece, 0.0)
        part_v[pl.ds(16, 16)] = accs
        part_v[pl.ds(32, 16)] = confs
        pltpu.sync_copy(part_v, out_hbm)


def kernel(logits, labels):
    xt = logits.T
    labels_r = labels.reshape(NB, 1, BC)

    conf_all, acc_all = pl.pallas_call(
        _tc_body,
        grid=(NB,),
        in_specs=[
            pl.BlockSpec((N_COLS, BC), lambda i: (0, i)),
            pl.BlockSpec((1, 1, BC), lambda i: (i, 0, 0)),
        ],
        out_specs=[
            pl.BlockSpec((1, BC), lambda i: (0, i)),
            pl.BlockSpec((1, BC), lambda i: (0, i)),
        ],
        out_shape=[
            jax.ShapeDtypeStruct((1, N_ROWS), jnp.float32),
            jax.ShapeDtypeStruct((1, N_ROWS), jnp.float32),
        ],
    )(xt, labels_r)

    mesh = plsc.VectorSubcoreMesh(core_axis_name="c", subcore_axis_name="s", num_cores=1)
    sc_hist = functools.partial(
        pl.kernel,
        mesh=mesh,
        out_type=jax.ShapeDtypeStruct((48,), jnp.float32),
        scratch_types=[
            pltpu.VMEM((PER_W,), jnp.float32),
            pltpu.VMEM((PER_W,), jnp.float32),
            pltpu.VMEM((48,), jnp.float32),
            pltpu.VMEM_SHARED((NSUB * 48,), jnp.float32),
            pltpu.VMEM((NSUB * 48,), jnp.float32),
        ],
    )(_sc_hist_body)

    out = sc_hist(conf_all.reshape(N_ROWS), acc_all.reshape(N_ROWS))
    ece = out[0:1]
    accs = out[16 : 16 + NBINS]
    confs = out[32 : 32 + NBINS]
    return (ece, accs, confs)

# --- scband reference (transcript-rebuilt; emitter-appended) ---
"""Pipeline reference for scband-eceloss-24661702213976 (READ-ONLY COPY).

The authoritative reference and input builder live on the scoring server;
editing this copy changes nothing except your own understanding.
"""

import jax, jax.numpy as jnp
import numpy as np

N_BINS = 11


def setup_inputs(seed: int = 0) -> dict:
    key = jax.random.key(seed)
    k1, k2 = jax.random.split(key)
    logits = jax.random.normal(k1, (16384, 1000), dtype=jnp.float32)
    labels = jax.random.randint(k2, (16384,), 0, 1000, dtype=jnp.int32)
    return {"logits": logits, "labels": labels}


def reference(logits, labels):
    softmaxes = jax.nn.softmax(logits, axis=1)
    confidences = jnp.max(softmaxes, axis=1)
    predictions = jnp.argmax(softmaxes, axis=1)
    accuracies = (predictions == labels).astype(jnp.float32)
    boundaries = jnp.linspace(0.0, 1.0, N_BINS + 1)
    n = jnp.float32(confidences.shape[0])
    ece = jnp.zeros((1,), dtype=jnp.float32)
    accs = []
    confs = []
    for i in range(N_BINS):
        lo = boundaries[i]
        hi = boundaries[i + 1]
        in_bin = ((confidences > lo) & (confidences <= hi)).astype(jnp.float32)
        count = jnp.sum(in_bin)
        prop_in_bin = count / n
        safe_count = jnp.maximum(count, 1.0)
        accuracy_in_bin = jnp.sum(accuracies * in_bin) / safe_count
        avg_confidence_in_bin = jnp.sum(confidences * in_bin) / safe_count
        contrib = jnp.where(count > 0, jnp.abs(avg_confidence_in_bin - accuracy_in_bin) * prop_in_bin, 0.0)
        ece = ece + contrib
        accs.append(jnp.where(count > 0, accuracy_in_bin, 0.0))
        confs.append(jnp.where(count > 0, avg_confidence_in_bin, 0.0))
    return (ece, jnp.stack(accs), jnp.stack(confs))

if __name__ == "__main__":
    import jax
    _d = setup_inputs()
    print(jax.jit(kernel)(*tuple(_d.values())))

</pallas_src>

<mosaic_0001>
#map = affine_map<(d0, d1) -> (0)>
module attributes {stable_mosaic.version = 14 : i64} {
  func.func @_sc_hist_body(%arg0: i32, %arg1: i32, %arg2: memref<16384xf32, #tpu.memory_space<hbm>>, %arg3: memref<16384xf32, #tpu.memory_space<hbm>>, %arg4: memref<48xf32, #tpu.memory_space<hbm>>, %arg5: memref<1024xf32, #tpu.memory_space<vmem>>, %arg6: memref<1024xf32, #tpu.memory_space<vmem>>, %arg7: memref<48xf32, #tpu.memory_space<vmem>>, %arg8: memref<768xf32, #tpu.memory_space<vmem_shared>>, %arg9: memref<768xf32, #tpu.memory_space<vmem>>) attributes {dimension_semantics = [#tpu.dimension_semantics<core_parallel>, #tpu.dimension_semantics<subcore_parallel>], iteration_bounds = array<i64: 1, 16>, scalar_prefetch = 0 : i64, scratch_operands = 5 : i64, tpu.core_type = #tpu.core_type<sc_vector_subcore>, window_params = [{transform_indices = #map}, {transform_indices = #map}, {transform_indices = #map}]} {
    %mul3A = arith.constant 1024 : i32
    %mul3A_0 = arith.muli %arg1, %mul3A : i32
    "tpu.region"() ({
      %run_scoped3A = tpu.sem_alloc : memref<!tpu.dma_semaphore, #tpu.memory_space<semaphore_mem>>
      %dma_start3A = tpu.memref_slice %arg2[%mul3A_0] : memref<16384xf32, #tpu.memory_space<hbm>> -> memref<1024xf32, #tpu.memory_space<hbm>>
      %dma_start3A_2030 = tpu.memref_slice %arg2[%mul3A_0] : memref<16384xf32, #tpu.memory_space<hbm>> -> memref<1024xf32, #tpu.memory_space<hbm>>
      tpu.enqueue_dma source(%dma_start3A_2030 : memref<1024xf32, #tpu.memory_space<hbm>>) target(%arg5 : memref<1024xf32, #tpu.memory_space<vmem>>) target_semaphore(%run_scoped3A : memref<!tpu.dma_semaphore, #tpu.memory_space<semaphore_mem>>)
      %dma_wait3A = tpu.memref_slice %arg2[%mul3A_0] : memref<16384xf32, #tpu.memory_space<hbm>> -> memref<1024xf32, #tpu.memory_space<hbm>>
      %dma_wait3A_2031 = tpu.memref_slice %arg2[%mul3A_0] : memref<16384xf32, #tpu.memory_space<hbm>> -> memref<1024xf32, #tpu.memory_space<hbm>>
      tpu.wait_dma2 semaphore(%run_scoped3A : memref<!tpu.dma_semaphore, #tpu.memory_space<semaphore_mem>>) src(%dma_wait3A_2031 : memref<1024xf32, #tpu.memory_space<hbm>>) dst(%arg5 : memref<1024xf32, #tpu.memory_space<vmem>>)
      tpu.yield
    }) : () -> ()
    "tpu.region"() ({
      %run_scoped3A = tpu.sem_alloc : memref<!tpu.dma_semaphore, #tpu.memory_space<semaphore_mem>>
      %dma_start3A = tpu.memref_slice %arg3[%mul3A_0] : memref<16384xf32, #tpu.memory_space<hbm>> -> memref<1024xf32, #tpu.memory_space<hbm>>
      %dma_start3A_2030 = tpu.memref_slice %arg3[%mul3A_0] : memref<16384xf32, #tpu.memory_space<hbm>> -> memref<1024xf32, #tpu.memory_space<hbm>>
      tpu.enqueue_dma source(%dma_start3A_2030 : memref<1024xf32, #tpu.memory_space<hbm>>) target(%arg6 : memref<1024xf32, #tpu.memory_space<vmem>>) target_semaphore(%run_scoped3A : memref<!tpu.dma_semaphore, #tpu.memory_space<semaphore_mem>>)
      %dma_wait3A = tpu.memref_slice %arg3[%mul3A_0] : memref<16384xf32, #tpu.memory_space<hbm>> -> memref<1024xf32, #tpu.memory_space<hbm>>
      %dma_wait3A_2031 = tpu.memref_slice %arg3[%mul3A_0] : memref<16384xf32, #tpu.memory_space<hbm>> -> memref<1024xf32, #tpu.memory_space<hbm>>
      tpu.wait_dma2 semaphore(%run_scoped3A : memref<!tpu.dma_semaphore, #tpu.memory_space<semaphore_mem>>) src(%dma_wait3A_2031 : memref<1024xf32, #tpu.memory_space<hbm>>) dst(%arg6 : memref<1024xf32, #tpu.memory_space<vmem>>)
      tpu.yield
    }) : () -> ()
    %broadcast_in_dim3A = arith.constant 0.000000e+00 : f32
    %broadcast_in_dim3A_1 = vector.broadcast %broadcast_in_dim3A : f32 to vector<16xf32>
    %scan3A = arith.constant 0 : i32
    %scan3A_2 = arith.constant 64 : i32
    %scan3A_3 = arith.addi %scan3A, %scan3A_2 : i32
    %scan3A_4 = arith.constant 1 : i32
    %scan3A_5:33 = scf.for %scan3A_2030 = %scan3A to %scan3A_3 step %scan3A_4 iter_args(%scan3A_2031 = %broadcast_in_dim3A_1, %scan3A_2032 = %broadcast_in_dim3A_1, %scan3A_2033 = %broadcast_in_dim3A_1, %scan3A_2034 = %broadcast_in_dim3A_1, %scan3A_2035 = %broadcast_in_dim3A_1, %scan3A_2036 = %broadcast_in_dim3A_1, %scan3A_2037 = %broadcast_in_dim3A_1, %scan3A_2038 = %broadcast_in_dim3A_1, %scan3A_2039 = %broadcast_in_dim3A_1, %scan3A_2040 = %broadcast_in_dim3A_1, %scan3A_2041 = %broadcast_in_dim3A_1, %scan3A_2042 = %broadcast_in_dim3A_1, %scan3A_2043 = %broadcast_in_dim3A_1, %scan3A_2044 = %broadcast_in_dim3A_1, %scan3A_2045 = %broadcast_in_dim3A_1, %scan3A_2046 = %broadcast_in_dim3A_1, %scan3A_2047 = %broadcast_in_dim3A_1, %scan3A_2048 = %broadcast_in_dim3A_1, %scan3A_2049 = %broadcast_in_dim3A_1, %scan3A_2050 = %broadcast_in_dim3A_1, %scan3A_2051 = %broadcast_in_dim3A_1, %scan3A_2052 = %broadcast_in_dim3A_1, %scan3A_2053 = %broadcast_in_dim3A_1, %scan3A_2054 = %broadcast_in_dim3A_1, %scan3A_2055 = %broadcast_in_dim3A_1, %scan3A_2056 = %broadcast_in_dim3A_1, %scan3A_2057 = %broadcast_in_dim3A_1, %scan3A_2058 = %broadcast_in_dim3A_1, %scan3A_2059 = %broadcast_in_dim3A_1, %scan3A_2060 = %broadcast_in_dim3A_1, %scan3A_2061 = %broadcast_in_dim3A_1, %scan3A_2062 = %broadcast_in_dim3A_1, %scan3A_2063 = %broadcast_in_dim3A_1) -> (vector<16xf32>, vector<16xf32>, vector<16xf32>, vector<16xf32>, vector<16xf32>, vector<16xf32>, vector<16xf32>, vector<16xf32>, vector<16xf32>, vector<16xf32>, vector<16xf32>, vector<16xf32>, vector<16xf32>, vector<16xf32>, vector<16xf32>, vector<16xf32>, vector<16xf32>, vector<16xf32>, vector<16xf32>, vector<16xf32>, vector<16xf32>, vector<16xf32>, vector<16xf32>, vector<16xf32>, vector<16xf32>, vector<16xf32>, vector<16xf32>, vector<16xf32>, vector<16xf32>, vector<16xf32>, vector<16xf32>, vector<16xf32>, vector<16xf32>)  : i32 {
      %mul3A_2064 = arith.constant 16 : i32
      %mul3A_2065 = arith.muli %scan3A_2030, %mul3A_2064 : i32
      %get3A = arith.index_cast %mul3A_2065 : i32 to index
      %get3A_2066 = tpu.vector_load %arg5[%get3A] {strides = array<i32>} : memref<1024xf32, #tpu.memory_space<vmem>>, vector<16xf32>,
      %get3A_2067 = vector.shape_cast %get3A_2066 : vector<16xf32> to vector<16xf32>
      %mul3A_2068 = arith.constant 16 : i32
      %mul3A_2069 = arith.muli %scan3A_2030, %mul3A_2068 : i32
      %get3A_2070 = arith.index_cast %mul3A_2069 : i32 to index
      %get3A_2071 = tpu.vector_load %arg6[%get3A_2070] {strides = array<i32>} : memref<1024xf32, #tpu.memory_space<vmem>>, vector<16xf32>,
      %get3A_2072 = vector.shape_cast %get3A_2071 : vector<16xf32> to vector<16xf32>
      %gt3A = arith.constant 0.000000e+00 : f32
      %gt3A_2073 = vector.broadcast %gt3A : f32 to vector<16xf32>
      %gt3A_2074 = arith.cmpf ogt, %get3A_2067, %gt3A_2073 : vector<16xf32>
      %le3A = arith.constant 0.0909090936 : f32
      %le3A_2075 = vector.broadcast %le3A : f32 to vector<16xf32>
      %le3A_2076 = arith.cmpf ole, %get3A_2067, %le3A_2075 : vector<16xf32>
      %and3A = arith.andi %gt3A_2074, %le3A_2076 : vector<16xi1>
      %jit3A = arith.constant 1.000000e+00 : f32
      %jit3A_2077 = arith.constant 0.000000e+00 : f32
      %broadcast_in_dim3A_2078 = vector.broadcast %jit3A : f32 to vector<16xf32>
      %broadcast_in_dim3A_2079 = vector.broadcast %jit3A_2077 : f32 to vector<16xf32>
      %select_n3A_2080 = arith.select %and3A, %broadcast_in_dim3A_2078, %broadcast_in_dim3A_2079 : vector<16xi1>, vector<16xf32>
      %add3A_2081 = arith.addf %scan3A_2031, %select_n3A_2080 : vector<16xf32>
      %jit3A_2082 = arith.constant 0.000000e+00 : f32
      %broadcast_in_dim3A_2083 = vector.broadcast %jit3A_2082 : f32 to vector<16xf32>
      %select_n3A_2084 = arith.select %and3A, %get3A_2067, %broadcast_in_dim3A_2083 : vector<16xi1>, vector<16xf32>
      %add3A_2085 = arith.addf %scan3A_2032, %select_n3A_2084 : vector<16xf32>
      %jit3A_2086 = arith.constant 0.000000e+00 : f32
      %broadcast_in_dim3A_2087 = vector.broadcast %jit3A_2086 : f32 to vector<16xf32>
      %select_n3A_2088 = arith.select %and3A, %get3A_2072, %broadcast_in_dim3A_2087 : vector<16xi1>, vector<16xf32>
      %add3A_2089 = arith.addf %scan3A_2033, %select_n3A_2088 : vector<16xf32>
      %gt3A_2090 = arith.constant 0.0909090936 : f32
      %gt3A_2091 = vector.broadcast %gt3A_2090 : f32 to vector<16xf32>
      %gt3A_2092 = arith.cmpf ogt, %get3A_2067, %gt3A_2091 : vector<16xf32>
      %le3A_2093 = arith.constant 0.181818187 : f32
      %le3A_2094 = vector.broadcast %le3A_2093 : f32 to vector<16xf32>
      %le3A_2095 = arith.cmpf ole, %get3A_2067, %le3A_2094 : vector<16xf32>
      %and3A_2096 = arith.andi %gt3A_2092, %le3A_2095 : vector<16xi1>
      %jit3A_2097 = arith.constant 1.000000e+00 : f32
      %jit3A_2098 = arith.constant 0.000000e+00 : f32
      %broadcast_in_dim3A_2099 = vector.broadcast %jit3A_2097 : f32 to vector<16xf32>
      %broadcast_in_dim3A_2100 = vector.broadcast %jit3A_2098 : f32 to vector<16xf32>
      %select_n3A_2101 = arith.select %and3A_2096, %broadcast_in_dim3A_2099, %broadcast_in_dim3A_2100 : vector<16xi1>, vector<16xf32>
      %add3A_2102 = arith.addf %scan3A_2034, %select_n3A_2101 : vector<16xf32>
      %jit3A_2103 = arith.constant 0.000000e+00 : f32
      %broadcast_in_dim3A_2104 = vector.broadcast %jit3A_2103 : f32 to vector<16xf32>
      %select_n3A_2105 = arith.select %and3A_2096, %get3A_2067, %broadcast_in_dim3A_2104 : vector<16xi1>, vector<16xf32>
      %add3A_2106 = arith.addf %scan3A_2035, %select_n3A_2105 : vector<16xf32>
      %jit3A_2107 = arith.constant 0.000000e+00 : f32
      %broadcast_in_dim3A_2108 = vector.broadcast %jit3A_2107 : f32 to vector<16xf32>
      %select_n3A_2109 = arith.select %and3A_2096, %get3A_2072, %broadcast_in_dim3A_2108 : vector<16xi1>, vector<16xf32>
      %add3A_2110 = arith.addf %scan3A_2036, %select_n3A_2109 : vector<16xf32>
      %gt3A_2111 = arith.constant 0.181818187 : f32
      %gt3A_2112 = vector.broadcast %gt3A_2111 : f32 to vector<16xf32>
      %gt3A_2113 = arith.cmpf ogt, %get3A_2067, %gt3A_2112 : vector<16xf32>
      %le3A_2114 = arith.constant 0.272727281 : f32
      %le3A_2115 = vector.broadcast %le3A_2114 : f32 to vector<16xf32>
      %le3A_2116 = arith.cmpf ole, %get3A_2067, %le3A_2115 : vector<16xf32>
      %and3A_2117 = arith.andi %gt3A_2113, %le3A_2116 : vector<16xi1>
      %jit3A_2118 = arith.constant 1.000000e+00 : f32
      %jit3A_2119 = arith.constant 0.000000e+00 : f32
      %broadcast_in_dim3A_2120 = vector.broadcast %jit3A_2118 : f32 to vector<16xf32>
      %broadcast_in_dim3A_2121 = vector.broadcast %jit3A_2119 : f32 to vector<16xf32>
      %select_n3A_2122 = arith.select %and3A_2117, %broadcast_in_dim3A_2120, %broadcast_in_dim3A_2121 : vector<16xi1>, vector<16xf32>
      %add3A_2123 = arith.addf %scan3A_2037, %select_n3A_2122 : vector<16xf32>
      %jit3A_2124 = arith.constant 0.000000e+00 : f32
      %broadcast_in_dim3A_2125 = vector.broadcast %jit3A_2124 : f32 to vector<16xf32>
      %select_n3A_2126 = arith.select %and3A_2117, %get3A_2067, %broadcast_in_dim3A_2125 : vector<16xi1>, vector<16xf32>
      %add3A_2127 = arith.addf %scan3A_2038, %select_n3A_2126 : vector<16xf32>
      %jit3A_2128 = arith.constant 0.000000e+00 : f32
      %broadcast_in_dim3A_2129 = vector.broadcast %jit3A_2128 : f32 to vector<16xf32>
      %select_n3A_2130 = arith.select %and3A_2117, %get3A_2072, %broadcast_in_dim3A_2129 : vector<16xi1>, vector<16xf32>
      %add3A_2131 = arith.addf %scan3A_2039, %select_n3A_2130 : vector<16xf32>
      %gt3A_2132 = arith.constant 0.272727281 : f32
      %gt3A_2133 = vector.broadcast %gt3A_2132 : f32 to vector<16xf32>
      %gt3A_2134 = arith.cmpf ogt, %get3A_2067, %gt3A_2133 : vector<16xf32>
      %le3A_2135 = arith.constant 0.363636374 : f32
      %le3A_2136 = vector.broadcast %le3A_2135 : f32 to vector<16xf32>
      %le3A_2137 = arith.cmpf ole, %get3A_2067, %le3A_2136 : vector<16xf32>
      %and3A_2138 = arith.andi %gt3A_2134, %le3A_2137 : vector<16xi1>
      %jit3A_2139 = arith.constant 1.000000e+00 : f32
      %jit3A_2140 = arith.constant 0.000000e+00 : f32
      %broadcast_in_dim3A_2141 = vector.broadcast %jit3A_2139 : f32 to vector<16xf32>
      %broadcast_in_dim3A_2142 = vector.broadcast %jit3A_2140 : f32 to vector<16xf32>
      %select_n3A_2143 = arith.select %and3A_2138, %broadcast_in_dim3A_2141, %broadcast_in_dim3A_2142 : vector<16xi1>, vector<16xf32>
      %add3A_2144 = arith.addf %scan3A_2040, %select_n3A_2143 : vector<16xf32>
      %jit3A_2145 = arith.constant 0.000000e+00 : f32
      %broadcast_in_dim3A_2146 = vector.broadcast %jit3A_2145 : f32 to vector<16xf32>
      %select_n3A_2147 = arith.select %and3A_2138, %get3A_2067, %broadcast_in_dim3A_2146 : vector<16xi1>, vector<16xf32>
      %add3A_2148 = arith.addf %scan3A_2041, %select_n3A_2147 : vector<16xf32>
      %jit3A_2149 = arith.constant 0.000000e+00 : f32
      %broadcast_in_dim3A_2150 = vector.broadcast %jit3A_2149 : f32 to vector<16xf32>
      %select_n3A_2151 = arith.select %and3A_2138, %get3A_2072, %broadcast_in_dim3A_2150 : vector<16xi1>, vector<16xf32>
      %add3A_2152 = arith.addf %scan3A_2042, %select_n3A_2151 : vector<16xf32>
      %gt3A_2153 = arith.constant 0.363636374 : f32
      %gt3A_2154 = vector.broadcast %gt3A_2153 : f32 to vector<16xf32>
      %gt3A_2155 = arith.cmpf ogt, %get3A_2067, %gt3A_2154 : vector<16xf32>
      %le3A_2156 = arith.constant 0.454545468 : f32
      %le3A_2157 = vector.broadcast %le3A_2156 : f32 to vector<16xf32>
      %le3A_2158 = arith.cmpf ole, %get3A_2067, %le3A_2157 : vector<16xf32>
      %and3A_2159 = arith.andi %gt3A_2155, %le3A_2158 : vector<16xi1>
      %jit3A_2160 = arith.constant 1.000000e+00 : f32
      %jit3A_2161 = arith.constant 0.000000e+00 : f32
      %broadcast_in_dim3A_2162 = vector.broadcast %jit3A_2160 : f32 to vector<16xf32>
      %broadcast_in_dim3A_2163 = vector.broadcast %jit3A_2161 : f32 to vector<16xf32>
      %select_n3A_2164 = arith.select %and3A_2159, %broadcast_in_dim3A_2162, %broadcast_in_dim3A_2163 : vector<16xi1>, vector<16xf32>
      %add3A_2165 = arith.addf %scan3A_2043, %select_n3A_2164 : vector<16xf32>
      %jit3A_2166 = arith.constant 0.000000e+00 : f32
      %broadcast_in_dim3A_2167 = vector.broadcast %jit3A_2166 : f32 to vector<16xf32>
      %select_n3A_2168 = arith.select %and3A_2159, %get3A_2067, %broadcast_in_dim3A_2167 : vector<16xi1>, vector<16xf32>
      %add3A_2169 = arith.addf %scan3A_2044, %select_n3A_2168 : vector<16xf32>
      %jit3A_2170 = arith.constant 0.000000e+00 : f32
      %broadcast_in_dim3A_2171 = vector.broadcast %jit3A_2170 : f32 to vector<16xf32>
      %select_n3A_2172 = arith.select %and3A_2159, %get3A_2072, %broadcast_in_dim3A_2171 : vector<16xi1>, vector<16xf32>
      %add3A_2173 = arith.addf %scan3A_2045, %select_n3A_2172 : vector<16xf32>
      %gt3A_2174 = arith.constant 0.454545468 : f32
      %gt3A_2175 = vector.broadcast %gt3A_2174 : f32 to vector<16xf32>
      %gt3A_2176 = arith.cmpf ogt, %get3A_2067, %gt3A_2175 : vector<16xf32>
      %le3A_2177 = arith.constant 0.545454562 : f32
      %le3A_2178 = vector.broadcast %le3A_2177 : f32 to vector<16xf32>
      %le3A_2179 = arith.cmpf ole, %get3A_2067, %le3A_2178 : vector<16xf32>
      %and3A_2180 = arith.andi %gt3A_2176, %le3A_2179 : vector<16xi1>
      %jit3A_2181 = arith.constant 1.000000e+00 : f32
      %jit3A_2182 = arith.constant 0.000000e+00 : f32
      %broadcast_in_dim3A_2183 = vector.broadcast %jit3A_2181 : f32 to vector<16xf32>
      %broadcast_in_dim3A_2184 = vector.broadcast %jit3A_2182 : f32 to vector<16xf32>
      %select_n3A_2185 = arith.select %and3A_2180, %broadcast_in_dim3A_2183, %broadcast_in_dim3A_2184 : vector<16xi1>, vector<16xf32>
      %add3A_2186 = arith.addf %scan3A_2046, %select_n3A_2185 : vector<16xf32>
      %jit3A_2187 = arith.constant 0.000000e+00 : f32
      %broadcast_in_dim3A_2188 = vector.broadcast %jit3A_2187 : f32 to vector<16xf32>
      %select_n3A_2189 = arith.select %and3A_2180, %get3A_2067, %broadcast_in_dim3A_2188 : vector<16xi1>, vector<16xf32>
      %add3A_2190 = arith.addf %scan3A_2047, %select_n3A_2189 : vector<16xf32>
      %jit3A_2191 = arith.constant 0.000000e+00 : f32
      %broadcast_in_dim3A_2192 = vector.broadcast %jit3A_2191 : f32 to vector<16xf32>
      %select_n3A_2193 = arith.select %and3A_2180, %get3A_2072, %broadcast_in_dim3A_2192 : vector<16xi1>, vector<16xf32>
      %add3A_2194 = arith.addf %scan3A_2048, %select_n3A_2193 : vector<16xf32>
      %gt3A_2195 = arith.constant 0.545454562 : f32
      %gt3A_2196 = vector.broadcast %gt3A_2195 : f32 to vector<16xf32>
      %gt3A_2197 = arith.cmpf ogt, %get3A_2067, %gt3A_2196 : vector<16xf32>
      %le3A_2198 = arith.constant 0.636363626 : f32
      %le3A_2199 = vector.broadcast %le3A_2198 : f32 to vector<16xf32>
      %le3A_2200 = arith.cmpf ole, %get3A_2067, %le3A_2199 : vector<16xf32>
      %and3A_2201 = arith.andi %gt3A_2197, %le3A_2200 : vector<16xi1>
      %jit3A_2202 = arith.constant 1.000000e+00 : f32
      %jit3A_2203 = arith.constant 0.000000e+00 : f32
      %broadcast_in_dim3A_2204 = vector.broadcast %jit3A_2202 : f32 to vector<16xf32>
      %broadcast_in_dim3A_2205 = vector.broadcast %jit3A_2203 : f32 to vector<16xf32>
      %select_n3A_2206 = arith.select %and3A_2201, %broadcast_in_dim3A_2204, %broadcast_in_dim3A_2205 : vector<16xi1>, vector<16xf32>
      %add3A_2207 = arith.addf %scan3A_2049, %select_n3A_2206 : vector<16xf32>
      %jit3A_2208 = arith.constant 0.000000e+00 : f32
      %broadcast_in_dim3A_2209 = vector.broadcast %jit3A_2208 : f32 to vector<16xf32>
      %select_n3A_2210 = arith.select %and3A_2201, %get3A_2067, %broadcast_in_dim3A_2209 : vector<16xi1>, vector<16xf32>
      %add3A_2211 = arith.addf %scan3A_2050, %select_n3A_2210 : vector<16xf32>
      %jit3A_2212 = arith.constant 0.000000e+00 : f32
      %broadcast_in_dim3A_2213 = vector.broadcast %jit3A_2212 : f32 to vector<16xf32>
      %select_n3A_2214 = arith.select %and3A_2201, %get3A_2072, %broadcast_in_dim3A_2213 : vector<16xi1>, vector<16xf32>
      %add3A_2215 = arith.addf %scan3A_2051, %select_n3A_2214 : vector<16xf32>
      %gt3A_2216 = arith.constant 0.636363626 : f32
      %gt3A_2217 = vector.broadcast %gt3A_2216 : f32 to vector<16xf32>
      %gt3A_2218 = arith.cmpf ogt, %get3A_2067, %gt3A_2217 : vector<16xf32>
      %le3A_2219 = arith.constant 0.727272749 : f32
      %le3A_2220 = vector.broadcast %le3A_2219 : f32 to vector<16xf32>
      %le3A_2221 = arith.cmpf ole, %get3A_2067, %le3A_2220 : vector<16xf32>
      %and3A_2222 = arith.andi %gt3A_2218, %le3A_2221 : vector<16xi1>
      %jit3A_2223 = arith.constant 1.000000e+00 : f32
      %jit3A_2224 = arith.constant 0.000000e+00 : f32
      %broadcast_in_dim3A_2225 = vector.broadcast %jit3A_2223 : f32 to vector<16xf32>
      %broadcast_in_dim3A_2226 = vector.broadcast %jit3A_2224 : f32 to vector<16xf32>
      %select_n3A_2227 = arith.select %and3A_2222, %broadcast_in_dim3A_2225, %broadcast_in_dim3A_2226 : vector<16xi1>, vector<16xf32>
      %add3A_2228 = arith.addf %scan3A_2052, %select_n3A_2227 : vector<16xf32>
      %jit3A_2229 = arith.constant 0.000000e+00 : f32
      %broadcast_in_dim3A_2230 = vector.broadcast %jit3A_2229 : f32 to vector<16xf32>
      %select_n3A_2231 = arith.select %and3A_2222, %get3A_2067, %broadcast_in_dim3A_2230 : vector<16xi1>, vector<16xf32>
      %add3A_2232 = arith.addf %scan3A_2053, %select_n3A_2231 : vector<16xf32>
      %jit3A_2233 = arith.constant 0.000000e+00 : f32
      %broadcast_in_dim3A_2234 = vector.broadcast %jit3A_2233 : f32 to vector<16xf32>
      %select_n3A_2235 = arith.select %and3A_2222, %get3A_2072, %broadcast_in_dim3A_2234 : vector<16xi1>, vector<16xf32>
      %add3A_2236 = arith.addf %scan3A_2054, %select_n3A_2235 : vector<16xf32>
      %gt3A_2237 = arith.constant 0.727272749 : f32
      %gt3A_2238 = vector.broadcast %gt3A_2237 : f32 to vector<16xf32>
      %gt3A_2239 = arith.cmpf ogt, %get3A_2067, %gt3A_2238 : vector<16xf32>
      %le3A_2240 = arith.constant 0.818181872 : f32
      %le3A_2241 = vector.broadcast %le3A_2240 : f32 to vector<16xf32>
      %le3A_2242 = arith.cmpf ole, %get3A_2067, %le3A_2241 : vector<16xf32>
      %and3A_2243 = arith.andi %gt3A_2239, %le3A_2242 : vector<16xi1>
      %jit3A_2244 = arith.constant 1.000000e+00 : f32
      %jit3A_2245 = arith.constant 0.000000e+00 : f32
      %broadcast_in_dim3A_2246 = vector.broadcast %jit3A_2244 : f32 to vector<16xf32>
      %broadcast_in_dim3A_2247 = vector.broadcast %jit3A_2245 : f32 to vector<16xf32>
      %select_n3A_2248 = arith.select %and3A_2243, %broadcast_in_dim3A_2246, %broadcast_in_dim3A_2247 : vector<16xi1>, vector<16xf32>
      %add3A_2249 = arith.addf %scan3A_2055, %select_n3A_2248 : vector<16xf32>
      %jit3A_2250 = arith.constant 0.000000e+00 : f32
      %broadcast_in_dim3A_2251 = vector.broadcast %jit3A_2250 : f32 to vector<16xf32>
      %select_n3A_2252 = arith.select %and3A_2243, %get3A_2067, %broadcast_in_dim3A_2251 : vector<16xi1>, vector<16xf32>
      %add3A_2253 = arith.addf %scan3A_2056, %select_n3A_2252 : vector<16xf32>
      %jit3A_2254 = arith.constant 0.000000e+00 : f32
      %broadcast_in_dim3A_2255 = vector.broadcast %jit3A_2254 : f32 to vector<16xf32>
      %select_n3A_2256 = arith.select %and3A_2243, %get3A_2072, %broadcast_in_dim3A_2255 : vector<16xi1>, vector<16xf32>
      %add3A_2257 = arith.addf %scan3A_2057, %select_n3A_2256 : vector<16xf32>
      %gt3A_2258 = arith.constant 0.818181872 : f32
      %gt3A_2259 = vector.broadcast %gt3A_2258 : f32 to vector<16xf32>
      %gt3A_2260 = arith.cmpf ogt, %get3A_2067, %gt3A_2259 : vector<16xf32>
      %le3A_2261 = arith.constant 0.909090936 : f32
      %le3A_2262 = vector.broadcast %le3A_2261 : f32 to vector<16xf32>
      %le3A_2263 = arith.cmpf ole, %get3A_2067, %le3A_2262 : vector<16xf32>
      %and3A_2264 = arith.andi %gt3A_2260, %le3A_2263 : vector<16xi1>
      %jit3A_2265 = arith.constant 1.000000e+00 : f32
      %jit3A_2266 = arith.constant 0.000000e+00 : f32
      %broadcast_in_dim3A_2267 = vector.broadcast %jit3A_2265 : f32 to vector<16xf32>
      %broadcast_in_dim3A_2268 = vector.broadcast %jit3A_2266 : f32 to vector<16xf32>
      %select_n3A_2269 = arith.select %and3A_2264, %broadcast_in_dim3A_2267, %broadcast_in_dim3A_2268 : vector<16xi1>, vector<16xf32>
      %add3A_2270 = arith.addf %scan3A_2058, %select_n3A_2269 : vector<16xf32>
      %jit3A_2271 = arith.constant 0.000000e+00 : f32
      %broadcast_in_dim3A_2272 = vector.broadcast %jit3A_2271 : f32 to vector<16xf32>
      %select_n3A_2273 = arith.select %and3A_2264, %get3A_2067, %broadcast_in_dim3A_2272 : vector<16xi1>, vector<16xf32>
      %add3A_2274 = arith.addf %scan3A_2059, %select_n3A_2273 : vector<16xf32>
      %jit3A_2275 = arith.constant 0.000000e+00 : f32
      %broadcast_in_dim3A_2276 = vector.broadcast %jit3A_2275 : f32 to vector<16xf32>
      %select_n3A_2277 = arith.select %and3A_2264, %get3A_2072, %broadcast_in_dim3A_2276 : vector<16xi1>, vector<16xf32>
      %add3A_2278 = arith.addf %scan3A_2060, %select_n3A_2277 : vector<16xf32>
      %gt3A_2279 = arith.constant 0.909090936 : f32
      %gt3A_2280 = vector.broadcast %gt3A_2279 : f32 to vector<16xf32>
      %gt3A_2281 = arith.cmpf ogt, %get3A_2067, %gt3A_2280 : vector<16xf32>
      %le3A_2282 = arith.constant 1.000000e+00 : f32
      %le3A_2283 = vector.broadcast %le3A_2282 : f32 to vector<16xf32>
      %le3A_2284 = arith.cmpf ole, %get3A_2067, %le3A_2283 : vector<16xf32>
      %and3A_2285 = arith.andi %gt3A_2281, %le3A_2284 : vector<16xi1>
      %jit3A_2286 = arith.constant 1.000000e+00 : f32
      %jit3A_2287 = arith.constant 0.000000e+00 : f32
      %broadcast_in_dim3A_2288 = vector.broadcast %jit3A_2286 : f32 to vector<16xf32>
      %broadcast_in_dim3A_2289 = vector.broadcast %jit3A_2287 : f32 to vector<16xf32>
      %select_n3A_2290 = arith.select %and3A_2285, %broadcast_in_dim3A_2288, %broadcast_in_dim3A_2289 : vector<16xi1>, vector<16xf32>
      %add3A_2291 = arith.addf %scan3A_2061, %select_n3A_2290 : vector<16xf32>
      %jit3A_2292 = arith.constant 0.000000e+00 : f32
      %broadcast_in_dim3A_2293 = vector.broadcast %jit3A_2292 : f32 to vector<16xf32>
      %select_n3A_2294 = arith.select %and3A_2285, %get3A_2067, %broadcast_in_dim3A_2293 : vector<16xi1>, vector<16xf32>
      %add3A_2295 = arith.addf %scan3A_2062, %select_n3A_2294 : vector<16xf32>
      %jit3A_2296 = arith.constant 0.000000e+00 : f32
      %broadcast_in_dim3A_2297 = vector.broadcast %jit3A_2296 : f32 to vector<16xf32>
      %select_n3A_2298 = arith.select %and3A_2285, %get3A_2072, %broadcast_in_dim3A_2297 : vector<16xi1>, vector<16xf32>
      %add3A_2299 = arith.addf %scan3A_2063, %select_n3A_2298 : vector<16xf32>
      scf.yield %add3A_2081, %add3A_2085, %add3A_2089, %add3A_2102, %add3A_2106, %add3A_2110, %add3A_2123, %add3A_2127, %add3A_2131, %add3A_2144, %add3A_2148, %add3A_2152, %add3A_2165, %add3A_2169, %add3A_2173, %add3A_2186, %add3A_2190, %add3A_2194, %add3A_2207, %add3A_2211, %add3A_2215, %add3A_2228, %add3A_2232, %add3A_2236, %add3A_2249, %add3A_2253, %add3A_2257, %add3A_2270, %add3A_2274, %add3A_2278, %add3A_2291, %add3A_2295, %add3A_2299 : vector<16xf32>, vector<16xf32>, vector<16xf32>, vector<16xf32>, vector<16xf32>, vector<16xf32>, vector<16xf32>, vector<16xf32>, vector<16xf32>, vector<16xf32>, vector<16xf32>, vector<16xf32>, vector<16xf32>, vector<16xf32>, vector<16xf32>, vector<16xf32>, vector<16xf32>, vector<16xf32>, vector<16xf32>, vector<16xf32>, vector<16xf32>, vector<16xf32>, vector<16xf32>, vector<16xf32>, vector<16xf32>, vector<16xf32>, vector<16xf32>, vector<16xf32>, vector<16xf32>, vector<16xf32>, vector<16xf32>, vector<16xf32>, vector<16xf32>
    }
    %scan3A_6 = arith.constant 64 : i32
    %iota3A = tpu.iota {dimensions = array<i32: 0>} : vector<16xi32>
    %eq3A = arith.constant 0 : i32
    %eq3A_7 = vector.broadcast %eq3A : i32 to vector<16xi32>
    %eq3A_8 = arith.cmpi eq, %iota3A, %eq3A_7 : vector<16xi32>
    %iota3A_9 = tpu.iota {dimensions = array<i32: 0>} : vector<16xi32>
    %xor3A = arith.constant 1 : i32
    %xor3A_10 = vector.broadcast %xor3A : i32 to vector<16xi32>
    %xor3A_11 = arith.xori %iota3A_9, %xor3A_10 : vector<16xi32>
    %lt3A = arith.constant 0 : i32
    %lt3A_12 = vector.broadcast %lt3A : i32 to vector<16xi32>
    %lt3A_13 = arith.cmpi slt, %xor3A_11, %lt3A_12 : vector<16xi32>
    %add3A = arith.constant 16 : i32
    %add3A_14 = vector.broadcast %add3A : i32 to vector<16xi32>
    %add3A_15 = arith.addi %xor3A_11, %add3A_14 : vector<16xi32>
    %select_n3A = arith.select %lt3A_13, %add3A_15, %xor3A_11 : vector<16xi1>, vector<16xi32>
    %broadcast_in_dim3A_16 = vector.shape_cast %select_n3A : vector<16xi32> to vector<16x1xi32>
    %gather3A = vector.shape_cast %broadcast_in_dim3A_16 : vector<16x1xi32> to vector<16xi32>
    %gather3A_17 = tpu.dynamic_gather %scan3A_5#0[%gather3A] in [0] : vector<16xf32>, vector<16xi32> -> vector<16xf32>
    %add3A_18 = arith.addf %scan3A_5#0, %gather3A_17 : vector<16xf32>
    %xor3A_19 = arith.constant 2 : i32
    %xor3A_20 = vector.broadcast %xor3A_19 : i32 to vector<16xi32>
    %xor3A_21 = arith.xori %iota3A_9, %xor3A_20 : vector<16xi32>
    %lt3A_22 = arith.constant 0 : i32
    %lt3A_23 = vector.broadcast %lt3A_22 : i32 to vector<16xi32>
    %lt3A_24 = arith.cmpi slt, %xor3A_21, %lt3A_23 : vector<16xi32>
    %add3A_25 = arith.constant 16 : i32
    %add3A_26 = vector.broadcast %add3A_25 : i32 to vector<16xi32>
    %add3A_27 = arith.addi %xor3A_21, %add3A_26 : vector<16xi32>
    %select_n3A_28 = arith.select %lt3A_24, %add3A_27, %xor3A_21 : vector<16xi1>, vector<16xi32>
    %broadcast_in_dim3A_29 = vector.shape_cast %select_n3A_28 : vector<16xi32> to vector<16x1xi32>
    %gather3A_30 = vector.shape_cast %broadcast_in_dim3A_29 : vector<16x1xi32> to vector<16xi32>
    %gather3A_31 = tpu.dynamic_gather %add3A_18[%gather3A_30] in [0] : vector<16xf32>, vector<16xi32> -> vector<16xf32>
    %add3A_32 = arith.addf %add3A_18, %gather3A_31 : vector<16xf32>
    %xor3A_33 = arith.constant 4 : i32
    %xor3A_34 = vector.broadcast %xor3A_33 : i32 to vector<16xi32>
    %xor3A_35 = arith.xori %iota3A_9, %xor3A_34 : vector<16xi32>
    %lt3A_36 = arith.constant 0 : i32
    %lt3A_37 = vector.broadcast %lt3A_36 : i32 to vector<16xi32>
    %lt3A_38 = arith.cmpi slt, %xor3A_35, %lt3A_37 : vector<16xi32>
    %add3A_39 = arith.constant 16 : i32
    %add3A_40 = vector.broadcast %add3A_39 : i32 to vector<16xi32>
    %add3A_41 = arith.addi %xor3A_35, %add3A_40 : vector<16xi32>
    %select_n3A_42 = arith.select %lt3A_38, %add3A_41, %xor3A_35 : vector<16xi1>, vector<16xi32>
    %broadcast_in_dim3A_43 = vector.shape_cast %select_n3A_42 : vector<16xi32> to vector<16x1xi32>
    %gather3A_44 = vector.shape_cast %broadcast_in_dim3A_43 : vector<16x1xi32> to vector<16xi32>
    %gather3A_45 = tpu.dynamic_gather %add3A_32[%gather3A_44] in [0] : vector<16xf32>, vector<16xi32> -> vector<16xf32>
    %add3A_46 = arith.addf %add3A_32, %gather3A_45 : vector<16xf32>
    %xor3A_47 = arith.constant 8 : i32
    %xor3A_48 = vector.broadcast %xor3A_47 : i32 to vector<16xi32>
    %xor3A_49 = arith.xori %iota3A_9, %xor3A_48 : vector<16xi32>
    %lt3A_50 = arith.constant 0 : i32
    %lt3A_51 = vector.broadcast %lt3A_50 : i32 to vector<16xi32>
    %lt3A_52 = arith.cmpi slt, %xor3A_49, %lt3A_51 : vector<16xi32>
    %add3A_53 = arith.constant 16 : i32
    %add3A_54 = vector.broadcast %add3A_53 : i32 to vector<16xi32>
    %add3A_55 = arith.addi %xor3A_49, %add3A_54 : vector<16xi32>
    %select_n3A_56 = arith.select %lt3A_52, %add3A_55, %xor3A_49 : vector<16xi1>, vector<16xi32>
    %broadcast_in_dim3A_57 = vector.shape_cast %select_n3A_56 : vector<16xi32> to vector<16x1xi32>
    %gather3A_58 = vector.shape_cast %broadcast_in_dim3A_57 : vector<16x1xi32> to vector<16xi32>
    %gather3A_59 = tpu.dynamic_gather %add3A_46[%gather3A_58] in [0] : vector<16xf32>, vector<16xi32> -> vector<16xf32>
    %add3A_60 = arith.addf %add3A_46, %gather3A_59 : vector<16xf32>
    %select_n3A_61 = arith.select %eq3A_8, %add3A_60, %broadcast_in_dim3A_1 : vector<16xi1>, vector<16xf32>
    %eq3A_62 = arith.constant 0 : i32
    %eq3A_63 = vector.broadcast %eq3A_62 : i32 to vector<16xi32>
    %eq3A_64 = arith.cmpi eq, %iota3A, %eq3A_63 : vector<16xi32>
    %iota3A_65 = tpu.iota {dimensions = array<i32: 0>} : vector<16xi32>
    %xor3A_66 = arith.constant 1 : i32
    %xor3A_67 = vector.broadcast %xor3A_66 : i32 to vector<16xi32>
    %xor3A_68 = arith.xori %iota3A_65, %xor3A_67 : vector<16xi32>
    %lt3A_69 = arith.constant 0 : i32
    %lt3A_70 = vector.broadcast %lt3A_69 : i32 to vector<16xi32>
    %lt3A_71 = arith.cmpi slt, %xor3A_68, %lt3A_70 : vector<16xi32>
    %add3A_72 = arith.constant 16 : i32
    %add3A_73 = vector.broadcast %add3A_72 : i32 to vector<16xi32>
    %add3A_74 = arith.addi %xor3A_68, %add3A_73 : vector<16xi32>
    %select_n3A_75 = arith.select %lt3A_71, %add3A_74, %xor3A_68 : vector<16xi1>, vector<16xi32>
    %broadcast_in_dim3A_76 = vector.shape_cast %select_n3A_75 : vector<16xi32> to vector<16x1xi32>
    %gather3A_77 = vector.shape_cast %broadcast_in_dim3A_76 : vector<16x1xi32> to vector<16xi32>
    %gather3A_78 = tpu.dynamic_gather %scan3A_5#1[%gather3A_77] in [0] : vector<16xf32>, vector<16xi32> -> vector<16xf32>
    %add3A_79 = arith.addf %scan3A_5#1, %gather3A_78 : vector<16xf32>
    %xor3A_80 = arith.constant 2 : i32
    %xor3A_81 = vector.broadcast %xor3A_80 : i32 to vector<16xi32>
    %xor3A_82 = arith.xori %iota3A_65, %xor3A_81 : vector<16xi32>
    %lt3A_83 = arith.constant 0 : i32
    %lt3A_84 = vector.broadcast %lt3A_83 : i32 to vector<16xi32>
    %lt3A_85 = arith.cmpi slt, %xor3A_82, %lt3A_84 : vector<16xi32>
    %add3A_86 = arith.constant 16 : i32
    %add3A_87 = vector.broadcast %add3A_86 : i32 to vector<16xi32>
    %add3A_88 = arith.addi %xor3A_82, %add3A_87 : vector<16xi32>
    %select_n3A_89 = arith.select %lt3A_85, %add3A_88, %xor3A_82 : vector<16xi1>, vector<16xi32>
    %broadcast_in_dim3A_90 = vector.shape_cast %select_n3A_89 : vector<16xi32> to vector<16x1xi32>
    %gather3A_91 = vector.shape_cast %broadcast_in_dim3A_90 : vector<16x1xi32> to vector<16xi32>
    %gather3A_92 = tpu.dynamic_gather %add3A_79[%gather3A_91] in [0] : vector<16xf32>, vector<16xi32> -> vector<16xf32>
    %add3A_93 = arith.addf %add3A_79, %gather3A_92 : vector<16xf32>
    %xor3A_94 = arith.constant 4 : i32
    %xor3A_95 = vector.broadcast %xor3A_94 : i32 to vector<16xi32>
    %xor3A_96 = arith.xori %iota3A_65, %xor3A_95 : vector<16xi32>
    %lt3A_97 = arith.constant 0 : i32
    %lt3A_98 = vector.broadcast %lt3A_97 : i32 to vector<16xi32>
    %lt3A_99 = arith.cmpi slt, %xor3A_96, %lt3A_98 : vector<16xi32>
    %add3A_100 = arith.constant 16 : i32
    %add3A_101 = vector.broadcast %add3A_100 : i32 to vector<16xi32>
    %add3A_102 = arith.addi %xor3A_96, %add3A_101 : vector<16xi32>
    %select_n3A_103 = arith.select %lt3A_99, %add3A_102, %xor3A_96 : vector<16xi1>, vector<16xi32>
    %broadcast_in_dim3A_104 = vector.shape_cast %select_n3A_103 : vector<16xi32> to vector<16x1xi32>
    %gather3A_105 = vector.shape_cast %broadcast_in_dim3A_104 : vector<16x1xi32> to vector<16xi32>
    %gather3A_106 = tpu.dynamic_gather %add3A_93[%gather3A_105] in [0] : vector<16xf32>, vector<16xi32> -> vector<16xf32>
    %add3A_107 = arith.addf %add3A_93, %gather3A_106 : vector<16xf32>
    %xor3A_108 = arith.constant 8 : i32
    %xor3A_109 = vector.broadcast %xor3A_108 : i32 to vector<16xi32>
    %xor3A_110 = arith.xori %iota3A_65, %xor3A_109 : vector<16xi32>
    %lt3A_111 = arith.constant 0 : i32
    %lt3A_112 = vector.broadcast %lt3A_111 : i32 to vector<16xi32>
    %lt3A_113 = arith.cmpi slt, %xor3A_110, %lt3A_112 : vector<16xi32>
    %add3A_114 = arith.constant 16 : i32
    %add3A_115 = vector.broadcast %add3A_114 : i32 to vector<16xi32>
    %add3A_116 = arith.addi %xor3A_110, %add3A_115 : vector<16xi32>
    %select_n3A_117 = arith.select %lt3A_113, %add3A_116, %xor3A_110 : vector<16xi1>, vector<16xi32>
    %broadcast_in_dim3A_118 = vector.shape_cast %select_n3A_117 : vector<16xi32> to vector<16x1xi32>
    %gather3A_119 = vector.shape_cast %broadcast_in_dim3A_118 : vector<16x1xi32> to vector<16xi32>
    %gather3A_120 = tpu.dynamic_gather %add3A_107[%gather3A_119] in [0] : vector<16xf32>, vector<16xi32> -> vector<16xf32>
    %add3A_121 = arith.addf %add3A_107, %gather3A_120 : vector<16xf32>
    %select_n3A_122 = arith.select %eq3A_64, %add3A_121, %broadcast_in_dim3A_1 : vector<16xi1>, vector<16xf32>
    %eq3A_123 = arith.constant 0 : i32
    %eq3A_124 = vector.broadcast %eq3A_123 : i32 to vector<16xi32>
    %eq3A_125 = arith.cmpi eq, %iota3A, %eq3A_124 : vector<16xi32>
    %iota3A_126 = tpu.iota {dimensions = array<i32: 0>} : vector<16xi32>
    %xor3A_127 = arith.constant 1 : i32
    %xor3A_128 = vector.broadcast %xor3A_127 : i32 to vector<16xi32>
    %xor3A_129 = arith.xori %iota3A_126, %xor3A_128 : vector<16xi32>
    %lt3A_130 = arith.constant 0 : i32
    %lt3A_131 = vector.broadcast %lt3A_130 : i32 to vector<16xi32>
    %lt3A_132 = arith.cmpi slt, %xor3A_129, %lt3A_131 : vector<16xi32>
    %add3A_133 = arith.constant 16 : i32
    %add3A_134 = vector.broadcast %add3A_133 : i32 to vector<16xi32>
    %add3A_135 = arith.addi %xor3A_129, %add3A_134 : vector<16xi32>
    %select_n3A_136 = arith.select %lt3A_132, %add3A_135, %xor3A_129 : vector<16xi1>, vector<16xi32>
    %broadcast_in_dim3A_137 = vector.shape_cast %select_n3A_136 : vector<16xi32> to vector<16x1xi32>
    %gather3A_138 = vector.shape_cast %broadcast_in_dim3A_137 : vector<16x1xi32> to vector<16xi32>
    %gather3A_139 = tpu.dynamic_gather %scan3A_5#2[%gather3A_138] in [0] : vector<16xf32>, vector<16xi32> -> vector<16xf32>
    %add3A_140 = arith.addf %scan3A_5#2, %gather3A_139 : vector<16xf32>
    %xor3A_141 = arith.constant 2 : i32
    %xor3A_142 = vector.broadcast %xor3A_141 : i32 to vector<16xi32>
    %xor3A_143 = arith.xori %iota3A_126, %xor3A_142 : vector<16xi32>
    %lt3A_144 = arith.constant 0 : i32
    %lt3A_145 = vector.broadcast %lt3A_144 : i32 to vector<16xi32>
    %lt3A_146 = arith.cmpi slt, %xor3A_143, %lt3A_145 : vector<16xi32>
    %add3A_147 = arith.constant 16 : i32
    %add3A_148 = vector.broadcast %add3A_147 : i32 to vector<16xi32>
    %add3A_149 = arith.addi %xor3A_143, %add3A_148 : vector<16xi32>
    %select_n3A_150 = arith.select %lt3A_146, %add3A_149, %xor3A_143 : vector<16xi1>, vector<16xi32>
    %broadcast_in_dim3A_151 = vector.shape_cast %select_n3A_150 : vector<16xi32> to vector<16x1xi32>
    %gather3A_152 = vector.shape_cast %broadcast_in_dim3A_151 : vector<16x1xi32> to vector<16xi32>
    %gather3A_153 = tpu.dynamic_gather %add3A_140[%gather3A_152] in [0] : vector<16xf32>, vector<16xi32> -> vector<16xf32>
    %add3A_154 = arith.addf %add3A_140, %gather3A_153 : vector<16xf32>
    %xor3A_155 = arith.constant 4 : i32
    %xor3A_156 = vector.broadcast %xor3A_155 : i32 to vector<16xi32>
    %xor3A_157 = arith.xori %iota3A_126, %xor3A_156 : vector<16xi32>
    %lt3A_158 = arith.constant 0 : i32
    %lt3A_159 = vector.broadcast %lt3A_158 : i32 to vector<16xi32>
    %lt3A_160 = arith.cmpi slt, %xor3A_157, %lt3A_159 : vector<16xi32>
    %add3A_161 = arith.constant 16 : i32
    %add3A_162 = vector.broadcast %add3A_161 : i32 to vector<16xi32>
    %add3A_163 = arith.addi %xor3A_157, %add3A_162 : vector<16xi32>
    %select_n3A_164 = arith.select %lt3A_160, %add3A_163, %xor3A_157 : vector<16xi1>, vector<16xi32>
    %broadcast_in_dim3A_165 = vector.shape_cast %select_n3A_164 : vector<16xi32> to vector<16x1xi32>
    %gather3A_166 = vector.shape_cast %broadcast_in_dim3A_165 : vector<16x1xi32> to vector<16xi32>
    %gather3A_167 = tpu.dynamic_gather %add3A_154[%gather3A_166] in [0] : vector<16xf32>, vector<16xi32> -> vector<16xf32>
    %add3A_168 = arith.addf %add3A_154, %gather3A_167 : vector<16xf32>
    %xor3A_169 = arith.constant 8 : i32
    %xor3A_170 = vector.broadcast %xor3A_169 : i32 to vector<16xi32>
    %xor3A_171 = arith.xori %iota3A_126, %xor3A_170 : vector<16xi32>
    %lt3A_172 = arith.constant 0 : i32
    %lt3A_173 = vector.broadcast %lt3A_172 : i32 to vector<16xi32>
    %lt3A_174 = arith.cmpi slt, %xor3A_171, %lt3A_173 : vector<16xi32>
    %add3A_175 = arith.constant 16 : i32
    %add3A_176 = vector.broadcast %add3A_175 : i32 to vector<16xi32>
    %add3A_177 = arith.addi %xor3A_171, %add3A_176 : vector<16xi32>
    %select_n3A_178 = arith.select %lt3A_174, %add3A_177, %xor3A_171 : vector<16xi1>, vector<16xi32>
    %broadcast_in_dim3A_179 = vector.shape_cast %select_n3A_178 : vector<16xi32> to vector<16x1xi32>
    %gather3A_180 = vector.shape_cast %broadcast_in_dim3A_179 : vector<16x1xi32> to vector<16xi32>
    %gather3A_181 = tpu.dynamic_gather %add3A_168[%gather3A_180] in [0] : vector<16xf32>, vector<16xi32> -> vector<16xf32>
    %add3A_182 = arith.addf %add3A_168, %gather3A_181 : vector<16xf32>
    %select_n3A_183 = arith.select %eq3A_125, %add3A_182, %broadcast_in_dim3A_1 : vector<16xi1>, vector<16xf32>
    %eq3A_184 = arith.constant 1 : i32
    %eq3A_185 = vector.broadcast %eq3A_184 : i32 to vector<16xi32>
    %eq3A_186 = arith.cmpi eq, %iota3A, %eq3A_185 : vector<16xi32>
    %iota3A_187 = tpu.iota {dimensions = array<i32: 0>} : vector<16xi32>
    %xor3A_188 = arith.constant 1 : i32
    %xor3A_189 = vector.broadcast %xor3A_188 : i32 to vector<16xi32>
    %xor3A_190 = arith.xori %iota3A_187, %xor3A_189 : vector<16xi32>
    %lt3A_191 = arith.constant 0 : i32
    %lt3A_192 = vector.broadcast %lt3A_191 : i32 to vector<16xi32>
    %lt3A_193 = arith.cmpi slt, %xor3A_190, %lt3A_192 : vector<16xi32>
    %add3A_194 = arith.constant 16 : i32
    %add3A_195 = vector.broadcast %add3A_194 : i32 to vector<16xi32>
    %add3A_196 = arith.addi %xor3A_190, %add3A_195 : vector<16xi32>
    %select_n3A_197 = arith.select %lt3A_193, %add3A_196, %xor3A_190 : vector<16xi1>, vector<16xi32>
    %broadcast_in_dim3A_198 = vector.shape_cast %select_n3A_197 : vector<16xi32> to vector<16x1xi32>
    %gather3A_199 = vector.shape_cast %broadcast_in_dim3A_198 : vector<16x1xi32> to vector<16xi32>
    %gather3A_200 = tpu.dynamic_gather %scan3A_5#3[%gather3A_199] in [0] : vector<16xf32>, vector<16xi32> -> vector<16xf32>
    %add3A_201 = arith.addf %scan3A_5#3, %gather3A_200 : vector<16xf32>
    %xor3A_202 = arith.constant 2 : i32
    %xor3A_203 = vector.broadcast %xor3A_202 : i32 to vector<16xi32>
    %xor3A_204 = arith.xori %iota3A_187, %xor3A_203 : vector<16xi32>
    %lt3A_205 = arith.constant 0 : i32
    %lt3A_206 = vector.broadcast %lt3A_205 : i32 to vector<16xi32>
    %lt3A_207 = arith.cmpi slt, %xor3A_204, %lt3A_206 : vector<16xi32>
    %add3A_208 = arith.constant 16 : i32
    %add3A_209 = vector.broadcast %add3A_208 : i32 to vector<16xi32>
    %add3A_210 = arith.addi %xor3A_204, %add3A_209 : vector<16xi32>
    %select_n3A_211 = arith.select %lt3A_207, %add3A_210, %xor3A_204 : vector<16xi1>, vector<16xi32>
    %broadcast_in_dim3A_212 = vector.shape_cast %select_n3A_211 : vector<16xi32> to vector<16x1xi32>
    %gather3A_213 = vector.shape_cast %broadcast_in_dim3A_212 : vector<16x1xi32> to vector<16xi32>
    %gather3A_214 = tpu.dynamic_gather %add3A_201[%gather3A_213] in [0] : vector<16xf32>, vector<16xi32> -> vector<16xf32>
    %add3A_215 = arith.addf %add3A_201, %gather3A_214 : vector<16xf32>
    %xor3A_216 = arith.constant 4 : i32
    %xor3A_217 = vector.broadcast %xor3A_216 : i32 to vector<16xi32>
    %xor3A_218 = arith.xori %iota3A_187, %xor3A_217 : vector<16xi32>
    %lt3A_219 = arith.constant 0 : i32
    %lt3A_220 = vector.broadcast %lt3A_219 : i32 to vector<16xi32>
    %lt3A_221 = arith.cmpi slt, %xor3A_218, %lt3A_220 : vector<16xi32>
    %add3A_222 = arith.constant 16 : i32
    %add3A_223 = vector.broadcast %add3A_222 : i32 to vector<16xi32>
    %add3A_224 = arith.addi %xor3A_218, %add3A_223 : vector<16xi32>
    %select_n3A_225 = arith.select %lt3A_221, %add3A_224, %xor3A_218 : vector<16xi1>, vector<16xi32>
    %broadcast_in_dim3A_226 = vector.shape_cast %select_n3A_225 : vector<16xi32> to vector<16x1xi32>
    %gather3A_227 = vector.shape_cast %broadcast_in_dim3A_226 : vector<16x1xi32> to vector<16xi32>
    %gather3A_228 = tpu.dynamic_gather %add3A_215[%gather3A_227] in [0] : vector<16xf32>, vector<16xi32> -> vector<16xf32>
    %add3A_229 = arith.addf %add3A_215, %gather3A_228 : vector<16xf32>
    %xor3A_230 = arith.constant 8 : i32
    %xor3A_231 = vector.broadcast %xor3A_230 : i32 to vector<16xi32>
    %xor3A_232 = arith.xori %iota3A_187, %xor3A_231 : vector<16xi32>
    %lt3A_233 = arith.constant 0 : i32
    %lt3A_234 = vector.broadcast %lt3A_233 : i32 to vector<16xi32>
    %lt3A_235 = arith.cmpi slt, %xor3A_232, %lt3A_234 : vector<16xi32>
    %add3A_236 = arith.constant 16 : i32
    %add3A_237 = vector.broadcast %add3A_236 : i32 to vector<16xi32>
    %add3A_238 = arith.addi %xor3A_232, %add3A_237 : vector<16xi32>
    %select_n3A_239 = arith.select %lt3A_235, %add3A_238, %xor3A_232 : vector<16xi1>, vector<16xi32>
    %broadcast_in_dim3A_240 = vector.shape_cast %select_n3A_239 : vector<16xi32> to vector<16x1xi32>
    %gather3A_241 = vector.shape_cast %broadcast_in_dim3A_240 : vector<16x1xi32> to vector<16xi32>
    %gather3A_242 = tpu.dynamic_gather %add3A_229[%gather3A_241] in [0] : vector<16xf32>, vector<16xi32> -> vector<16xf32>
    %add3A_243 = arith.addf %add3A_229, %gather3A_242 : vector<16xf32>
    %select_n3A_244 = arith.select %eq3A_186, %add3A_243, %select_n3A_61 : vector<16xi1>, vector<16xf32>
    %eq3A_245 = arith.constant 1 : i32
    %eq3A_246 = vector.broadcast %eq3A_245 : i32 to vector<16xi32>
    %eq3A_247 = arith.cmpi eq, %iota3A, %eq3A_246 : vector<16xi32>
    %iota3A_248 = tpu.iota {dimensions = array<i32: 0>} : vector<16xi32>
    %xor3A_249 = arith.constant 1 : i32
    %xor3A_250 = vector.broadcast %xor3A_249 : i32 to vector<16xi32>
    %xor3A_251 = arith.xori %iota3A_248, %xor3A_250 : vector<16xi32>
    %lt3A_252 = arith.constant 0 : i32
    %lt3A_253 = vector.broadcast %lt3A_252 : i32 to vector<16xi32>
    %lt3A_254 = arith.cmpi slt, %xor3A_251, %lt3A_253 : vector<16xi32>
    %add3A_255 = arith.constant 16 : i32
    %add3A_256 = vector.broadcast %add3A_255 : i32 to vector<16xi32>
    %add3A_257 = arith.addi %xor3A_251, %add3A_256 : vector<16xi32>
    %select_n3A_258 = arith.select %lt3A_254, %add3A_257, %xor3A_251 : vector<16xi1>, vector<16xi32>
    %broadcast_in_dim3A_259 = vector.shape_cast %select_n3A_258 : vector<16xi32> to vector<16x1xi32>
    %gather3A_260 = vector.shape_cast %broadcast_in_dim3A_259 : vector<16x1xi32> to vector<16xi32>
    %gather3A_261 = tpu.dynamic_gather %scan3A_5#4[%gather3A_260] in [0] : vector<16xf32>, vector<16xi32> -> vector<16xf32>
    %add3A_262 = arith.addf %scan3A_5#4, %gather3A_261 : vector<16xf32>
    %xor3A_263 = arith.constant 2 : i32
    %xor3A_264 = vector.broadcast %xor3A_263 : i32 to vector<16xi32>
    %xor3A_265 = arith.xori %iota3A_248, %xor3A_264 : vector<16xi32>
    %lt3A_266 = arith.constant 0 : i32
    %lt3A_267 = vector.broadcast %lt3A_266 : i32 to vector<16xi32>
    %lt3A_268 = arith.cmpi slt, %xor3A_265, %lt3A_267 : vector<16xi32>
    %add3A_269 = arith.constant 16 : i32
    %add3A_270 = vector.broadcast %add3A_269 : i32 to vector<16xi32>
    %add3A_271 = arith.addi %xor3A_265, %add3A_270 : vector<16xi32>
    %select_n3A_272 = arith.select %lt3A_268, %add3A_271, %xor3A_265 : vector<16xi1>, vector<16xi32>
    %broadcast_in_dim3A_273 = vector.shape_cast %select_n3A_272 : vector<16xi32> to vector<16x1xi32>
    %gather3A_274 = vector.shape_cast %broadcast_in_dim3A_273 : vector<16x1xi32> to vector<16xi32>
    %gather3A_275 = tpu.dynamic_gather %add3A_262[%gather3A_274] in [0] : vector<16xf32>, vector<16xi32> -> vector<16xf32>
    %add3A_276 = arith.addf %add3A_262, %gather3A_275 : vector<16xf32>
    %xor3A_277 = arith.constant 4 : i32
    %xor3A_278 = vector.broadcast %xor3A_277 : i32 to vector<16xi32>
    %xor3A_279 = arith.xori %iota3A_248, %xor3A_278 : vector<16xi32>
    %lt3A_280 = arith.constant 0 : i32
    %lt3A_281 = vector.broadcast %lt3A_280 : i32 to vector<16xi32>
    %lt3A_282 = arith.cmpi slt, %xor3A_279, %lt3A_281 : vector<16xi32>
    %add3A_283 = arith.constant 16 : i32
    %add3A_284 = vector.broadcast %add3A_283 : i32 to vector<16xi32>
    %add3A_285 = arith.addi %xor3A_279, %add3A_284 : vector<16xi32>
    %select_n3A_286 = arith.select %lt3A_282, %add3A_285, %xor3A_279 : vector<16xi1>, vector<16xi32>
    %broadcast_in_dim3A_287 = vector.shape_cast %select_n3A_286 : vector<16xi32> to vector<16x1xi32>
    %gather3A_288 = vector.shape_cast %broadcast_in_dim3A_287 : vector<16x1xi32> to vector<16xi32>
    %gather3A_289 = tpu.dynamic_gather %add3A_276[%gather3A_288] in [0] : vector<16xf32>, vector<16xi32> -> vector<16xf32>
    %add3A_290 = arith.addf %add3A_276, %gather3A_289 : vector<16xf32>
    %xor3A_291 = arith.constant 8 : i32
    %xor3A_292 = vector.broadcast %xor3A_291 : i32 to vector<16xi32>
    %xor3A_293 = arith.xori %iota3A_248, %xor3A_292 : vector<16xi32>
    %lt3A_294 = arith.constant 0 : i32
    %lt3A_295 = vector.broadcast %lt3A_294 : i32 to vector<16xi32>
    %lt3A_296 = arith.cmpi slt, %xor3A_293, %lt3A_295 : vector<16xi32>
    %add3A_297 = arith.constant 16 : i32
    %add3A_298 = vector.broadcast %add3A_297 : i32 to vector<16xi32>
    %add3A_299 = arith.addi %xor3A_293, %add3A_298 : vector<16xi32>
    %select_n3A_300 = arith.select %lt3A_296, %add3A_299, %xor3A_293 : vector<16xi1>, vector<16xi32>
    %broadcast_in_dim3A_301 = vector.shape_cast %select_n3A_300 : vector<16xi32> to vector<16x1xi32>
    %gather3A_302 = vector.shape_cast %broadcast_in_dim3A_301 : vector<16x1xi32> to vector<16xi32>
    %gather3A_303 = tpu.dynamic_gather %add3A_290[%gather3A_302] in [0] : vector<16xf32>, vector<16xi32> -> vector<16xf32>
    %add3A_304 = arith.addf %add3A_290, %gather3A_303 : vector<16xf32>
    %select_n3A_305 = arith.select %eq3A_247, %add3A_304, %select_n3A_122 : vector<16xi1>, vector<16xf32>
    %eq3A_306 = arith.constant 1 : i32
    %eq3A_307 = vector.broadcast %eq3A_306 : i32 to vector<16xi32>
    %eq3A_308 = arith.cmpi eq, %iota3A, %eq3A_307 : vector<16xi32>
    %iota3A_309 = tpu.iota {dimensions = array<i32: 0>} : vector<16xi32>
    %xor3A_310 = arith.constant 1 : i32
    %xor3A_311 = vector.broadcast %xor3A_310 : i32 to vector<16xi32>
    %xor3A_312 = arith.xori %iota3A_309, %xor3A_311 : vector<16xi32>
    %lt3A_313 = arith.constant 0 : i32
    %lt3A_314 = vector.broadcast %lt3A_313 : i32 to vector<16xi32>
    %lt3A_315 = arith.cmpi slt, %xor3A_312, %lt3A_314 : vector<16xi32>
    %add3A_316 = arith.constant 16 : i32
    %add3A_317 = vector.broadcast %add3A_316 : i32 to vector<16xi32>
    %add3A_318 = arith.addi %xor3A_312, %add3A_317 : vector<16xi32>
    %select_n3A_319 = arith.select %lt3A_315, %add3A_318, %xor3A_312 : vector<16xi1>, vector<16xi32>
    %broadcast_in_dim3A_320 = vector.shape_cast %select_n3A_319 : vector<16xi32> to vector<16x1xi32>
    %gather3A_321 = vector.shape_cast %broadcast_in_dim3A_320 : vector<16x1xi32> to vector<16xi32>
    %gather3A_322 = tpu.dynamic_gather %scan3A_5#5[%gather3A_321] in [0] : vector<16xf32>, vector<16xi32> -> vector<16xf32>
    %add3A_323 = arith.addf %scan3A_5#5, %gather3A_322 : vector<16xf32>
    %xor3A_324 = arith.constant 2 : i32
    %xor3A_325 = vector.broadcast %xor3A_324 : i32 to vector<16xi32>
    %xor3A_326 = arith.xori %iota3A_309, %xor3A_325 : vector<16xi32>
    %lt3A_327 = arith.constant 0 : i32
    %lt3A_328 = vector.broadcast %lt3A_327 : i32 to vector<16xi32>
    %lt3A_329 = arith.cmpi slt, %xor3A_326, %lt3A_328 : vector<16xi32>
    %add3A_330 = arith.constant 16 : i32
    %add3A_331 = vector.broadcast %add3A_330 : i32 to vector<16xi32>
    %add3A_332 = arith.addi %xor3A_326, %add3A_331 : vector<16xi32>
    %select_n3A_333 = arith.select %lt3A_329, %add3A_332, %xor3A_326 : vector<16xi1>, vector<16xi32>
    %broadcast_in_dim3A_334 = vector.shape_cast %select_n3A_333 : vector<16xi32> to vector<16x1xi32>
    %gather3A_335 = vector.shape_cast %broadcast_in_dim3A_334 : vector<16x1xi32> to vector<16xi32>
    %gather3A_336 = tpu.dynamic_gather %add3A_323[%gather3A_335] in [0] : vector<16xf32>, vector<16xi32> -> vector<16xf32>
    %add3A_337 = arith.addf %add3A_323, %gather3A_336 : vector<16xf32>
    %xor3A_338 = arith.constant 4 : i32
    %xor3A_339 = vector.broadcast %xor3A_338 : i32 to vector<16xi32>
    %xor3A_340 = arith.xori %iota3A_309, %xor3A_339 : vector<16xi32>
    %lt3A_341 = arith.constant 0 : i32
    %lt3A_342 = vector.broadcast %lt3A_341 : i32 to vector<16xi32>
    %lt3A_343 = arith.cmpi slt, %xor3A_340, %lt3A_342 : vector<16xi32>
    %add3A_344 = arith.constant 16 : i32
    %add3A_345 = vector.broadcast %add3A_344 : i32 to vector<16xi32>
    %add3A_346 = arith.addi %xor3A_340, %add3A_345 : vector<16xi32>
    %select_n3A_347 = arith.select %lt3A_343, %add3A_346, %xor3A_340 : vector<16xi1>, vector<16xi32>
    %broadcast_in_dim3A_348 = vector.shape_cast %select_n3A_347 : vector<16xi32> to vector<16x1xi32>
    %gather3A_349 = vector.shape_cast %broadcast_in_dim3A_348 : vector<16x1xi32> to vector<16xi32>
    %gather3A_350 = tpu.dynamic_gather %add3A_337[%gather3A_349] in [0] : vector<16xf32>, vector<16xi32> -> vector<16xf32>
    %add3A_351 = arith.addf %add3A_337, %gather3A_350 : vector<16xf32>
    %xor3A_352 = arith.constant 8 : i32
    %xor3A_353 = vector.broadcast %xor3A_352 : i32 to vector<16xi32>
    %xor3A_354 = arith.xori %iota3A_309, %xor3A_353 : vector<16xi32>
    %lt3A_355 = arith.constant 0 : i32
    %lt3A_356 = vector.broadcast %lt3A_355 : i32 to vector<16xi32>
    %lt3A_357 = arith.cmpi slt, %xor3A_354, %lt3A_356 : vector<16xi32>
    %add3A_358 = arith.constant 16 : i32
    %add3A_359 = vector.broadcast %add3A_358 : i32 to vector<16xi32>
    %add3A_360 = arith.addi %xor3A_354, %add3A_359 : vector<16xi32>
    %select_n3A_361 = arith.select %lt3A_357, %add3A_360, %xor3A_354 : vector<16xi1>, vector<16xi32>
    %broadcast_in_dim3A_362 = vector.shape_cast %select_n3A_361 : vector<16xi32> to vector<16x1xi32>
    %gather3A_363 = vector.shape_cast %broadcast_in_dim3A_362 : vector<16x1xi32> to vector<16xi32>
    %gather3A_364 = tpu.dynamic_gather %add3A_351[%gather3A_363] in [0] : vector<16xf32>, vector<16xi32> -> vector<16xf32>
    %add3A_365 = arith.addf %add3A_351, %gather3A_364 : vector<16xf32>
    %select_n3A_366 = arith.select %eq3A_308, %add3A_365, %select_n3A_183 : vector<16xi1>, vector<16xf32>
    %eq3A_367 = arith.constant 2 : i32
    %eq3A_368 = vector.broadcast %eq3A_367 : i32 to vector<16xi32>
    %eq3A_369 = arith.cmpi eq, %iota3A, %eq3A_368 : vector<16xi32>
    %iota3A_370 = tpu.iota {dimensions = array<i32: 0>} : vector<16xi32>
    %xor3A_371 = arith.constant 1 : i32
    %xor3A_372 = vector.broadcast %xor3A_371 : i32 to vector<16xi32>
    %xor3A_373 = arith.xori %iota3A_370, %xor3A_372 : vector<16xi32>
    %lt3A_374 = arith.constant 0 : i32
    %lt3A_375 = vector.broadcast %lt3A_374 : i32 to vector<16xi32>
    %lt3A_376 = arith.cmpi slt, %xor3A_373, %lt3A_375 : vector<16xi32>
    %add3A_377 = arith.constant 16 : i32
    %add3A_378 = vector.broadcast %add3A_377 : i32 to vector<16xi32>
    %add3A_379 = arith.addi %xor3A_373, %add3A_378 : vector<16xi32>
    %select_n3A_380 = arith.select %lt3A_376, %add3A_379, %xor3A_373 : vector<16xi1>, vector<16xi32>
    %broadcast_in_dim3A_381 = vector.shape_cast %select_n3A_380 : vector<16xi32> to vector<16x1xi32>
    %gather3A_382 = vector.shape_cast %broadcast_in_dim3A_381 : vector<16x1xi32> to vector<16xi32>
    %gather3A_383 = tpu.dynamic_gather %scan3A_5#6[%gather3A_382] in [0] : vector<16xf32>, vector<16xi32> -> vector<16xf32>
    %add3A_384 = arith.addf %scan3A_5#6, %gather3A_383 : vector<16xf32>
    %xor3A_385 = arith.constant 2 : i32
    %xor3A_386 = vector.broadcast %xor3A_385 : i32 to vector<16xi32>
    %xor3A_387 = arith.xori %iota3A_370, %xor3A_386 : vector<16xi32>
    %lt3A_388 = arith.constant 0 : i32
    %lt3A_389 = vector.broadcast %lt3A_388 : i32 to vector<16xi32>
    %lt3A_390 = arith.cmpi slt, %xor3A_387, %lt3A_389 : vector<16xi32>
    %add3A_391 = arith.constant 16 : i32
    %add3A_392 = vector.broadcast %add3A_391 : i32 to vector<16xi32>
    %add3A_393 = arith.addi %xor3A_387, %add3A_392 : vector<16xi32>
    %select_n3A_394 = arith.select %lt3A_390, %add3A_393, %xor3A_387 : vector<16xi1>, vector<16xi32>
    %broadcast_in_dim3A_395 = vector.shape_cast %select_n3A_394 : vector<16xi32> to vector<16x1xi32>
    %gather3A_396 = vector.shape_cast %broadcast_in_dim3A_395 : vector<16x1xi32> to vector<16xi32>
    %gather3A_397 = tpu.dynamic_gather %add3A_384[%gather3A_396] in [0] : vector<16xf32>, vector<16xi32> -> vector<16xf32>
    %add3A_398 = arith.addf %add3A_384, %gather3A_397 : vector<16xf32>
    %xor3A_399 = arith.constant 4 : i32
    %xor3A_400 = vector.broadcast %xor3A_399 : i32 to vector<16xi32>
    %xor3A_401 = arith.xori %iota3A_370, %xor3A_400 : vector<16xi32>
    %lt3A_402 = arith.constant 0 : i32
    %lt3A_403 = vector.broadcast %lt3A_402 : i32 to vector<16xi32>
    %lt3A_404 = arith.cmpi slt, %xor3A_401, %lt3A_403 : vector<16xi32>
    %add3A_405 = arith.constant 16 : i32
    %add3A_406 = vector.broadcast %add3A_405 : i32 to vector<16xi32>
    %add3A_407 = arith.addi %xor3A_401, %add3A_406 : vector<16xi32>
    %select_n3A_408 = arith.select %lt3A_404, %add3A_407, %xor3A_401 : vector<16xi1>, vector<16xi32>
    %broadcast_in_dim3A_409 = vector.shape_cast %select_n3A_408 : vector<16xi32> to vector<16x1xi32>
    %gather3A_410 = vector.shape_cast %broadcast_in_dim3A_409 : vector<16x1xi32> to vector<16xi32>
    %gather3A_411 = tpu.dynamic_gather %add3A_398[%gather3A_410] in [0] : vector<16xf32>, vector<16xi32> -> vector<16xf32>
    %add3A_412 = arith.addf %add3A_398, %gather3A_411 : vector<16xf32>
    %xor3A_413 = arith.constant 8 : i32
    %xor3A_414 = vector.broadcast %xor3A_413 : i32 to vector<16xi32>
    %xor3A_415 = arith.xori %iota3A_370, %xor3A_414 : vector<16xi32>
    %lt3A_416 = arith.constant 0 : i32
    %lt3A_417 = vector.broadcast %lt3A_416 : i32 to vector<16xi32>
    %lt3A_418 = arith.cmpi slt, %xor3A_415, %lt3A_417 : vector<16xi32>
    %add3A_419 = arith.constant 16 : i32
    %add3A_420 = vector.broadcast %add3A_419 : i32 to vector<16xi32>
    %add3A_421 = arith.addi %xor3A_415, %add3A_420 : vector<16xi32>
    %select_n3A_422 = arith.select %lt3A_418, %add3A_421, %xor3A_415 : vector<16xi1>, vector<16xi32>
    %broadcast_in_dim3A_423 = vector.shape_cast %select_n3A_422 : vector<16xi32> to vector<16x1xi32>
    %gather3A_424 = vector.shape_cast %broadcast_in_dim3A_423 : vector<16x1xi32> to vector<16xi32>
    %gather3A_425 = tpu.dynamic_gather %add3A_412[%gather3A_424] in [0] : vector<16xf32>, vector<16xi32> -> vector<16xf32>
    %add3A_426 = arith.addf %add3A_412, %gather3A_425 : vector<16xf32>
    %select_n3A_427 = arith.select %eq3A_369, %add3A_426, %select_n3A_244 : vector<16xi1>, vector<16xf32>
    %eq3A_428 = arith.constant 2 : i32
    %eq3A_429 = vector.broadcast %eq3A_428 : i32 to vector<16xi32>
    %eq3A_430 = arith.cmpi eq, %iota3A, %eq3A_429 : vector<16xi32>
    %iota3A_431 = tpu.iota {dimensions = array<i32: 0>} : vector<16xi32>
    %xor3A_432 = arith.constant 1 : i32
    %xor3A_433 = vector.broadcast %xor3A_432 : i32 to vector<16xi32>
    %xor3A_434 = arith.xori %iota3A_431, %xor3A_433 : vector<16xi32>
    %lt3A_435 = arith.constant 0 : i32
    %lt3A_436 = vector.broadcast %lt3A_435 : i32 to vector<16xi32>
    %lt3A_437 = arith.cmpi slt, %xor3A_434, %lt3A_436 : vector<16xi32>
    %add3A_438 = arith.constant 16 : i32
    %add3A_439 = vector.broadcast %add3A_438 : i32 to vector<16xi32>
    %add3A_440 = arith.addi %xor3A_434, %add3A_439 : vector<16xi32>
    %select_n3A_441 = arith.select %lt3A_437, %add3A_440, %xor3A_434 : vector<16xi1>, vector<16xi32>
    %broadcast_in_dim3A_442 = vector.shape_cast %select_n3A_441 : vector<16xi32> to vector<16x1xi32>
    %gather3A_443 = vector.shape_cast %broadcast_in_dim3A_442 : vector<16x1xi32> to vector<16xi32>
    %gather3A_444 = tpu.dynamic_gather %scan3A_5#7[%gather3A_443] in [0] : vector<16xf32>, vector<16xi32> -> vector<16xf32>
    %add3A_445 = arith.addf %scan3A_5#7, %gather3A_444 : vector<16xf32>
    %xor3A_446 = arith.constant 2 : i32
    %xor3A_447 = vector.broadcast %xor3A_446 : i32 to vector<16xi32>
    %xor3A_448 = arith.xori %iota3A_431, %xor3A_447 : vector<16xi32>
    %lt3A_449 = arith.constant 0 : i32
    %lt3A_450 = vector.broadcast %lt3A_449 : i32 to vector<16xi32>
    %lt3A_451 = arith.cmpi slt, %xor3A_448, %lt3A_450 : vector<16xi32>
    %add3A_452 = arith.constant 16 : i32
    %add3A_453 = vector.broadcast %add3A_452 : i32 to vector<16xi32>
    %add3A_454 = arith.addi %xor3A_448, %add3A_453 : vector<16xi32>
    %select_n3A_455 = arith.select %lt3A_451, %add3A_454, %xor3A_448 : vector<16xi1>, vector<16xi32>
    %broadcast_in_dim3A_456 = vector.shape_cast %select_n3A_455 : vector<16xi32> to vector<16x1xi32>
    %gather3A_457 = vector.shape_cast %broadcast_in_dim3A_456 : vector<16x1xi32> to vector<16xi32>
    %gather3A_458 = tpu.dynamic_gather %add3A_445[%gather3A_457] in [0] : vector<16xf32>, vector<16xi32> -> vector<16xf32>
    %add3A_459 = arith.addf %add3A_445, %gather3A_458 : vector<16xf32>
    %xor3A_460 = arith.constant 4 : i32
    %xor3A_461 = vector.broadcast %xor3A_460 : i32 to vector<16xi32>
    %xor3A_462 = arith.xori %iota3A_431, %xor3A_461 : vector<16xi32>
    %lt3A_463 = arith.constant 0 : i32
    %lt3A_464 = vector.broadcast %lt3A_463 : i32 to vector<16xi32>
    %lt3A_465 = arith.cmpi slt, %xor3A_462, %lt3A_464 : vector<16xi32>
    %add3A_466 = arith.constant 16 : i32
    %add3A_467 = vector.broadcast %add3A_466 : i32 to vector<16xi32>
    %add3A_468 = arith.addi %xor3A_462, %add3A_467 : vector<16xi32>
    %select_n3A_469 = arith.select %lt3A_465, %add3A_468, %xor3A_462 : vector<16xi1>, vector<16xi32>
    %broadcast_in_dim3A_470 = vector.shape_cast %select_n3A_469 : vector<16xi32> to vector<16x1xi32>
    %gather3A_471 = vector.shape_cast %broadcast_in_dim3A_470 : vector<16x1xi32> to vector<16xi32>
    %gather3A_472 = tpu.dynamic_gather %add3A_459[%gather3A_471] in [0] : vector<16xf32>, vector<16xi32> -> vector<16xf32>
    %add3A_473 = arith.addf %add3A_459, %gather3A_472 : vector<16xf32>
    %xor3A_474 = arith.constant 8 : i32
    %xor3A_475 = vector.broadcast %xor3A_474 : i32 to vector<16xi32>
    %xor3A_476 = arith.xori %iota3A_431, %xor3A_475 : vector<16xi32>
    %lt3A_477 = arith.constant 0 : i32
    %lt3A_478 = vector.broadcast %lt3A_477 : i32 to vector<16xi32>
    %lt3A_479 = arith.cmpi slt, %xor3A_476, %lt3A_478 : vector<16xi32>
    %add3A_480 = arith.constant 16 : i32
    %add3A_481 = vector.broadcast %add3A_480 : i32 to vector<16xi32>
    %add3A_482 = arith.addi %xor3A_476, %add3A_481 : vector<16xi32>
    %select_n3A_483 = arith.select %lt3A_479, %add3A_482, %xor3A_476 : vector<16xi1>, vector<16xi32>
    %broadcast_in_dim3A_484 = vector.shape_cast %select_n3A_483 : vector<16xi32> to vector<16x1xi32>
    %gather3A_485 = vector.shape_cast %broadcast_in_dim3A_484 : vector<16x1xi32> to vector<16xi32>
    %gather3A_486 = tpu.dynamic_gather %add3A_473[%gather3A_485] in [0] : vector<16xf32>, vector<16xi32> -> vector<16xf32>
    %add3A_487 = arith.addf %add3A_473, %gather3A_486 : vector<16xf32>
    %select_n3A_488 = arith.select %eq3A_430, %add3A_487, %select_n3A_305 : vector<16xi1>, vector<16xf32>
    %eq3A_489 = arith.constant 2 : i32
    %eq3A_490 = vector.broadcast %eq3A_489 : i32 to vector<16xi32>
    %eq3A_491 = arith.cmpi eq, %iota3A, %eq3A_490 : vector<16xi32>
    %iota3A_492 = tpu.iota {dimensions = array<i32: 0>} : vector<16xi32>
    %xor3A_493 = arith.constant 1 : i32
    %xor3A_494 = vector.broadcast %xor3A_493 : i32 to vector<16xi32>
    %xor3A_495 = arith.xori %iota3A_492, %xor3A_494 : vector<16xi32>
    %lt3A_496 = arith.constant 0 : i32
    %lt3A_497 = vector.broadcast %lt3A_496 : i32 to vector<16xi32>
    %lt3A_498 = arith.cmpi slt, %xor3A_495, %lt3A_497 : vector<16xi32>
    %add3A_499 = arith.constant 16 : i32
    %add3A_500 = vector.broadcast %add3A_499 : i32 to vector<16xi32>
    %add3A_501 = arith.addi %xor3A_495, %add3A_500 : vector<16xi32>
    %select_n3A_502 = arith.select %lt3A_498, %add3A_501, %xor3A_495 : vector<16xi1>, vector<16xi32>
    %broadcast_in_dim3A_503 = vector.shape_cast %select_n3A_502 : vector<16xi32> to vector<16x1xi32>
    %gather3A_504 = vector.shape_cast %broadcast_in_dim3A_503 : vector<16x1xi32> to vector<16xi32>
    %gather3A_505 = tpu.dynamic_gather %scan3A_5#8[%gather3A_504] in [0] : vector<16xf32>, vector<16xi32> -> vector<16xf32>
    %add3A_506 = arith.addf %scan3A_5#8, %gather3A_505 : vector<16xf32>
    %xor3A_507 = arith.constant 2 : i32
    %xor3A_508 = vector.broadcast %xor3A_507 : i32 to vector<16xi32>
    %xor3A_509 = arith.xori %iota3A_492, %xor3A_508 : vector<16xi32>
    %lt3A_510 = arith.constant 0 : i32
    %lt3A_511 = vector.broadcast %lt3A_510 : i32 to vector<16xi32>
    %lt3A_512 = arith.cmpi slt, %xor3A_509, %lt3A_511 : vector<16xi32>
    %add3A_513 = arith.constant 16 : i32
    %add3A_514 = vector.broadcast %add3A_513 : i32 to vector<16xi32>
    %add3A_515 = arith.addi %xor3A_509, %add3A_514 : vector<16xi32>
    %select_n3A_516 = arith.select %lt3A_512, %add3A_515, %xor3A_509 : vector<16xi1>, vector<16xi32>
    %broadcast_in_dim3A_517 = vector.shape_cast %select_n3A_516 : vector<16xi32> to vector<16x1xi32>
    %gather3A_518 = vector.shape_cast %broadcast_in_dim3A_517 : vector<16x1xi32> to vector<16xi32>
    %gather3A_519 = tpu.dynamic_gather %add3A_506[%gather3A_518] in [0] : vector<16xf32>, vector<16xi32> -> vector<16xf32>
    %add3A_520 = arith.addf %add3A_506, %gather3A_519 : vector<16xf32>
    %xor3A_521 = arith.constant 4 : i32
    %xor3A_522 = vector.broadcast %xor3A_521 : i32 to vector<16xi32>
    %xor3A_523 = arith.xori %iota3A_492, %xor3A_522 : vector<16xi32>
    %lt3A_524 = arith.constant 0 : i32
    %lt3A_525 = vector.broadcast %lt3A_524 : i32 to vector<16xi32>
    %lt3A_526 = arith.cmpi slt, %xor3A_523, %lt3A_525 : vector<16xi32>
    %add3A_527 = arith.constant 16 : i32
    %add3A_528 = vector.broadcast %add3A_527 : i32 to vector<16xi32>
    %add3A_529 = arith.addi %xor3A_523, %add3A_528 : vector<16xi32>
    %select_n3A_530 = arith.select %lt3A_526, %add3A_529, %xor3A_523 : vector<16xi1>, vector<16xi32>
    %broadcast_in_dim3A_531 = vector.shape_cast %select_n3A_530 : vector<16xi32> to vector<16x1xi32>
    %gather3A_532 = vector.shape_cast %broadcast_in_dim3A_531 : vector<16x1xi32> to vector<16xi32>
    %gather3A_533 = tpu.dynamic_gather %add3A_520[%gather3A_532] in [0] : vector<16xf32>, vector<16xi32> -> vector<16xf32>
    %add3A_534 = arith.addf %add3A_520, %gather3A_533 : vector<16xf32>
    %xor3A_535 = arith.constant 8 : i32
    %xor3A_536 = vector.broadcast %xor3A_535 : i32 to vector<16xi32>
    %xor3A_537 = arith.xori %iota3A_492, %xor3A_536 : vector<16xi32>
    %lt3A_538 = arith.constant 0 : i32
    %lt3A_539 = vector.broadcast %lt3A_538 : i32 to vector<16xi32>
    %lt3A_540 = arith.cmpi slt, %xor3A_537, %lt3A_539 : vector<16xi32>
    %add3A_541 = arith.constant 16 : i32
    %add3A_542 = vector.broadcast %add3A_541 : i32 to vector<16xi32>
    %add3A_543 = arith.addi %xor3A_537, %add3A_542 : vector<16xi32>
    %select_n3A_544 = arith.select %lt3A_540, %add3A_543, %xor3A_537 : vector<16xi1>, vector<16xi32>
    %broadcast_in_dim3A_545 = vector.shape_cast %select_n3A_544 : vector<16xi32> to vector<16x1xi32>
    %gather3A_546 = vector.shape_cast %broadcast_in_dim3A_545 : vector<16x1xi32> to vector<16xi32>
    %gather3A_547 = tpu.dynamic_gather %add3A_534[%gather3A_546] in [0] : vector<16xf32>, vector<16xi32> -> vector<16xf32>
    %add3A_548 = arith.addf %add3A_534, %gather3A_547 : vector<16xf32>
    %select_n3A_549 = arith.select %eq3A_491, %add3A_548, %select_n3A_366 : vector<16xi1>, vector<16xf32>
    %eq3A_550 = arith.constant 3 : i32
    %eq3A_551 = vector.broadcast %eq3A_550 : i32 to vector<16xi32>
    %eq3A_552 = arith.cmpi eq, %iota3A, %eq3A_551 : vector<16xi32>
    %iota3A_553 = tpu.iota {dimensions = array<i32: 0>} : vector<16xi32>
    %xor3A_554 = arith.constant 1 : i32
    %xor3A_555 = vector.broadcast %xor3A_554 : i32 to vector<16xi32>
    %xor3A_556 = arith.xori %iota3A_553, %xor3A_555 : vector<16xi32>
    %lt3A_557 = arith.constant 0 : i32
    %lt3A_558 = vector.broadcast %lt3A_557 : i32 to vector<16xi32>
    %lt3A_559 = arith.cmpi slt, %xor3A_556, %lt3A_558 : vector<16xi32>
    %add3A_560 = arith.constant 16 : i32
    %add3A_561 = vector.broadcast %add3A_560 : i32 to vector<16xi32>
    %add3A_562 = arith.addi %xor3A_556, %add3A_561 : vector<16xi32>
    %select_n3A_563 = arith.select %lt3A_559, %add3A_562, %xor3A_556 : vector<16xi1>, vector<16xi32>
    %broadcast_in_dim3A_564 = vector.shape_cast %select_n3A_563 : vector<16xi32> to vector<16x1xi32>
    %gather3A_565 = vector.shape_cast %broadcast_in_dim3A_564 : vector<16x1xi32> to vector<16xi32>
    %gather3A_566 = tpu.dynamic_gather %scan3A_5#9[%gather3A_565] in [0] : vector<16xf32>, vector<16xi32> -> vector<16xf32>
    %add3A_567 = arith.addf %scan3A_5#9, %gather3A_566 : vector<16xf32>
    %xor3A_568 = arith.constant 2 : i32
    %xor3A_569 = vector.broadcast %xor3A_568 : i32 to vector<16xi32>
    %xor3A_570 = arith.xori %iota3A_553, %xor3A_569 : vector<16xi32>
    %lt3A_571 = arith.constant 0 : i32
    %lt3A_572 = vector.broadcast %lt3A_571 : i32 to vector<16xi32>
    %lt3A_573 = arith.cmpi slt, %xor3A_570, %lt3A_572 : vector<16xi32>
    %add3A_574 = arith.constant 16 : i32
    %add3A_575 = vector.broadcast %add3A_574 : i32 to vector<16xi32>
    %add3A_576 = arith.addi %xor3A_570, %add3A_575 : vector<16xi32>
    %select_n3A_577 = arith.select %lt3A_573, %add3A_576, %xor3A_570 : vector<16xi1>, vector<16xi32>
    %broadcast_in_dim3A_578 = vector.shape_cast %select_n3A_577 : vector<16xi32> to vector<16x1xi32>
    %gather3A_579 = vector.shape_cast %broadcast_in_dim3A_578 : vector<16x1xi32> to vector<16xi32>
    %gather3A_580 = tpu.dynamic_gather %add3A_567[%gather3A_579] in [0] : vector<16xf32>, vector<16xi32> -> vector<16xf32>
    %add3A_581 = arith.addf %add3A_567, %gather3A_580 : vector<16xf32>
    %xor3A_582 = arith.constant 4 : i32
    %xor3A_583 = vector.broadcast %xor3A_582 : i32 to vector<16xi32>
    %xor3A_584 = arith.xori %iota3A_553, %xor3A_583 : vector<16xi32>
    %lt3A_585 = arith.constant 0 : i32
    %lt3A_586 = vector.broadcast %lt3A_585 : i32 to vector<16xi32>
    %lt3A_587 = arith.cmpi slt, %xor3A_584, %lt3A_586 : vector<16xi32>
    %add3A_588 = arith.constant 16 : i32
    %add3A_589 = vector.broadcast %add3A_588 : i32 to vector<16xi32>
    %add3A_590 = arith.addi %xor3A_584, %add3A_589 : vector<16xi32>
    %select_n3A_591 = arith.select %lt3A_587, %add3A_590, %xor3A_584 : vector<16xi1>, vector<16xi32>
    %broadcast_in_dim3A_592 = vector.shape_cast %select_n3A_591 : vector<16xi32> to vector<16x1xi32>
    %gather3A_593 = vector.shape_cast %broadcast_in_dim3A_592 : vector<16x1xi32> to vector<16xi32>
    %gather3A_594 = tpu.dynamic_gather %add3A_581[%gather3A_593] in [0] : vector<16xf32>, vector<16xi32> -> vector<16xf32>
    %add3A_595 = arith.addf %add3A_581, %gather3A_594 : vector<16xf32>
    %xor3A_596 = arith.constant 8 : i32
    %xor3A_597 = vector.broadcast %xor3A_596 : i32 to vector<16xi32>
    %xor3A_598 = arith.xori %iota3A_553, %xor3A_597 : vector<16xi32>
    %lt3A_599 = arith.constant 0 : i32
    %lt3A_600 = vector.broadcast %lt3A_599 : i32 to vector<16xi32>
    %lt3A_601 = arith.cmpi slt, %xor3A_598, %lt3A_600 : vector<16xi32>
    %add3A_602 = arith.constant 16 : i32
    %add3A_603 = vector.broadcast %add3A_602 : i32 to vector<16xi32>
    %add3A_604 = arith.addi %xor3A_598, %add3A_603 : vector<16xi32>
    %select_n3A_605 = arith.select %lt3A_601, %add3A_604, %xor3A_598 : vector<16xi1>, vector<16xi32>
    %broadcast_in_dim3A_606 = vector.shape_cast %select_n3A_605 : vector<16xi32> to vector<16x1xi32>
    %gather3A_607 = vector.shape_cast %broadcast_in_dim3A_606 : vector<16x1xi32> to vector<16xi32>
    %gather3A_608 = tpu.dynamic_gather %add3A_595[%gather3A_607] in [0] : vector<16xf32>, vector<16xi32> -> vector<16xf32>
    %add3A_609 = arith.addf %add3A_595, %gather3A_608 : vector<16xf32>
    %select_n3A_610 = arith.select %eq3A_552, %add3A_609, %select_n3A_427 : vector<16xi1>, vector<16xf32>
    %eq3A_611 = arith.constant 3 : i32
    %eq3A_612 = vector.broadcast %eq3A_611 : i32 to vector<16xi32>
    %eq3A_613 = arith.cmpi eq, %iota3A, %eq3A_612 : vector<16xi32>
    %iota3A_614 = tpu.iota {dimensions = array<i32: 0>} : vector<16xi32>
    %xor3A_615 = arith.constant 1 : i32
    %xor3A_616 = vector.broadcast %xor3A_615 : i32 to vector<16xi32>
    %xor3A_617 = arith.xori %iota3A_614, %xor3A_616 : vector<16xi32>
    %lt3A_618 = arith.constant 0 : i32
    %lt3A_619 = vector.broadcast %lt3A_618 : i32 to vector<16xi32>
    %lt3A_620 = arith.cmpi slt, %xor3A_617, %lt3A_619 : vector<16xi32>
    %add3A_621 = arith.constant 16 : i32
    %add3A_622 = vector.broadcast %add3A_621 : i32 to vector<16xi32>
    %add3A_623 = arith.addi %xor3A_617, %add3A_622 : vector<16xi32>
    %select_n3A_624 = arith.select %lt3A_620, %add3A_623, %xor3A_617 : vector<16xi1>, vector<16xi32>
    %broadcast_in_dim3A_625 = vector.shape_cast %select_n3A_624 : vector<16xi32> to vector<16x1xi32>
    %gather3A_626 = vector.shape_cast %broadcast_in_dim3A_625 : vector<16x1xi32> to vector<16xi32>
    %gather3A_627 = tpu.dynamic_gather %scan3A_5#10[%gather3A_626] in [0] : vector<16xf32>, vector<16xi32> -> vector<16xf32>
    %add3A_628 = arith.addf %scan3A_5#10, %gather3A_627 : vector<16xf32>
    %xor3A_629 = arith.constant 2 : i32
    %xor3A_630 = vector.broadcast %xor3A_629 : i32 to vector<16xi32>
    %xor3A_631 = arith.xori %iota3A_614, %xor3A_630 : vector<16xi32>
    %lt3A_632 = arith.constant 0 : i32
    %lt3A_633 = vector.broadcast %lt3A_632 : i32 to vector<16xi32>
    %lt3A_634 = arith.cmpi slt, %xor3A_631, %lt3A_633 : vector<16xi32>
    %add3A_635 = arith.constant 16 : i32
    %add3A_636 = vector.broadcast %add3A_635 : i32 to vector<16xi32>
    %add3A_637 = arith.addi %xor3A_631, %add3A_636 : vector<16xi32>
    %select_n3A_638 = arith.select %lt3A_634, %add3A_637, %xor3A_631 : vector<16xi1>, vector<16xi32>
    %broadcast_in_dim3A_639 = vector.shape_cast %select_n3A_638 : vector<16xi32> to vector<16x1xi32>
    %gather3A_640 = vector.shape_cast %broadcast_in_dim3A_639 : vector<16x1xi32> to vector<16xi32>
    %gather3A_641 = tpu.dynamic_gather %add3A_628[%gather3A_640] in [0] : vector<16xf32>, vector<16xi32> -> vector<16xf32>
    %add3A_642 = arith.addf %add3A_628, %gather3A_641 : vector<16xf32>
    %xor3A_643 = arith.constant 4 : i32
    %xor3A_644 = vector.broadcast %xor3A_643 : i32 to vector<16xi32>
    %xor3A_645 = arith.xori %iota3A_614, %xor3A_644 : vector<16xi32>
    %lt3A_646 = arith.constant 0 : i32
    %lt3A_647 = vector.broadcast %lt3A_646 : i32 to vector<16xi32>
    %lt3A_648 = arith.cmpi slt, %xor3A_645, %lt3A_647 : vector<16xi32>
    %add3A_649 = arith.constant 16 : i32
    %add3A_650 = vector.broadcast %add3A_649 : i32 to vector<16xi32>
    %add3A_651 = arith.addi %xor3A_645, %add3A_650 : vector<16xi32>
    %select_n3A_652 = arith.select %lt3A_648, %add3A_651, %xor3A_645 : vector<16xi1>, vector<16xi32>
    %broadcast_in_dim3A_653 = vector.shape_cast %select_n3A_652 : vector<16xi32> to vector<16x1xi32>
    %gather3A_654 = vector.shape_cast %broadcast_in_dim3A_653 : vector<16x1xi32> to vector<16xi32>
    %gather3A_655 = tpu.dynamic_gather %add3A_642[%gather3A_654] in [0] : vector<16xf32>, vector<16xi32> -> vector<16xf32>
    %add3A_656 = arith.addf %add3A_642, %gather3A_655 : vector<16xf32>
    %xor3A_657 = arith.constant 8 : i32
    %xor3A_658 = vector.broadcast %xor3A_657 : i32 to vector<16xi32>
    %xor3A_659 = arith.xori %iota3A_614, %xor3A_658 : vector<16xi32>
    %lt3A_660 = arith.constant 0 : i32
    %lt3A_661 = vector.broadcast %lt3A_660 : i32 to vector<16xi32>
    %lt3A_662 = arith.cmpi slt, %xor3A_659, %lt3A_661 : vector<16xi32>
    %add3A_663 = arith.constant 16 : i32
    %add3A_664 = vector.broadcast %add3A_663 : i32 to vector<16xi32>
    %add3A_665 = arith.addi %xor3A_659, %add3A_664 : vector<16xi32>
    %select_n3A_666 = arith.select %lt3A_662, %add3A_665, %xor3A_659 : vector<16xi1>, vector<16xi32>
    %broadcast_in_dim3A_667 = vector.shape_cast %select_n3A_666 : vector<16xi32> to vector<16x1xi32>
    %gather3A_668 = vector.shape_cast %broadcast_in_dim3A_667 : vector<16x1xi32> to vector<16xi32>
    %gather3A_669 = tpu.dynamic_gather %add3A_656[%gather3A_668] in [0] : vector<16xf32>, vector<16xi32> -> vector<16xf32>
    %add3A_670 = arith.addf %add3A_656, %gather3A_669 : vector<16xf32>
    %select_n3A_671 = arith.select %eq3A_613, %add3A_670, %select_n3A_488 : vector<16xi1>, vector<16xf32>
    %eq3A_672 = arith.constant 3 : i32
    %eq3A_673 = vector.broadcast %eq3A_672 : i32 to vector<16xi32>
    %eq3A_674 = arith.cmpi eq, %iota3A, %eq3A_673 : vector<16xi32>
    %iota3A_675 = tpu.iota {dimensions = array<i32: 0>} : vector<16xi32>
    %xor3A_676 = arith.constant 1 : i32
    %xor3A_677 = vector.broadcast %xor3A_676 : i32 to vector<16xi32>
    %xor3A_678 = arith.xori %iota3A_675, %xor3A_677 : vector<16xi32>
    %lt3A_679 = arith.constant 0 : i32
    %lt3A_680 = vector.broadcast %lt3A_679 : i32 to vector<16xi32>
    %lt3A_681 = arith.cmpi slt, %xor3A_678, %lt3A_680 : vector<16xi32>
    %add3A_682 = arith.constant 16 : i32
    %add3A_683 = vector.broadcast %add3A_682 : i32 to vector<16xi32>
    %add3A_684 = arith.addi %xor3A_678, %add3A_683 : vector<16xi32>
    %select_n3A_685 = arith.select %lt3A_681, %add3A_684, %xor3A_678 : vector<16xi1>, vector<16xi32>
    %broadcast_in_dim3A_686 = vector.shape_cast %select_n3A_685 : vector<16xi32> to vector<16x1xi32>
    %gather3A_687 = vector.shape_cast %broadcast_in_dim3A_686 : vector<16x1xi32> to vector<16xi32>
    %gather3A_688 = tpu.dynamic_gather %scan3A_5#11[%gather3A_687] in [0] : vector<16xf32>, vector<16xi32> -> vector<16xf32>
    %add3A_689 = arith.addf %scan3A_5#11, %gather3A_688 : vector<16xf32>
    %xor3A_690 = arith.constant 2 : i32
    %xor3A_691 = vector.broadcast %xor3A_690 : i32 to vector<16xi32>
    %xor3A_692 = arith.xori %iota3A_675, %xor3A_691 : vector<16xi32>
    %lt3A_693 = arith.constant 0 : i32
    %lt3A_694 = vector.broadcast %lt3A_693 : i32 to vector<16xi32>
    %lt3A_695 = arith.cmpi slt, %xor3A_692, %lt3A_694 : vector<16xi32>
    %add3A_696 = arith.constant 16 : i32
    %add3A_697 = vector.broadcast %add3A_696 : i32 to vector<16xi32>
    %add3A_698 = arith.addi %xor3A_692, %add3A_697 : vector<16xi32>
    %select_n3A_699 = arith.select %lt3A_695, %add3A_698, %xor3A_692 : vector<16xi1>, vector<16xi32>
    %broadcast_in_dim3A_700 = vector.shape_cast %select_n3A_699 : vector<16xi32> to vector<16x1xi32>
    %gather3A_701 = vector.shape_cast %broadcast_in_dim3A_700 : vector<16x1xi32> to vector<16xi32>
    %gather3A_702 = tpu.dynamic_gather %add3A_689[%gather3A_701] in [0] : vector<16xf32>, vector<16xi32> -> vector<16xf32>
    %add3A_703 = arith.addf %add3A_689, %gather3A_702 : vector<16xf32>
    %xor3A_704 = arith.constant 4 : i32
    %xor3A_705 = vector.broadcast %xor3A_704 : i32 to vector<16xi32>
    %xor3A_706 = arith.xori %iota3A_675, %xor3A_705 : vector<16xi32>
    %lt3A_707 = arith.constant 0 : i32
    %lt3A_708 = vector.broadcast %lt3A_707 : i32 to vector<16xi32>
    %lt3A_709 = arith.cmpi slt, %xor3A_706, %lt3A_708 : vector<16xi32>
    %add3A_710 = arith.constant 16 : i32
    %add3A_711 = vector.broadcast %add3A_710 : i32 to vector<16xi32>
    %add3A_712 = arith.addi %xor3A_706, %add3A_711 : vector<16xi32>
    %select_n3A_713 = arith.select %lt3A_709, %add3A_712, %xor3A_706 : vector<16xi1>, vector<16xi32>
    %broadcast_in_dim3A_714 = vector.shape_cast %select_n3A_713 : vector<16xi32> to vector<16x1xi32>
    %gather3A_715 = vector.shape_cast %broadcast_in_dim3A_714 : vector<16x1xi32> to vector<16xi32>
    %gather3A_716 = tpu.dynamic_gather %add3A_703[%gather3A_715] in [0] : vector<16xf32>, vector<16xi32> -> vector<16xf32>
    %add3A_717 = arith.addf %add3A_703, %gather3A_716 : vector<16xf32>
    %xor3A_718 = arith.constant 8 : i32
    %xor3A_719 = vector.broadcast %xor3A_718 : i32 to vector<16xi32>
    %xor3A_720 = arith.xori %iota3A_675, %xor3A_719 : vector<16xi32>
    %lt3A_721 = arith.constant 0 : i32
    %lt3A_722 = vector.broadcast %lt3A_721 : i32 to vector<16xi32>
    %lt3A_723 = arith.cmpi slt, %xor3A_720, %lt3A_722 : vector<16xi32>
    %add3A_724 = arith.constant 16 : i32
    %add3A_725 = vector.broadcast %add3A_724 : i32 to vector<16xi32>
    %add3A_726 = arith.addi %xor3A_720, %add3A_725 : vector<16xi32>
    %select_n3A_727 = arith.select %lt3A_723, %add3A_726, %xor3A_720 : vector<16xi1>, vector<16xi32>
    %broadcast_in_dim3A_728 = vector.shape_cast %select_n3A_727 : vector<16xi32> to vector<16x1xi32>
    %gather3A_729 = vector.shape_cast %broadcast_in_dim3A_728 : vector<16x1xi32> to vector<16xi32>
    %gather3A_730 = tpu.dynamic_gather %add3A_717[%gather3A_729] in [0] : vector<16xf32>, vector<16xi32> -> vector<16xf32>
    %add3A_731 = arith.addf %add3A_717, %gather3A_730 : vector<16xf32>
    %select_n3A_732 = arith.select %eq3A_674, %add3A_731, %select_n3A_549 : vector<16xi1>, vector<16xf32>
    %eq3A_733 = arith.constant 4 : i32
    %eq3A_734 = vector.broadcast %eq3A_733 : i32 to vector<16xi32>
    %eq3A_735 = arith.cmpi eq, %iota3A, %eq3A_734 : vector<16xi32>
    %iota3A_736 = tpu.iota {dimensions = array<i32: 0>} : vector<16xi32>
    %xor3A_737 = arith.constant 1 : i32
    %xor3A_738 = vector.broadcast %xor3A_737 : i32 to vector<16xi32>
    %xor3A_739 = arith.xori %iota3A_736, %xor3A_738 : vector<16xi32>
    %lt3A_740 = arith.constant 0 : i32
    %lt3A_741 = vector.broadcast %lt3A_740 : i32 to vector<16xi32>
    %lt3A_742 = arith.cmpi slt, %xor3A_739, %lt3A_741 : vector<16xi32>
    %add3A_743 = arith.constant 16 : i32
    %add3A_744 = vector.broadcast %add3A_743 : i32 to vector<16xi32>
    %add3A_745 = arith.addi %xor3A_739, %add3A_744 : vector<16xi32>
    %select_n3A_746 = arith.select %lt3A_742, %add3A_745, %xor3A_739 : vector<16xi1>, vector<16xi32>
    %broadcast_in_dim3A_747 = vector.shape_cast %select_n3A_746 : vector<16xi32> to vector<16x1xi32>
    %gather3A_748 = vector.shape_cast %broadcast_in_dim3A_747 : vector<16x1xi32> to vector<16xi32>
    %gather3A_749 = tpu.dynamic_gather %scan3A_5#12[%gather3A_748] in [0] : vector<16xf32>, vector<16xi32> -> vector<16xf32>
    %add3A_750 = arith.addf %scan3A_5#12, %gather3A_749 : vector<16xf32>
    %xor3A_751 = arith.constant 2 : i32
    %xor3A_752 = vector.broadcast %xor3A_751 : i32 to vector<16xi32>
    %xor3A_753 = arith.xori %iota3A_736, %xor3A_752 : vector<16xi32>
    %lt3A_754 = arith.constant 0 : i32
    %lt3A_755 = vector.broadcast %lt3A_754 : i32 to vector<16xi32>
    %lt3A_756 = arith.cmpi slt, %xor3A_753, %lt3A_755 : vector<16xi32>
    %add3A_757 = arith.constant 16 : i32
    %add3A_758 = vector.broadcast %add3A_757 : i32 to vector<16xi32>
    %add3A_759 = arith.addi %xor3A_753, %add3A_758 : vector<16xi32>
    %select_n3A_760 = arith.select %lt3A_756, %add3A_759, %xor3A_753 : vector<16xi1>, vector<16xi32>
    %broadcast_in_dim3A_761 = vector.shape_cast %select_n3A_760 : vector<16xi32> to vector<16x1xi32>
    %gather3A_762 = vector.shape_cast %broadcast_in_dim3A_761 : vector<16x1xi32> to vector<16xi32>
    %gather3A_763 = tpu.dynamic_gather %add3A_750[%gather3A_762] in [0] : vector<16xf32>, vector<16xi32> -> vector<16xf32>
    %add3A_764 = arith.addf %add3A_750, %gather3A_763 : vector<16xf32>
    %xor3A_765 = arith.constant 4 : i32
    %xor3A_766 = vector.broadcast %xor3A_765 : i32 to vector<16xi32>
    %xor3A_767 = arith.xori %iota3A_736, %xor3A_766 : vector<16xi32>
    %lt3A_768 = arith.constant 0 : i32
    %lt3A_769 = vector.broadcast %lt3A_768 : i32 to vector<16xi32>
    %lt3A_770 = arith.cmpi slt, %xor3A_767, %lt3A_769 : vector<16xi32>
    %add3A_771 = arith.constant 16 : i32
    %add3A_772 = vector.broadcast %add3A_771 : i32 to vector<16xi32>
    %add3A_773 = arith.addi %xor3A_767, %add3A_772 : vector<16xi32>
    %select_n3A_774 = arith.select %lt3A_770, %add3A_773, %xor3A_767 : vector<16xi1>, vector<16xi32>
    %broadcast_in_dim3A_775 = vector.shape_cast %select_n3A_774 : vector<16xi32> to vector<16x1xi32>
    %gather3A_776 = vector.shape_cast %broadcast_in_dim3A_775 : vector<16x1xi32> to vector<16xi32>
    %gather3A_777 = tpu.dynamic_gather %add3A_764[%gather3A_776] in [0] : vector<16xf32>, vector<16xi32> -> vector<16xf32>
    %add3A_778 = arith.addf %add3A_764, %gather3A_777 : vector<16xf32>
    %xor3A_779 = arith.constant 8 : i32
    %xor3A_780 = vector.broadcast %xor3A_779 : i32 to vector<16xi32>
    %xor3A_781 = arith.xori %iota3A_736, %xor3A_780 : vector<16xi32>
    %lt3A_782 = arith.constant 0 : i32
    %lt3A_783 = vector.broadcast %lt3A_782 : i32 to vector<16xi32>
    %lt3A_784 = arith.cmpi slt, %xor3A_781, %lt3A_783 : vector<16xi32>
    %add3A_785 = arith.constant 16 : i32
    %add3A_786 = vector.broadcast %add3A_785 : i32 to vector<16xi32>
    %add3A_787 = arith.addi %xor3A_781, %add3A_786 : vector<16xi32>
    %select_n3A_788 = arith.select %lt3A_784, %add3A_787, %xor3A_781 : vector<16xi1>, vector<16xi32>
    %broadcast_in_dim3A_789 = vector.shape_cast %select_n3A_788 : vector<16xi32> to vector<16x1xi32>
    %gather3A_790 = vector.shape_cast %broadcast_in_dim3A_789 : vector<16x1xi32> to vector<16xi32>
    %gather3A_791 = tpu.dynamic_gather %add3A_778[%gather3A_790] in [0] : vector<16xf32>, vector<16xi32> -> vector<16xf32>
    %add3A_792 = arith.addf %add3A_778, %gather3A_791 : vector<16xf32>
    %select_n3A_793 = arith.select %eq3A_735, %add3A_792, %select_n3A_610 : vector<16xi1>, vector<16xf32>
    %eq3A_794 = arith.constant 4 : i32
    %eq3A_795 = vector.broadcast %eq3A_794 : i32 to vector<16xi32>
    %eq3A_796 = arith.cmpi eq, %iota3A, %eq3A_795 : vector<16xi32>
    %iota3A_797 = tpu.iota {dimensions = array<i32: 0>} : vector<16xi32>
    %xor3A_798 = arith.constant 1 : i32
    %xor3A_799 = vector.broadcast %xor3A_798 : i32 to vector<16xi32>
    %xor3A_800 = arith.xori %iota3A_797, %xor3A_799 : vector<16xi32>
    %lt3A_801 = arith.constant 0 : i32
    %lt3A_802 = vector.broadcast %lt3A_801 : i32 to vector<16xi32>
    %lt3A_803 = arith.cmpi slt, %xor3A_800, %lt3A_802 : vector<16xi32>
    %add3A_804 = arith.constant 16 : i32
    %add3A_805 = vector.broadcast %add3A_804 : i32 to vector<16xi32>
    %add3A_806 = arith.addi %xor3A_800, %add3A_805 : vector<16xi32>
    %select_n3A_807 = arith.select %lt3A_803, %add3A_806, %xor3A_800 : vector<16xi1>, vector<16xi32>
    %broadcast_in_dim3A_808 = vector.shape_cast %select_n3A_807 : vector<16xi32> to vector<16x1xi32>
    %gather3A_809 = vector.shape_cast %broadcast_in_dim3A_808 : vector<16x1xi32> to vector<16xi32>
    %gather3A_810 = tpu.dynamic_gather %scan3A_5#13[%gather3A_809] in [0] : vector<16xf32>, vector<16xi32> -> vector<16xf32>
    %add3A_811 = arith.addf %scan3A_5#13, %gather3A_810 : vector<16xf32>
    %xor3A_812 = arith.constant 2 : i32
    %xor3A_813 = vector.broadcast %xor3A_812 : i32 to vector<16xi32>
    %xor3A_814 = arith.xori %iota3A_797, %xor3A_813 : vector<16xi32>
    %lt3A_815 = arith.constant 0 : i32
    %lt3A_816 = vector.broadcast %lt3A_815 : i32 to vector<16xi32>
    %lt3A_817 = arith.cmpi slt, %xor3A_814, %lt3A_816 : vector<16xi32>
    %add3A_818 = arith.constant 16 : i32
    %add3A_819 = vector.broadcast %add3A_818 : i32 to vector<16xi32>
    %add3A_820 = arith.addi %xor3A_814, %add3A_819 : vector<16xi32>
    %select_n3A_821 = arith.select %lt3A_817, %add3A_820, %xor3A_814 : vector<16xi1>, vector<16xi32>
    %broadcast_in_dim3A_822 = vector.shape_cast %select_n3A_821 : vector<16xi32> to vector<16x1xi32>
    %gather3A_823 = vector.shape_cast %broadcast_in_dim3A_822 : vector<16x1xi32> to vector<16xi32>
    %gather3A_824 = tpu.dynamic_gather %add3A_811[%gather3A_823] in [0] : vector<16xf32>, vector<16xi32> -> vector<16xf32>
    %add3A_825 = arith.addf %add3A_811, %gather3A_824 : vector<16xf32>
    %xor3A_826 = arith.constant 4 : i32
    %xor3A_827 = vector.broadcast %xor3A_826 : i32 to vector<16xi32>
    %xor3A_828 = arith.xori %iota3A_797, %xor3A_827 : vector<16xi32>
    %lt3A_829 = arith.constant 0 : i32
    %lt3A_830 = vector.broadcast %lt3A_829 : i32 to vector<16xi32>
    %lt3A_831 = arith.cmpi slt, %xor3A_828, %lt3A_830 : vector<16xi32>
    %add3A_832 = arith.constant 16 : i32
    %add3A_833 = vector.broadcast %add3A_832 : i32 to vector<16xi32>
    %add3A_834 = arith.addi %xor3A_828, %add3A_833 : vector<16xi32>
    %select_n3A_835 = arith.select %lt3A_831, %add3A_834, %xor3A_828 : vector<16xi1>, vector<16xi32>
    %broadcast_in_dim3A_836 = vector.shape_cast %select_n3A_835 : vector<16xi32> to vector<16x1xi32>
    %gather3A_837 = vector.shape_cast %broadcast_in_dim3A_836 : vector<16x1xi32> to vector<16xi32>
    %gather3A_838 = tpu.dynamic_gather %add3A_825[%gather3A_837] in [0] : vector<16xf32>, vector<16xi32> -> vector<16xf32>
    %add3A_839 = arith.addf %add3A_825, %gather3A_838 : vector<16xf32>
    %xor3A_840 = arith.constant 8 : i32
    %xor3A_841 = vector.broadcast %xor3A_840 : i32 to vector<16xi32>
    %xor3A_842 = arith.xori %iota3A_797, %xor3A_841 : vector<16xi32>
    %lt3A_843 = arith.constant 0 : i32
    %lt3A_844 = vector.broadcast %lt3A_843 : i32 to vector<16xi32>
    %lt3A_845 = arith.cmpi slt, %xor3A_842, %lt3A_844 : vector<16xi32>
    %add3A_846 = arith.constant 16 : i32
    %add3A_847 = vector.broadcast %add3A_846 : i32 to vector<16xi32>
    %add3A_848 = arith.addi %xor3A_842, %add3A_847 : vector<16xi32>
    %select_n3A_849 = arith.select %lt3A_845, %add3A_848, %xor3A_842 : vector<16xi1>, vector<16xi32>
    %broadcast_in_dim3A_850 = vector.shape_cast %select_n3A_849 : vector<16xi32> to vector<16x1xi32>
    %gather3A_851 = vector.shape_cast %broadcast_in_dim3A_850 : vector<16x1xi32> to vector<16xi32>
    %gather3A_852 = tpu.dynamic_gather %add3A_839[%gather3A_851] in [0] : vector<16xf32>, vector<16xi32> -> vector<16xf32>
    %add3A_853 = arith.addf %add3A_839, %gather3A_852 : vector<16xf32>
    %select_n3A_854 = arith.select %eq3A_796, %add3A_853, %select_n3A_671 : vector<16xi1>, vector<16xf32>
    %eq3A_855 = arith.constant 4 : i32
    %eq3A_856 = vector.broadcast %eq3A_855 : i32 to vector<16xi32>
    %eq3A_857 = arith.cmpi eq, %iota3A, %eq3A_856 : vector<16xi32>
    %iota3A_858 = tpu.iota {dimensions = array<i32: 0>} : vector<16xi32>
    %xor3A_859 = arith.constant 1 : i32
    %xor3A_860 = vector.broadcast %xor3A_859 : i32 to vector<16xi32>
    %xor3A_861 = arith.xori %iota3A_858, %xor3A_860 : vector<16xi32>
    %lt3A_862 = arith.constant 0 : i32
    %lt3A_863 = vector.broadcast %lt3A_862 : i32 to vector<16xi32>
    %lt3A_864 = arith.cmpi slt, %xor3A_861, %lt3A_863 : vector<16xi32>
    %add3A_865 = arith.constant 16 : i32
    %add3A_866 = vector.broadcast %add3A_865 : i32 to vector<16xi32>
    %add3A_867 = arith.addi %xor3A_861, %add3A_866 : vector<16xi32>
    %select_n3A_868 = arith.select %lt3A_864, %add3A_867, %xor3A_861 : vector<16xi1>, vector<16xi32>
    %broadcast_in_dim3A_869 = vector.shape_cast %select_n3A_868 : vector<16xi32> to vector<16x1xi32>
    %gather3A_870 = vector.shape_cast %broadcast_in_dim3A_869 : vector<16x1xi32> to vector<16xi32>
    %gather3A_871 = tpu.dynamic_gather %scan3A_5#14[%gather3A_870] in [0] : vector<16xf32>, vector<16xi32> -> vector<16xf32>
    %add3A_872 = arith.addf %scan3A_5#14, %gather3A_871 : vector<16xf32>
    %xor3A_873 = arith.constant 2 : i32
    %xor3A_874 = vector.broadcast %xor3A_873 : i32 to vector<16xi32>
    %xor3A_875 = arith.xori %iota3A_858, %xor3A_874 : vector<16xi32>
    %lt3A_876 = arith.constant 0 : i32
    %lt3A_877 = vector.broadcast %lt3A_876 : i32 to vector<16xi32>
    %lt3A_878 = arith.cmpi slt, %xor3A_875, %lt3A_877 : vector<16xi32>
    %add3A_879 = arith.constant 16 : i32
    %add3A_880 = vector.broadcast %add3A_879 : i32 to vector<16xi32>
    %add3A_881 = arith.addi %xor3A_875, %add3A_880 : vector<16xi32>
    %select_n3A_882 = arith.select %lt3A_878, %add3A_881, %xor3A_875 : vector<16xi1>, vector<16xi32>
    %broadcast_in_dim3A_883 = vector.shape_cast %select_n3A_882 : vector<16xi32> to vector<16x1xi32>
    %gather3A_884 = vector.shape_cast %broadcast_in_dim3A_883 : vector<16x1xi32> to vector<16xi32>
    %gather3A_885 = tpu.dynamic_gather %add3A_872[%gather3A_884] in [0] : vector<16xf32>, vector<16xi32> -> vector<16xf32>
    %add3A_886 = arith.addf %add3A_872, %gather3A_885 : vector<16xf32>
    %xor3A_887 = arith.constant 4 : i32
    %xor3A_888 = vector.broadcast %xor3A_887 : i32 to vector<16xi32>
    %xor3A_889 = arith.xori %iota3A_858, %xor3A_888 : vector<16xi32>
    %lt3A_890 = arith.constant 0 : i32
    %lt3A_891 = vector.broadcast %lt3A_890 : i32 to vector<16xi32>
    %lt3A_892 = arith.cmpi slt, %xor3A_889, %lt3A_891 : vector<16xi32>
    %add3A_893 = arith.constant 16 : i32
    %add3A_894 = vector.broadcast %add3A_893 : i32 to vector<16xi32>
    %add3A_895 = arith.addi %xor3A_889, %add3A_894 : vector<16xi32>
    %select_n3A_896 = arith.select %lt3A_892, %add3A_895, %xor3A_889 : vector<16xi1>, vector<16xi32>
    %broadcast_in_dim3A_897 = vector.shape_cast %select_n3A_896 : vector<16xi32> to vector<16x1xi32>
    %gather3A_898 = vector.shape_cast %broadcast_in_dim3A_897 : vector<16x1xi32> to vector<16xi32>
    %gather3A_899 = tpu.dynamic_gather %add3A_886[%gather3A_898] in [0] : vector<16xf32>, vector<16xi32> -> vector<16xf32>
    %add3A_900 = arith.addf %add3A_886, %gather3A_899 : vector<16xf32>
    %xor3A_901 = arith.constant 8 : i32
    %xor3A_902 = vector.broadcast %xor3A_901 : i32 to vector<16xi32>
    %xor3A_903 = arith.xori %iota3A_858, %xor3A_902 : vector<16xi32>
    %lt3A_904 = arith.constant 0 : i32
    %lt3A_905 = vector.broadcast %lt3A_904 : i32 to vector<16xi32>
    %lt3A_906 = arith.cmpi slt, %xor3A_903, %lt3A_905 : vector<16xi32>
    %add3A_907 = arith.constant 16 : i32
    %add3A_908 = vector.broadcast %add3A_907 : i32 to vector<16xi32>
    %add3A_909 = arith.addi %xor3A_903, %add3A_908 : vector<16xi32>
    %select_n3A_910 = arith.select %lt3A_906, %add3A_909, %xor3A_903 : vector<16xi1>, vector<16xi32>
    %broadcast_in_dim3A_911 = vector.shape_cast %select_n3A_910 : vector<16xi32> to vector<16x1xi32>
    %gather3A_912 = vector.shape_cast %broadcast_in_dim3A_911 : vector<16x1xi32> to vector<16xi32>
    %gather3A_913 = tpu.dynamic_gather %add3A_900[%gather3A_912] in [0] : vector<16xf32>, vector<16xi32> -> vector<16xf32>
    %add3A_914 = arith.addf %add3A_900, %gather3A_913 : vector<16xf32>
    %select_n3A_915 = arith.select %eq3A_857, %add3A_914, %select_n3A_732 : vector<16xi1>, vector<16xf32>
    %eq3A_916 = arith.constant 5 : i32
    %eq3A_917 = vector.broadcast %eq3A_916 : i32 to vector<16xi32>
    %eq3A_918 = arith.cmpi eq, %iota3A, %eq3A_917 : vector<16xi32>
    %iota3A_919 = tpu.iota {dimensions = array<i32: 0>} : vector<16xi32>
    %xor3A_920 = arith.constant 1 : i32
    %xor3A_921 = vector.broadcast %xor3A_920 : i32 to vector<16xi32>
    %xor3A_922 = arith.xori %iota3A_919, %xor3A_921 : vector<16xi32>
    %lt3A_923 = arith.constant 0 : i32
    %lt3A_924 = vector.broadcast %lt3A_923 : i32 to vector<16xi32>
    %lt3A_925 = arith.cmpi slt, %xor3A_922, %lt3A_924 : vector<16xi32>
    %add3A_926 = arith.constant 16 : i32
    %add3A_927 = vector.broadcast %add3A_926 : i32 to vector<16xi32>
    %add3A_928 = arith.addi %xor3A_922, %add3A_927 : vector<16xi32>
    %select_n3A_929 = arith.select %lt3A_925, %add3A_928, %xor3A_922 : vector<16xi1>, vector<16xi32>
    %broadcast_in_dim3A_930 = vector.shape_cast %select_n3A_929 : vector<16xi32> to vector<16x1xi32>
    %gather3A_931 = vector.shape_cast %broadcast_in_dim3A_930 : vector<16x1xi32> to vector<16xi32>
    %gather3A_932 = tpu.dynamic_gather %scan3A_5#15[%gather3A_931] in [0] : vector<16xf32>, vector<16xi32> -> vector<16xf32>
    %add3A_933 = arith.addf %scan3A_5#15, %gather3A_932 : vector<16xf32>
    %xor3A_934 = arith.constant 2 : i32
    %xor3A_935 = vector.broadcast %xor3A_934 : i32 to vector<16xi32>
    %xor3A_936 = arith.xori %iota3A_919, %xor3A_935 : vector<16xi32>
    %lt3A_937 = arith.constant 0 : i32
    %lt3A_938 = vector.broadcast %lt3A_937 : i32 to vector<16xi32>
    %lt3A_939 = arith.cmpi slt, %xor3A_936, %lt3A_938 : vector<16xi32>
    %add3A_940 = arith.constant 16 : i32
    %add3A_941 = vector.broadcast %add3A_940 : i32 to vector<16xi32>
    %add3A_942 = arith.addi %xor3A_936, %add3A_941 : vector<16xi32>
    %select_n3A_943 = arith.select %lt3A_939, %add3A_942, %xor3A_936 : vector<16xi1>, vector<16xi32>
    %broadcast_in_dim3A_944 = vector.shape_cast %select_n3A_943 : vector<16xi32> to vector<16x1xi32>
    %gather3A_945 = vector.shape_cast %broadcast_in_dim3A_944 : vector<16x1xi32> to vector<16xi32>
    %gather3A_946 = tpu.dynamic_gather %add3A_933[%gather3A_945] in [0] : vector<16xf32>, vector<16xi32> -> vector<16xf32>
    %add3A_947 = arith.addf %add3A_933, %gather3A_946 : vector<16xf32>
    %xor3A_948 = arith.constant 4 : i32
    %xor3A_949 = vector.broadcast %xor3A_948 : i32 to vector<16xi32>
    %xor3A_950 = arith.xori %iota3A_919, %xor3A_949 : vector<16xi32>
    %lt3A_951 = arith.constant 0 : i32
    %lt3A_952 = vector.broadcast %lt3A_951 : i32 to vector<16xi32>
    %lt3A_953 = arith.cmpi slt, %xor3A_950, %lt3A_952 : vector<16xi32>
    %add3A_954 = arith.constant 16 : i32
    %add3A_955 = vector.broadcast %add3A_954 : i32 to vector<16xi32>
    %add3A_956 = arith.addi %xor3A_950, %add3A_955 : vector<16xi32>
    %select_n3A_957 = arith.select %lt3A_953, %add3A_956, %xor3A_950 : vector<16xi1>, vector<16xi32>
    %broadcast_in_dim3A_958 = vector.shape_cast %select_n3A_957 : vector<16xi32> to vector<16x1xi32>
    %gather3A_959 = vector.shape_cast %broadcast_in_dim3A_958 : vector<16x1xi32> to vector<16xi32>
    %gather3A_960 = tpu.dynamic_gather %add3A_947[%gather3A_959] in [0] : vector<16xf32>, vector<16xi32> -> vector<16xf32>
    %add3A_961 = arith.addf %add3A_947, %gather3A_960 : vector<16xf32>
    %xor3A_962 = arith.constant 8 : i32
    %xor3A_963 = vector.broadcast %xor3A_962 : i32 to vector<16xi32>
    %xor3A_964 = arith.xori %iota3A_919, %xor3A_963 : vector<16xi32>
    %lt3A_965 = arith.constant 0 : i32
    %lt3A_966 = vector.broadcast %lt3A_965 : i32 to vector<16xi32>
    %lt3A_967 = arith.cmpi slt, %xor3A_964, %lt3A_966 : vector<16xi32>
    %add3A_968 = arith.constant 16 : i32
    %add3A_969 = vector.broadcast %add3A_968 : i32 to vector<16xi32>
    %add3A_970 = arith.addi %xor3A_964, %add3A_969 : vector<16xi32>
    %select_n3A_971 = arith.select %lt3A_967, %add3A_970, %xor3A_964 : vector<16xi1>, vector<16xi32>
    %broadcast_in_dim3A_972 = vector.shape_cast %select_n3A_971 : vector<16xi32> to vector<16x1xi32>
    %gather3A_973 = vector.shape_cast %broadcast_in_dim3A_972 : vector<16x1xi32> to vector<16xi32>
    %gather3A_974 = tpu.dynamic_gather %add3A_961[%gather3A_973] in [0] : vector<16xf32>, vector<16xi32> -> vector<16xf32>
    %add3A_975 = arith.addf %add3A_961, %gather3A_974 : vector<16xf32>
    %select_n3A_976 = arith.select %eq3A_918, %add3A_975, %select_n3A_793 : vector<16xi1>, vector<16xf32>
    %eq3A_977 = arith.constant 5 : i32
    %eq3A_978 = vector.broadcast %eq3A_977 : i32 to vector<16xi32>
    %eq3A_979 = arith.cmpi eq, %iota3A, %eq3A_978 : vector<16xi32>
    %iota3A_980 = tpu.iota {dimensions = array<i32: 0>} : vector<16xi32>
    %xor3A_981 = arith.constant 1 : i32
    %xor3A_982 = vector.broadcast %xor3A_981 : i32 to vector<16xi32>
    %xor3A_983 = arith.xori %iota3A_980, %xor3A_982 : vector<16xi32>
    %lt3A_984 = arith.constant 0 : i32
    %lt3A_985 = vector.broadcast %lt3A_984 : i32 to vector<16xi32>
    %lt3A_986 = arith.cmpi slt, %xor3A_983, %lt3A_985 : vector<16xi32>
    %add3A_987 = arith.constant 16 : i32
    %add3A_988 = vector.broadcast %add3A_987 : i32 to vector<16xi32>
    %add3A_989 = arith.addi %xor3A_983, %add3A_988 : vector<16xi32>
    %select_n3A_990 = arith.select %lt3A_986, %add3A_989, %xor3A_983 : vector<16xi1>, vector<16xi32>
    %broadcast_in_dim3A_991 = vector.shape_cast %select_n3A_990 : vector<16xi32> to vector<16x1xi32>
    %gather3A_992 = vector.shape_cast %broadcast_in_dim3A_991 : vector<16x1xi32> to vector<16xi32>
    %gather3A_993 = tpu.dynamic_gather %scan3A_5#16[%gather3A_992] in [0] : vector<16xf32>, vector<16xi32> -> vector<16xf32>
    %add3A_994 = arith.addf %scan3A_5#16, %gather3A_993 : vector<16xf32>
    %xor3A_995 = arith.constant 2 : i32
    %xor3A_996 = vector.broadcast %xor3A_995 : i32 to vector<16xi32>
    %xor3A_997 = arith.xori %iota3A_980, %xor3A_996 : vector<16xi32>
    %lt3A_998 = arith.constant 0 : i32
    %lt3A_999 = vector.broadcast %lt3A_998 : i32 to vector<16xi32>
    %lt3A_1000 = arith.cmpi slt, %xor3A_997, %lt3A_999 : vector<16xi32>
    %add3A_1001 = arith.constant 16 : i32
    %add3A_1002 = vector.broadcast %add3A_1001 : i32 to vector<16xi32>
    %add3A_1003 = arith.addi %xor3A_997, %add3A_1002 : vector<16xi32>
    %select_n3A_1004 = arith.select %lt3A_1000, %add3A_1003, %xor3A_997 : vector<16xi1>, vector<16xi32>
    %broadcast_in_dim3A_1005 = vector.shape_cast %select_n3A_1004 : vector<16xi32> to vector<16x1xi32>
    %gather3A_1006 = vector.shape_cast %broadcast_in_dim3A_1005 : vector<16x1xi32> to vector<16xi32>
    %gather3A_1007 = tpu.dynamic_gather %add3A_994[%gather3A_1006] in [0] : vector<16xf32>, vector<16xi32> -> vector<16xf32>
    %add3A_1008 = arith.addf %add3A_994, %gather3A_1007 : vector<16xf32>
    %xor3A_1009 = arith.constant 4 : i32
    %xor3A_1010 = vector.broadcast %xor3A_1009 : i32 to vector<16xi32>
    %xor3A_1011 = arith.xori %iota3A_980, %xor3A_1010 : vector<16xi32>
    %lt3A_1012 = arith.constant 0 : i32
    %lt3A_1013 = vector.broadcast %lt3A_1012 : i32 to vector<16xi32>
    %lt3A_1014 = arith.cmpi slt, %xor3A_1011, %lt3A_1013 : vector<16xi32>
    %add3A_1015 = arith.constant 16 : i32
    %add3A_1016 = vector.broadcast %add3A_1015 : i32 to vector<16xi32>
    %add3A_1017 = arith.addi %xor3A_1011, %add3A_1016 : vector<16xi32>
    %select_n3A_1018 = arith.select %lt3A_1014, %add3A_1017, %xor3A_1011 : vector<16xi1>, vector<16xi32>
    %broadcast_in_dim3A_1019 = vector.shape_cast %select_n3A_1018 : vector<16xi32> to vector<16x1xi32>
    %gather3A_1020 = vector.shape_cast %broadcast_in_dim3A_1019 : vector<16x1xi32> to vector<16xi32>
    %gather3A_1021 = tpu.dynamic_gather %add3A_1008[%gather3A_1020] in [0] : vector<16xf32>, vector<16xi32> -> vector<16xf32>
    %add3A_1022 = arith.addf %add3A_1008, %gather3A_1021 : vector<16xf32>
    %xor3A_1023 = arith.constant 8 : i32
    %xor3A_1024 = vector.broadcast %xor3A_1023 : i32 to vector<16xi32>
    %xor3A_1025 = arith.xori %iota3A_980, %xor3A_1024 : vector<16xi32>
    %lt3A_1026 = arith.constant 0 : i32
    %lt3A_1027 = vector.broadcast %lt3A_1026 : i32 to vector<16xi32>
    %lt3A_1028 = arith.cmpi slt, %xor3A_1025, %lt3A_1027 : vector<16xi32>
    %add3A_1029 = arith.constant 16 : i32
    %add3A_1030 = vector.broadcast %add3A_1029 : i32 to vector<16xi32>
    %add3A_1031 = arith.addi %xor3A_1025, %add3A_1030 : vector<16xi32>
    %select_n3A_1032 = arith.select %lt3A_1028, %add3A_1031, %xor3A_1025 : vector<16xi1>, vector<16xi32>
    %broadcast_in_dim3A_1033 = vector.shape_cast %select_n3A_1032 : vector<16xi32> to vector<16x1xi32>
    %gather3A_1034 = vector.shape_cast %broadcast_in_dim3A_1033 : vector<16x1xi32> to vector<16xi32>
    %gather3A_1035 = tpu.dynamic_gather %add3A_1022[%gather3A_1034] in [0] : vector<16xf32>, vector<16xi32> -> vector<16xf32>
    %add3A_1036 = arith.addf %add3A_1022, %gather3A_1035 : vector<16xf32>
    %select_n3A_1037 = arith.select %eq3A_979, %add3A_1036, %select_n3A_854 : vector<16xi1>, vector<16xf32>
    %eq3A_1038 = arith.constant 5 : i32
    %eq3A_1039 = vector.broadcast %eq3A_1038 : i32 to vector<16xi32>
    %eq3A_1040 = arith.cmpi eq, %iota3A, %eq3A_1039 : vector<16xi32>
    %iota3A_1041 = tpu.iota {dimensions = array<i32: 0>} : vector<16xi32>
    %xor3A_1042 = arith.constant 1 : i32
    %xor3A_1043 = vector.broadcast %xor3A_1042 : i32 to vector<16xi32>
    %xor3A_1044 = arith.xori %iota3A_1041, %xor3A_1043 : vector<16xi32>
    %lt3A_1045 = arith.constant 0 : i32
    %lt3A_1046 = vector.broadcast %lt3A_1045 : i32 to vector<16xi32>
    %lt3A_1047 = arith.cmpi slt, %xor3A_1044, %lt3A_1046 : vector<16xi32>
    %add3A_1048 = arith.constant 16 : i32
    %add3A_1049 = vector.broadcast %add3A_1048 : i32 to vector<16xi32>
    %add3A_1050 = arith.addi %xor3A_1044, %add3A_1049 : vector<16xi32>
    %select_n3A_1051 = arith.select %lt3A_1047, %add3A_1050, %xor3A_1044 : vector<16xi1>, vector<16xi32>
    %broadcast_in_dim3A_1052 = vector.shape_cast %select_n3A_1051 : vector<16xi32> to vector<16x1xi32>
    %gather3A_1053 = vector.shape_cast %broadcast_in_dim3A_1052 : vector<16x1xi32> to vector<16xi32>
    %gather3A_1054 = tpu.dynamic_gather %scan3A_5#17[%gather3A_1053] in [0] : vector<16xf32>, vector<16xi32> -> vector<16xf32>
    %add3A_1055 = arith.addf %scan3A_5#17, %gather3A_1054 : vector<16xf32>
    %xor3A_1056 = arith.constant 2 : i32
    %xor3A_1057 = vector.broadcast %xor3A_1056 : i32 to vector<16xi32>
    %xor3A_1058 = arith.xori %iota3A_1041, %xor3A_1057 : vector<16xi32>
    %lt3A_1059 = arith.constant 0 : i32
    %lt3A_1060 = vector.broadcast %lt3A_1059 : i32 to vector<16xi32>
    %lt3A_1061 = arith.cmpi slt, %xor3A_1058, %lt3A_1060 : vector<16xi32>
    %add3A_1062 = arith.constant 16 : i32
    %add3A_1063 = vector.broadcast %add3A_1062 : i32 to vector<16xi32>
    %add3A_1064 = arith.addi %xor3A_1058, %add3A_1063 : vector<16xi32>
    %select_n3A_1065 = arith.select %lt3A_1061, %add3A_1064, %xor3A_1058 : vector<16xi1>, vector<16xi32>
    %broadcast_in_dim3A_1066 = vector.shape_cast %select_n3A_1065 : vector<16xi32> to vector<16x1xi32>
    %gather3A_1067 = vector.shape_cast %broadcast_in_dim3A_1066 : vector<16x1xi32> to vector<16xi32>
    %gather3A_1068 = tpu.dynamic_gather %add3A_1055[%gather3A_1067] in [0] : vector<16xf32>, vector<16xi32> -> vector<16xf32>
    %add3A_1069 = arith.addf %add3A_1055, %gather3A_1068 : vector<16xf32>
    %xor3A_1070 = arith.constant 4 : i32
    %xor3A_1071 = vector.broadcast %xor3A_1070 : i32 to vector<16xi32>
    %xor3A_1072 = arith.xori %iota3A_1041, %xor3A_1071 : vector<16xi32>
    %lt3A_1073 = arith.constant 0 : i32
    %lt3A_1074 = vector.broadcast %lt3A_1073 : i32 to vector<16xi32>
    %lt3A_1075 = arith.cmpi slt, %xor3A_1072, %lt3A_1074 : vector<16xi32>
    %add3A_1076 = arith.constant 16 : i32
    %add3A_1077 = vector.broadcast %add3A_1076 : i32 to vector<16xi32>
    %add3A_1078 = arith.addi %xor3A_1072, %add3A_1077 : vector<16xi32>
    %select_n3A_1079 = arith.select %lt3A_1075, %add3A_1078, %xor3A_1072 : vector<16xi1>, vector<16xi32>
    %broadcast_in_dim3A_1080 = vector.shape_cast %select_n3A_1079 : vector<16xi32> to vector<16x1xi32>
    %gather3A_1081 = vector.shape_cast %broadcast_in_dim3A_1080 : vector<16x1xi32> to vector<16xi32>
    %gather3A_1082 = tpu.dynamic_gather %add3A_1069[%gather3A_1081] in [0] : vector<16xf32>, vector<16xi32> -> vector<16xf32>
    %add3A_1083 = arith.addf %add3A_1069, %gather3A_1082 : vector<16xf32>
    %xor3A_1084 = arith.constant 8 : i32
    %xor3A_1085 = vector.broadcast %xor3A_1084 : i32 to vector<16xi32>
    %xor3A_1086 = arith.xori %iota3A_1041, %xor3A_1085 : vector<16xi32>
    %lt3A_1087 = arith.constant 0 : i32
    %lt3A_1088 = vector.broadcast %lt3A_1087 : i32 to vector<16xi32>
    %lt3A_1089 = arith.cmpi slt, %xor3A_1086, %lt3A_1088 : vector<16xi32>
    %add3A_1090 = arith.constant 16 : i32
    %add3A_1091 = vector.broadcast %add3A_1090 : i32 to vector<16xi32>
    %add3A_1092 = arith.addi %xor3A_1086, %add3A_1091 : vector<16xi32>
    %select_n3A_1093 = arith.select %lt3A_1089, %add3A_1092, %xor3A_1086 : vector<16xi1>, vector<16xi32>
    %broadcast_in_dim3A_1094 = vector.shape_cast %select_n3A_1093 : vector<16xi32> to vector<16x1xi32>
    %gather3A_1095 = vector.shape_cast %broadcast_in_dim3A_1094 : vector<16x1xi32> to vector<16xi32>
    %gather3A_1096 = tpu.dynamic_gather %add3A_1083[%gather3A_1095] in [0] : vector<16xf32>, vector<16xi32> -> vector<16xf32>
    %add3A_1097 = arith.addf %add3A_1083, %gather3A_1096 : vector<16xf32>
    %select_n3A_1098 = arith.select %eq3A_1040, %add3A_1097, %select_n3A_915 : vector<16xi1>, vector<16xf32>
    %eq3A_1099 = arith.constant 6 : i32
    %eq3A_1100 = vector.broadcast %eq3A_1099 : i32 to vector<16xi32>
    %eq3A_1101 = arith.cmpi eq, %iota3A, %eq3A_1100 : vector<16xi32>
    %iota3A_1102 = tpu.iota {dimensions = array<i32: 0>} : vector<16xi32>
    %xor3A_1103 = arith.constant 1 : i32
    %xor3A_1104 = vector.broadcast %xor3A_1103 : i32 to vector<16xi32>
    %xor3A_1105 = arith.xori %iota3A_1102, %xor3A_1104 : vector<16xi32>
    %lt3A_1106 = arith.constant 0 : i32
    %lt3A_1107 = vector.broadcast %lt3A_1106 : i32 to vector<16xi32>
    %lt3A_1108 = arith.cmpi slt, %xor3A_1105, %lt3A_1107 : vector<16xi32>
    %add3A_1109 = arith.constant 16 : i32
    %add3A_1110 = vector.broadcast %add3A_1109 : i32 to vector<16xi32>
    %add3A_1111 = arith.addi %xor3A_1105, %add3A_1110 : vector<16xi32>
    %select_n3A_1112 = arith.select %lt3A_1108, %add3A_1111, %xor3A_1105 : vector<16xi1>, vector<16xi32>
    %broadcast_in_dim3A_1113 = vector.shape_cast %select_n3A_1112 : vector<16xi32> to vector<16x1xi32>
    %gather3A_1114 = vector.shape_cast %broadcast_in_dim3A_1113 : vector<16x1xi32> to vector<16xi32>
    %gather3A_1115 = tpu.dynamic_gather %scan3A_5#18[%gather3A_1114] in [0] : vector<16xf32>, vector<16xi32> -> vector<16xf32>
    %add3A_1116 = arith.addf %scan3A_5#18, %gather3A_1115 : vector<16xf32>
    %xor3A_1117 = arith.constant 2 : i32
    %xor3A_1118 = vector.broadcast %xor3A_1117 : i32 to vector<16xi32>
    %xor3A_1119 = arith.xori %iota3A_1102, %xor3A_1118 : vector<16xi32>
    %lt3A_1120 = arith.constant 0 : i32
    %lt3A_1121 = vector.broadcast %lt3A_1120 : i32 to vector<16xi32>
    %lt3A_1122 = arith.cmpi slt, %xor3A_1119, %lt3A_1121 : vector<16xi32>
    %add3A_1123 = arith.constant 16 : i32
    %add3A_1124 = vector.broadcast %add3A_1123 : i32 to vector<16xi32>
    %add3A_1125 = arith.addi %xor3A_1119, %add3A_1124 : vector<16xi32>
    %select_n3A_1126 = arith.select %lt3A_1122, %add3A_1125, %xor3A_1119 : vector<16xi1>, vector<16xi32>
    %broadcast_in_dim3A_1127 = vector.shape_cast %select_n3A_1126 : vector<16xi32> to vector<16x1xi32>
    %gather3A_1128 = vector.shape_cast %broadcast_in_dim3A_1127 : vector<16x1xi32> to vector<16xi32>
    %gather3A_1129 = tpu.dynamic_gather %add3A_1116[%gather3A_1128] in [0] : vector<16xf32>, vector<16xi32> -> vector<16xf32>
    %add3A_1130 = arith.addf %add3A_1116, %gather3A_1129 : vector<16xf32>
    %xor3A_1131 = arith.constant 4 : i32
    %xor3A_1132 = vector.broadcast %xor3A_1131 : i32 to vector<16xi32>
    %xor3A_1133 = arith.xori %iota3A_1102, %xor3A_1132 : vector<16xi32>
    %lt3A_1134 = arith.constant 0 : i32
    %lt3A_1135 = vector.broadcast %lt3A_1134 : i32 to vector<16xi32>
    %lt3A_1136 = arith.cmpi slt, %xor3A_1133, %lt3A_1135 : vector<16xi32>
    %add3A_1137 = arith.constant 16 : i32
    %add3A_1138 = vector.broadcast %add3A_1137 : i32 to vector<16xi32>
    %add3A_1139 = arith.addi %xor3A_1133, %add3A_1138 : vector<16xi32>
    %select_n3A_1140 = arith.select %lt3A_1136, %add3A_1139, %xor3A_1133 : vector<16xi1>, vector<16xi32>
    %broadcast_in_dim3A_1141 = vector.shape_cast %select_n3A_1140 : vector<16xi32> to vector<16x1xi32>
    %gather3A_1142 = vector.shape_cast %broadcast_in_dim3A_1141 : vector<16x1xi32> to vector<16xi32>
    %gather3A_1143 = tpu.dynamic_gather %add3A_1130[%gather3A_1142] in [0] : vector<16xf32>, vector<16xi32> -> vector<16xf32>
    %add3A_1144 = arith.addf %add3A_1130, %gather3A_1143 : vector<16xf32>
    %xor3A_1145 = arith.constant 8 : i32
    %xor3A_1146 = vector.broadcast %xor3A_1145 : i32 to vector<16xi32>
    %xor3A_1147 = arith.xori %iota3A_1102, %xor3A_1146 : vector<16xi32>
    %lt3A_1148 = arith.constant 0 : i32
    %lt3A_1149 = vector.broadcast %lt3A_1148 : i32 to vector<16xi32>
    %lt3A_1150 = arith.cmpi slt, %xor3A_1147, %lt3A_1149 : vector<16xi32>
    %add3A_1151 = arith.constant 16 : i32
    %add3A_1152 = vector.broadcast %add3A_1151 : i32 to vector<16xi32>
    %add3A_1153 = arith.addi %xor3A_1147, %add3A_1152 : vector<16xi32>
    %select_n3A_1154 = arith.select %lt3A_1150, %add3A_1153, %xor3A_1147 : vector<16xi1>, vector<16xi32>
    %broadcast_in_dim3A_1155 = vector.shape_cast %select_n3A_1154 : vector<16xi32> to vector<16x1xi32>
    %gather3A_1156 = vector.shape_cast %broadcast_in_dim3A_1155 : vector<16x1xi32> to vector<16xi32>
    %gather3A_1157 = tpu.dynamic_gather %add3A_1144[%gather3A_1156] in [0] : vector<16xf32>, vector<16xi32> -> vector<16xf32>
    %add3A_1158 = arith.addf %add3A_1144, %gather3A_1157 : vector<16xf32>
    %select_n3A_1159 = arith.select %eq3A_1101, %add3A_1158, %select_n3A_976 : vector<16xi1>, vector<16xf32>
    %eq3A_1160 = arith.constant 6 : i32
    %eq3A_1161 = vector.broadcast %eq3A_1160 : i32 to vector<16xi32>
    %eq3A_1162 = arith.cmpi eq, %iota3A, %eq3A_1161 : vector<16xi32>
    %iota3A_1163 = tpu.iota {dimensions = array<i32: 0>} : vector<16xi32>
    %xor3A_1164 = arith.constant 1 : i32
    %xor3A_1165 = vector.broadcast %xor3A_1164 : i32 to vector<16xi32>
    %xor3A_1166 = arith.xori %iota3A_1163, %xor3A_1165 : vector<16xi32>
    %lt3A_1167 = arith.constant 0 : i32
    %lt3A_1168 = vector.broadcast %lt3A_1167 : i32 to vector<16xi32>
    %lt3A_1169 = arith.cmpi slt, %xor3A_1166, %lt3A_1168 : vector<16xi32>
    %add3A_1170 = arith.constant 16 : i32
    %add3A_1171 = vector.broadcast %add3A_1170 : i32 to vector<16xi32>
    %add3A_1172 = arith.addi %xor3A_1166, %add3A_1171 : vector<16xi32>
    %select_n3A_1173 = arith.select %lt3A_1169, %add3A_1172, %xor3A_1166 : vector<16xi1>, vector<16xi32>
    %broadcast_in_dim3A_1174 = vector.shape_cast %select_n3A_1173 : vector<16xi32> to vector<16x1xi32>
    %gather3A_1175 = vector.shape_cast %broadcast_in_dim3A_1174 : vector<16x1xi32> to vector<16xi32>
    %gather3A_1176 = tpu.dynamic_gather %scan3A_5#19[%gather3A_1175] in [0] : vector<16xf32>, vector<16xi32> -> vector<16xf32>
    %add3A_1177 = arith.addf %scan3A_5#19, %gather3A_1176 : vector<16xf32>
    %xor3A_1178 = arith.constant 2 : i32
    %xor3A_1179 = vector.broadcast %xor3A_1178 : i32 to vector<16xi32>
    %xor3A_1180 = arith.xori %iota3A_1163, %xor3A_1179 : vector<16xi32>
    %lt3A_1181 = arith.constant 0 : i32
    %lt3A_1182 = vector.broadcast %lt3A_1181 : i32 to vector<16xi32>
    %lt3A_1183 = arith.cmpi slt, %xor3A_1180, %lt3A_1182 : vector<16xi32>
    %add3A_1184 = arith.constant 16 : i32
    %add3A_1185 = vector.broadcast %add3A_1184 : i32 to vector<16xi32>
    %add3A_1186 = arith.addi %xor3A_1180, %add3A_1185 : vector<16xi32>
    %select_n3A_1187 = arith.select %lt3A_1183, %add3A_1186, %xor3A_1180 : vector<16xi1>, vector<16xi32>
    %broadcast_in_dim3A_1188 = vector.shape_cast %select_n3A_1187 : vector<16xi32> to vector<16x1xi32>
    %gather3A_1189 = vector.shape_cast %broadcast_in_dim3A_1188 : vector<16x1xi32> to vector<16xi32>
    %gather3A_1190 = tpu.dynamic_gather %add3A_1177[%gather3A_1189] in [0] : vector<16xf32>, vector<16xi32> -> vector<16xf32>
    %add3A_1191 = arith.addf %add3A_1177, %gather3A_1190 : vector<16xf32>
    %xor3A_1192 = arith.constant 4 : i32
    %xor3A_1193 = vector.broadcast %xor3A_1192 : i32 to vector<16xi32>
    %xor3A_1194 = arith.xori %iota3A_1163, %xor3A_1193 : vector<16xi32>
    %lt3A_1195 = arith.constant 0 : i32
    %lt3A_1196 = vector.broadcast %lt3A_1195 : i32 to vector<16xi32>
    %lt3A_1197 = arith.cmpi slt, %xor3A_1194, %lt3A_1196 : vector<16xi32>
    %add3A_1198 = arith.constant 16 : i32
    %add3A_1199 = vector.broadcast %add3A_1198 : i32 to vector<16xi32>
    %add3A_1200 = arith.addi %xor3A_1194, %add3A_1199 : vector<16xi32>
    %select_n3A_1201 = arith.select %lt3A_1197, %add3A_1200, %xor3A_1194 : vector<16xi1>, vector<16xi32>
    %broadcast_in_dim3A_1202 = vector.shape_cast %select_n3A_1201 : vector<16xi32> to vector<16x1xi32>
    %gather3A_1203 = vector.shape_cast %broadcast_in_dim3A_1202 : vector<16x1xi32> to vector<16xi32>
    %gather3A_1204 = tpu.dynamic_gather %add3A_1191[%gather3A_1203] in [0] : vector<16xf32>, vector<16xi32> -> vector<16xf32>
    %add3A_1205 = arith.addf %add3A_1191, %gather3A_1204 : vector<16xf32>
    %xor3A_1206 = arith.constant 8 : i32
    %xor3A_1207 = vector.broadcast %xor3A_1206 : i32 to vector<16xi32>
    %xor3A_1208 = arith.xori %iota3A_1163, %xor3A_1207 : vector<16xi32>
    %lt3A_1209 = arith.constant 0 : i32
    %lt3A_1210 = vector.broadcast %lt3A_1209 : i32 to vector<16xi32>
    %lt3A_1211 = arith.cmpi slt, %xor3A_1208, %lt3A_1210 : vector<16xi32>
    %add3A_1212 = arith.constant 16 : i32
    %add3A_1213 = vector.broadcast %add3A_1212 : i32 to vector<16xi32>
    %add3A_1214 = arith.addi %xor3A_1208, %add3A_1213 : vector<16xi32>
    %select_n3A_1215 = arith.select %lt3A_1211, %add3A_1214, %xor3A_1208 : vector<16xi1>, vector<16xi32>
    %broadcast_in_dim3A_1216 = vector.shape_cast %select_n3A_1215 : vector<16xi32> to vector<16x1xi32>
    %gather3A_1217 = vector.shape_cast %broadcast_in_dim3A_1216 : vector<16x1xi32> to vector<16xi32>
    %gather3A_1218 = tpu.dynamic_gather %add3A_1205[%gather3A_1217] in [0] : vector<16xf32>, vector<16xi32> -> vector<16xf32>
    %add3A_1219 = arith.addf %add3A_1205, %gather3A_1218 : vector<16xf32>
    %select_n3A_1220 = arith.select %eq3A_1162, %add3A_1219, %select_n3A_1037 : vector<16xi1>, vector<16xf32>
    %eq3A_1221 = arith.constant 6 : i32
    %eq3A_1222 = vector.broadcast %eq3A_1221 : i32 to vector<16xi32>
    %eq3A_1223 = arith.cmpi eq, %iota3A, %eq3A_1222 : vector<16xi32>
    %iota3A_1224 = tpu.iota {dimensions = array<i32: 0>} : vector<16xi32>
    %xor3A_1225 = arith.constant 1 : i32
    %xor3A_1226 = vector.broadcast %xor3A_1225 : i32 to vector<16xi32>
    %xor3A_1227 = arith.xori %iota3A_1224, %xor3A_1226 : vector<16xi32>
    %lt3A_1228 = arith.constant 0 : i32
    %lt3A_1229 = vector.broadcast %lt3A_1228 : i32 to vector<16xi32>
    %lt3A_1230 = arith.cmpi slt, %xor3A_1227, %lt3A_1229 : vector<16xi32>
    %add3A_1231 = arith.constant 16 : i32
    %add3A_1232 = vector.broadcast %add3A_1231 : i32 to vector<16xi32>
    %add3A_1233 = arith.addi %xor3A_1227, %add3A_1232 : vector<16xi32>
    %select_n3A_1234 = arith.select %lt3A_1230, %add3A_1233, %xor3A_1227 : vector<16xi1>, vector<16xi32>
    %broadcast_in_dim3A_1235 = vector.shape_cast %select_n3A_1234 : vector<16xi32> to vector<16x1xi32>
    %gather3A_1236 = vector.shape_cast %broadcast_in_dim3A_1235 : vector<16x1xi32> to vector<16xi32>
    %gather3A_1237 = tpu.dynamic_gather %scan3A_5#20[%gather3A_1236] in [0] : vector<16xf32>, vector<16xi32> -> vector<16xf32>
    %add3A_1238 = arith.addf %scan3A_5#20, %gather3A_1237 : vector<16xf32>
    %xor3A_1239 = arith.constant 2 : i32
    %xor3A_1240 = vector.broadcast %xor3A_1239 : i32 to vector<16xi32>
    %xor3A_1241 = arith.xori %iota3A_1224, %xor3A_1240 : vector<16xi32>
    %lt3A_1242 = arith.constant 0 : i32
    %lt3A_1243 = vector.broadcast %lt3A_1242 : i32 to vector<16xi32>
    %lt3A_1244 = arith.cmpi slt, %xor3A_1241, %lt3A_1243 : vector<16xi32>
    %add3A_1245 = arith.constant 16 : i32
    %add3A_1246 = vector.broadcast %add3A_1245 : i32 to vector<16xi32>
    %add3A_1247 = arith.addi %xor3A_1241, %add3A_1246 : vector<16xi32>
    %select_n3A_1248 = arith.select %lt3A_1244, %add3A_1247, %xor3A_1241 : vector<16xi1>, vector<16xi32>
    %broadcast_in_dim3A_1249 = vector.shape_cast %select_n3A_1248 : vector<16xi32> to vector<16x1xi32>
    %gather3A_1250 = vector.shape_cast %broadcast_in_dim3A_1249 : vector<16x1xi32> to vector<16xi32>
    %gather3A_1251 = tpu.dynamic_gather %add3A_1238[%gather3A_1250] in [0] : vector<16xf32>, vector<16xi32> -> vector<16xf32>
    %add3A_1252 = arith.addf %add3A_1238, %gather3A_1251 : vector<16xf32>
    %xor3A_1253 = arith.constant 4 : i32
    %xor3A_1254 = vector.broadcast %xor3A_1253 : i32 to vector<16xi32>
    %xor3A_1255 = arith.xori %iota3A_1224, %xor3A_1254 : vector<16xi32>
    %lt3A_1256 = arith.constant 0 : i32
    %lt3A_1257 = vector.broadcast %lt3A_1256 : i32 to vector<16xi32>
    %lt3A_1258 = arith.cmpi slt, %xor3A_1255, %lt3A_1257 : vector<16xi32>
    %add3A_1259 = arith.constant 16 : i32
    %add3A_1260 = vector.broadcast %add3A_1259 : i32 to vector<16xi32>
    %add3A_1261 = arith.addi %xor3A_1255, %add3A_1260 : vector<16xi32>
    %select_n3A_1262 = arith.select %lt3A_1258, %add3A_1261, %xor3A_1255 : vector<16xi1>, vector<16xi32>
    %broadcast_in_dim3A_1263 = vector.shape_cast %select_n3A_1262 : vector<16xi32> to vector<16x1xi32>
    %gather3A_1264 = vector.shape_cast %broadcast_in_dim3A_1263 : vector<16x1xi32> to vector<16xi32>
    %gather3A_1265 = tpu.dynamic_gather %add3A_1252[%gather3A_1264] in [0] : vector<16xf32>, vector<16xi32> -> vector<16xf32>
    %add3A_1266 = arith.addf %add3A_1252, %gather3A_1265 : vector<16xf32>
    %xor3A_1267 = arith.constant 8 : i32
    %xor3A_1268 = vector.broadcast %xor3A_1267 : i32 to vector<16xi32>
    %xor3A_1269 = arith.xori %iota3A_1224, %xor3A_1268 : vector<16xi32>
    %lt3A_1270 = arith.constant 0 : i32
    %lt3A_1271 = vector.broadcast %lt3A_1270 : i32 to vector<16xi32>
    %lt3A_1272 = arith.cmpi slt, %xor3A_1269, %lt3A_1271 : vector<16xi32>
    %add3A_1273 = arith.constant 16 : i32
    %add3A_1274 = vector.broadcast %add3A_1273 : i32 to vector<16xi32>
    %add3A_1275 = arith.addi %xor3A_1269, %add3A_1274 : vector<16xi32>
    %select_n3A_1276 = arith.select %lt3A_1272, %add3A_1275, %xor3A_1269 : vector<16xi1>, vector<16xi32>
    %broadcast_in_dim3A_1277 = vector.shape_cast %select_n3A_1276 : vector<16xi32> to vector<16x1xi32>
    %gather3A_1278 = vector.shape_cast %broadcast_in_dim3A_1277 : vector<16x1xi32> to vector<16xi32>
    %gather3A_1279 = tpu.dynamic_gather %add3A_1266[%gather3A_1278] in [0] : vector<16xf32>, vector<16xi32> -> vector<16xf32>
    %add3A_1280 = arith.addf %add3A_1266, %gather3A_1279 : vector<16xf32>
    %select_n3A_1281 = arith.select %eq3A_1223, %add3A_1280, %select_n3A_1098 : vector<16xi1>, vector<16xf32>
    %eq3A_1282 = arith.constant 7 : i32
    %eq3A_1283 = vector.broadcast %eq3A_1282 : i32 to vector<16xi32>
    %eq3A_1284 = arith.cmpi eq, %iota3A, %eq3A_1283 : vector<16xi32>
    %iota3A_1285 = tpu.iota {dimensions = array<i32: 0>} : vector<16xi32>
    %xor3A_1286 = arith.constant 1 : i32
    %xor3A_1287 = vector.broadcast %xor3A_1286 : i32 to vector<16xi32>
    %xor3A_1288 = arith.xori %iota3A_1285, %xor3A_1287 : vector<16xi32>
    %lt3A_1289 = arith.constant 0 : i32
    %lt3A_1290 = vector.broadcast %lt3A_1289 : i32 to vector<16xi32>
    %lt3A_1291 = arith.cmpi slt, %xor3A_1288, %lt3A_1290 : vector<16xi32>
    %add3A_1292 = arith.constant 16 : i32
    %add3A_1293 = vector.broadcast %add3A_1292 : i32 to vector<16xi32>
    %add3A_1294 = arith.addi %xor3A_1288, %add3A_1293 : vector<16xi32>
    %select_n3A_1295 = arith.select %lt3A_1291, %add3A_1294, %xor3A_1288 : vector<16xi1>, vector<16xi32>
    %broadcast_in_dim3A_1296 = vector.shape_cast %select_n3A_1295 : vector<16xi32> to vector<16x1xi32>
    %gather3A_1297 = vector.shape_cast %broadcast_in_dim3A_1296 : vector<16x1xi32> to vector<16xi32>
    %gather3A_1298 = tpu.dynamic_gather %scan3A_5#21[%gather3A_1297] in [0] : vector<16xf32>, vector<16xi32> -> vector<16xf32>
    %add3A_1299 = arith.addf %scan3A_5#21, %gather3A_1298 : vector<16xf32>
    %xor3A_1300 = arith.constant 2 : i32
    %xor3A_1301 = vector.broadcast %xor3A_1300 : i32 to vector<16xi32>
    %xor3A_1302 = arith.xori %iota3A_1285, %xor3A_1301 : vector<16xi32>
    %lt3A_1303 = arith.constant 0 : i32
    %lt3A_1304 = vector.broadcast %lt3A_1303 : i32 to vector<16xi32>
    %lt3A_1305 = arith.cmpi slt, %xor3A_1302, %lt3A_1304 : vector<16xi32>
    %add3A_1306 = arith.constant 16 : i32
    %add3A_1307 = vector.broadcast %add3A_1306 : i32 to vector<16xi32>
    %add3A_1308 = arith.addi %xor3A_1302, %add3A_1307 : vector<16xi32>
    %select_n3A_1309 = arith.select %lt3A_1305, %add3A_1308, %xor3A_1302 : vector<16xi1>, vector<16xi32>
    %broadcast_in_dim3A_1310 = vector.shape_cast %select_n3A_1309 : vector<16xi32> to vector<16x1xi32>
    %gather3A_1311 = vector.shape_cast %broadcast_in_dim3A_1310 : vector<16x1xi32> to vector<16xi32>
    %gather3A_1312 = tpu.dynamic_gather %add3A_1299[%gather3A_1311] in [0] : vector<16xf32>, vector<16xi32> -> vector<16xf32>
    %add3A_1313 = arith.addf %add3A_1299, %gather3A_1312 : vector<16xf32>
    %xor3A_1314 = arith.constant 4 : i32
    %xor3A_1315 = vector.broadcast %xor3A_1314 : i32 to vector<16xi32>
    %xor3A_1316 = arith.xori %iota3A_1285, %xor3A_1315 : vector<16xi32>
    %lt3A_1317 = arith.constant 0 : i32
    %lt3A_1318 = vector.broadcast %lt3A_1317 : i32 to vector<16xi32>
    %lt3A_1319 = arith.cmpi slt, %xor3A_1316, %lt3A_1318 : vector<16xi32>
    %add3A_1320 = arith.constant 16 : i32
    %add3A_1321 = vector.broadcast %add3A_1320 : i32 to vector<16xi32>
    %add3A_1322 = arith.addi %xor3A_1316, %add3A_1321 : vector<16xi32>
    %select_n3A_1323 = arith.select %lt3A_1319, %add3A_1322, %xor3A_1316 : vector<16xi1>, vector<16xi32>
    %broadcast_in_dim3A_1324 = vector.shape_cast %select_n3A_1323 : vector<16xi32> to vector<16x1xi32>
    %gather3A_1325 = vector.shape_cast %broadcast_in_dim3A_1324 : vector<16x1xi32> to vector<16xi32>
    %gather3A_1326 = tpu.dynamic_gather %add3A_1313[%gather3A_1325] in [0] : vector<16xf32>, vector<16xi32> -> vector<16xf32>
    %add3A_1327 = arith.addf %add3A_1313, %gather3A_1326 : vector<16xf32>
    %xor3A_1328 = arith.constant 8 : i32
    %xor3A_1329 = vector.broadcast %xor3A_1328 : i32 to vector<16xi32>
    %xor3A_1330 = arith.xori %iota3A_1285, %xor3A_1329 : vector<16xi32>
    %lt3A_1331 = arith.constant 0 : i32
    %lt3A_1332 = vector.broadcast %lt3A_1331 : i32 to vector<16xi32>
    %lt3A_1333 = arith.cmpi slt, %xor3A_1330, %lt3A_1332 : vector<16xi32>
    %add3A_1334 = arith.constant 16 : i32
    %add3A_1335 = vector.broadcast %add3A_1334 : i32 to vector<16xi32>
    %add3A_1336 = arith.addi %xor3A_1330, %add3A_1335 : vector<16xi32>
    %select_n3A_1337 = arith.select %lt3A_1333, %add3A_1336, %xor3A_1330 : vector<16xi1>, vector<16xi32>
    %broadcast_in_dim3A_1338 = vector.shape_cast %select_n3A_1337 : vector<16xi32> to vector<16x1xi32>
    %gather3A_1339 = vector.shape_cast %broadcast_in_dim3A_1338 : vector<16x1xi32> to vector<16xi32>
    %gather3A_1340 = tpu.dynamic_gather %add3A_1327[%gather3A_1339] in [0] : vector<16xf32>, vector<16xi32> -> vector<16xf32>
    %add3A_1341 = arith.addf %add3A_1327, %gather3A_1340 : vector<16xf32>
    %select_n3A_1342 = arith.select %eq3A_1284, %add3A_1341, %select_n3A_1159 : vector<16xi1>, vector<16xf32>
    %eq3A_1343 = arith.constant 7 : i32
    %eq3A_1344 = vector.broadcast %eq3A_1343 : i32 to vector<16xi32>
    %eq3A_1345 = arith.cmpi eq, %iota3A, %eq3A_1344 : vector<16xi32>
    %iota3A_1346 = tpu.iota {dimensions = array<i32: 0>} : vector<16xi32>
    %xor3A_1347 = arith.constant 1 : i32
    %xor3A_1348 = vector.broadcast %xor3A_1347 : i32 to vector<16xi32>
    %xor3A_1349 = arith.xori %iota3A_1346, %xor3A_1348 : vector<16xi32>
    %lt3A_1350 = arith.constant 0 : i32
    %lt3A_1351 = vector.broadcast %lt3A_1350 : i32 to vector<16xi32>
    %lt3A_1352 = arith.cmpi slt, %xor3A_1349, %lt3A_1351 : vector<16xi32>
    %add3A_1353 = arith.constant 16 : i32
    %add3A_1354 = vector.broadcast %add3A_1353 : i32 to vector<16xi32>
    %add3A_1355 = arith.addi %xor3A_1349, %add3A_1354 : vector<16xi32>
    %select_n3A_1356 = arith.select %lt3A_1352, %add3A_1355, %xor3A_1349 : vector<16xi1>, vector<16xi32>
    %broadcast_in_dim3A_1357 = vector.shape_cast %select_n3A_1356 : vector<16xi32> to vector<16x1xi32>
    %gather3A_1358 = vector.shape_cast %broadcast_in_dim3A_1357 : vector<16x1xi32> to vector<16xi32>
    %gather3A_1359 = tpu.dynamic_gather %scan3A_5#22[%gather3A_1358] in [0] : vector<16xf32>, vector<16xi32> -> vector<16xf32>
    %add3A_1360 = arith.addf %scan3A_5#22, %gather3A_1359 : vector<16xf32>
    %xor3A_1361 = arith.constant 2 : i32
    %xor3A_1362 = vector.broadcast %xor3A_1361 : i32 to vector<16xi32>
    %xor3A_1363 = arith.xori %iota3A_1346, %xor3A_1362 : vector<16xi32>
    %lt3A_1364 = arith.constant 0 : i32
    %lt3A_1365 = vector.broadcast %lt3A_1364 : i32 to vector<16xi32>
    %lt3A_1366 = arith.cmpi slt, %xor3A_1363, %lt3A_1365 : vector<16xi32>
    %add3A_1367 = arith.constant 16 : i32
    %add3A_1368 = vector.broadcast %add3A_1367 : i32 to vector<16xi32>
    %add3A_1369 = arith.addi %xor3A_1363, %add3A_1368 : vector<16xi32>
    %select_n3A_1370 = arith.select %lt3A_1366, %add3A_1369, %xor3A_1363 : vector<16xi1>, vector<16xi32>
    %broadcast_in_dim3A_1371 = vector.shape_cast %select_n3A_1370 : vector<16xi32> to vector<16x1xi32>
    %gather3A_1372 = vector.shape_cast %broadcast_in_dim3A_1371 : vector<16x1xi32> to vector<16xi32>
    %gather3A_1373 = tpu.dynamic_gather %add3A_1360[%gather3A_1372] in [0] : vector<16xf32>, vector<16xi32> -> vector<16xf32>
    %add3A_1374 = arith.addf %add3A_1360, %gather3A_1373 : vector<16xf32>
    %xor3A_1375 = arith.constant 4 : i32
    %xor3A_1376 = vector.broadcast %xor3A_1375 : i32 to vector<16xi32>
    %xor3A_1377 = arith.xori %iota3A_1346, %xor3A_1376 : vector<16xi32>
    %lt3A_1378 = arith.constant 0 : i32
    %lt3A_1379 = vector.broadcast %lt3A_1378 : i32 to vector<16xi32>
    %lt3A_1380 = arith.cmpi slt, %xor3A_1377, %lt3A_1379 : vector<16xi32>
    %add3A_1381 = arith.constant 16 : i32
    %add3A_1382 = vector.broadcast %add3A_1381 : i32 to vector<16xi32>
    %add3A_1383 = arith.addi %xor3A_1377, %add3A_1382 : vector<16xi32>
    %select_n3A_1384 = arith.select %lt3A_1380, %add3A_1383, %xor3A_1377 : vector<16xi1>, vector<16xi32>
    %broadcast_in_dim3A_1385 = vector.shape_cast %select_n3A_1384 : vector<16xi32> to vector<16x1xi32>
    %gather3A_1386 = vector.shape_cast %broadcast_in_dim3A_1385 : vector<16x1xi32> to vector<16xi32>
    %gather3A_1387 = tpu.dynamic_gather %add3A_1374[%gather3A_1386] in [0] : vector<16xf32>, vector<16xi32> -> vector<16xf32>
    %add3A_1388 = arith.addf %add3A_1374, %gather3A_1387 : vector<16xf32>
    %xor3A_1389 = arith.constant 8 : i32
    %xor3A_1390 = vector.broadcast %xor3A_1389 : i32 to vector<16xi32>
    %xor3A_1391 = arith.xori %iota3A_1346, %xor3A_1390 : vector<16xi32>
    %lt3A_1392 = arith.constant 0 : i32
    %lt3A_1393 = vector.broadcast %lt3A_1392 : i32 to vector<16xi32>
    %lt3A_1394 = arith.cmpi slt, %xor3A_1391, %lt3A_1393 : vector<16xi32>
    %add3A_1395 = arith.constant 16 : i32
    %add3A_1396 = vector.broadcast %add3A_1395 : i32 to vector<16xi32>
    %add3A_1397 = arith.addi %xor3A_1391, %add3A_1396 : vector<16xi32>
    %select_n3A_1398 = arith.select %lt3A_1394, %add3A_1397, %xor3A_1391 : vector<16xi1>, vector<16xi32>
    %broadcast_in_dim3A_1399 = vector.shape_cast %select_n3A_1398 : vector<16xi32> to vector<16x1xi32>
    %gather3A_1400 = vector.shape_cast %broadcast_in_dim3A_1399 : vector<16x1xi32> to vector<16xi32>
    %gather3A_1401 = tpu.dynamic_gather %add3A_1388[%gather3A_1400] in [0] : vector<16xf32>, vector<16xi32> -> vector<16xf32>
    %add3A_1402 = arith.addf %add3A_1388, %gather3A_1401 : vector<16xf32>
    %select_n3A_1403 = arith.select %eq3A_1345, %add3A_1402, %select_n3A_1220 : vector<16xi1>, vector<16xf32>
    %eq3A_1404 = arith.constant 7 : i32
    %eq3A_1405 = vector.broadcast %eq3A_1404 : i32 to vector<16xi32>
    %eq3A_1406 = arith.cmpi eq, %iota3A, %eq3A_1405 : vector<16xi32>
    %iota3A_1407 = tpu.iota {dimensions = array<i32: 0>} : vector<16xi32>
    %xor3A_1408 = arith.constant 1 : i32
    %xor3A_1409 = vector.broadcast %xor3A_1408 : i32 to vector<16xi32>
    %xor3A_1410 = arith.xori %iota3A_1407, %xor3A_1409 : vector<16xi32>
    %lt3A_1411 = arith.constant 0 : i32
    %lt3A_1412 = vector.broadcast %lt3A_1411 : i32 to vector<16xi32>
    %lt3A_1413 = arith.cmpi slt, %xor3A_1410, %lt3A_1412 : vector<16xi32>
    %add3A_1414 = arith.constant 16 : i32
    %add3A_1415 = vector.broadcast %add3A_1414 : i32 to vector<16xi32>
    %add3A_1416 = arith.addi %xor3A_1410, %add3A_1415 : vector<16xi32>
    %select_n3A_1417 = arith.select %lt3A_1413, %add3A_1416, %xor3A_1410 : vector<16xi1>, vector<16xi32>
    %broadcast_in_dim3A_1418 = vector.shape_cast %select_n3A_1417 : vector<16xi32> to vector<16x1xi32>
    %gather3A_1419 = vector.shape_cast %broadcast_in_dim3A_1418 : vector<16x1xi32> to vector<16xi32>
    %gather3A_1420 = tpu.dynamic_gather %scan3A_5#23[%gather3A_1419] in [0] : vector<16xf32>, vector<16xi32> -> vector<16xf32>
    %add3A_1421 = arith.addf %scan3A_5#23, %gather3A_1420 : vector<16xf32>
    %xor3A_1422 = arith.constant 2 : i32
    %xor3A_1423 = vector.broadcast %xor3A_1422 : i32 to vector<16xi32>
    %xor3A_1424 = arith.xori %iota3A_1407, %xor3A_1423 : vector<16xi32>
    %lt3A_1425 = arith.constant 0 : i32
    %lt3A_1426 = vector.broadcast %lt3A_1425 : i32 to vector<16xi32>
    %lt3A_1427 = arith.cmpi slt, %xor3A_1424, %lt3A_1426 : vector<16xi32>
    %add3A_1428 = arith.constant 16 : i32
    %add3A_1429 = vector.broadcast %add3A_1428 : i32 to vector<16xi32>
    %add3A_1430 = arith.addi %xor3A_1424, %add3A_1429 : vector<16xi32>
    %select_n3A_1431 = arith.select %lt3A_1427, %add3A_1430, %xor3A_1424 : vector<16xi1>, vector<16xi32>
    %broadcast_in_dim3A_1432 = vector.shape_cast %select_n3A_1431 : vector<16xi32> to vector<16x1xi32>
    %gather3A_1433 = vector.shape_cast %broadcast_in_dim3A_1432 : vector<16x1xi32> to vector<16xi32>
    %gather3A_1434 = tpu.dynamic_gather %add3A_1421[%gather3A_1433] in [0] : vector<16xf32>, vector<16xi32> -> vector<16xf32>
    %add3A_1435 = arith.addf %add3A_1421, %gather3A_1434 : vector<16xf32>
    %xor3A_1436 = arith.constant 4 : i32
    %xor3A_1437 = vector.broadcast %xor3A_1436 : i32 to vector<16xi32>
    %xor3A_1438 = arith.xori %iota3A_1407, %xor3A_1437 : vector<16xi32>
    %lt3A_1439 = arith.constant 0 : i32
    %lt3A_1440 = vector.broadcast %lt3A_1439 : i32 to vector<16xi32>
    %lt3A_1441 = arith.cmpi slt, %xor3A_1438, %lt3A_1440 : vector<16xi32>
    %add3A_1442 = arith.constant 16 : i32
    %add3A_1443 = vector.broadcast %add3A_1442 : i32 to vector<16xi32>
    %add3A_1444 = arith.addi %xor3A_1438, %add3A_1443 : vector<16xi32>
    %select_n3A_1445 = arith.select %lt3A_1441, %add3A_1444, %xor3A_1438 : vector<16xi1>, vector<16xi32>
    %broadcast_in_dim3A_1446 = vector.shape_cast %select_n3A_1445 : vector<16xi32> to vector<16x1xi32>
    %gather3A_1447 = vector.shape_cast %broadcast_in_dim3A_1446 : vector<16x1xi32> to vector<16xi32>
    %gather3A_1448 = tpu.dynamic_gather %add3A_1435[%gather3A_1447] in [0] : vector<16xf32>, vector<16xi32> -> vector<16xf32>
    %add3A_1449 = arith.addf %add3A_1435, %gather3A_1448 : vector<16xf32>
    %xor3A_1450 = arith.constant 8 : i32
    %xor3A_1451 = vector.broadcast %xor3A_1450 : i32 to vector<16xi32>
    %xor3A_1452 = arith.xori %iota3A_1407, %xor3A_1451 : vector<16xi32>
    %lt3A_1453 = arith.constant 0 : i32
    %lt3A_1454 = vector.broadcast %lt3A_1453 : i32 to vector<16xi32>
    %lt3A_1455 = arith.cmpi slt, %xor3A_1452, %lt3A_1454 : vector<16xi32>
    %add3A_1456 = arith.constant 16 : i32
    %add3A_1457 = vector.broadcast %add3A_1456 : i32 to vector<16xi32>
    %add3A_1458 = arith.addi %xor3A_1452, %add3A_1457 : vector<16xi32>
    %select_n3A_1459 = arith.select %lt3A_1455, %add3A_1458, %xor3A_1452 : vector<16xi1>, vector<16xi32>
    %broadcast_in_dim3A_1460 = vector.shape_cast %select_n3A_1459 : vector<16xi32> to vector<16x1xi32>
    %gather3A_1461 = vector.shape_cast %broadcast_in_dim3A_1460 : vector<16x1xi32> to vector<16xi32>
    %gather3A_1462 = tpu.dynamic_gather %add3A_1449[%gather3A_1461] in [0] : vector<16xf32>, vector<16xi32> -> vector<16xf32>
    %add3A_1463 = arith.addf %add3A_1449, %gather3A_1462 : vector<16xf32>
    %select_n3A_1464 = arith.select %eq3A_1406, %add3A_1463, %select_n3A_1281 : vector<16xi1>, vector<16xf32>
    %eq3A_1465 = arith.constant 8 : i32
    %eq3A_1466 = vector.broadcast %eq3A_1465 : i32 to vector<16xi32>
    %eq3A_1467 = arith.cmpi eq, %iota3A, %eq3A_1466 : vector<16xi32>
    %iota3A_1468 = tpu.iota {dimensions = array<i32: 0>} : vector<16xi32>
    %xor3A_1469 = arith.constant 1 : i32
    %xor3A_1470 = vector.broadcast %xor3A_1469 : i32 to vector<16xi32>
    %xor3A_1471 = arith.xori %iota3A_1468, %xor3A_1470 : vector<16xi32>
    %lt3A_1472 = arith.constant 0 : i32
    %lt3A_1473 = vector.broadcast %lt3A_1472 : i32 to vector<16xi32>
    %lt3A_1474 = arith.cmpi slt, %xor3A_1471, %lt3A_1473 : vector<16xi32>
    %add3A_1475 = arith.constant 16 : i32
    %add3A_1476 = vector.broadcast %add3A_1475 : i32 to vector<16xi32>
    %add3A_1477 = arith.addi %xor3A_1471, %add3A_1476 : vector<16xi32>
    %select_n3A_1478 = arith.select %lt3A_1474, %add3A_1477, %xor3A_1471 : vector<16xi1>, vector<16xi32>
    %broadcast_in_dim3A_1479 = vector.shape_cast %select_n3A_1478 : vector<16xi32> to vector<16x1xi32>
    %gather3A_1480 = vector.shape_cast %broadcast_in_dim3A_1479 : vector<16x1xi32> to vector<16xi32>
    %gather3A_1481 = tpu.dynamic_gather %scan3A_5#24[%gather3A_1480] in [0] : vector<16xf32>, vector<16xi32> -> vector<16xf32>
    %add3A_1482 = arith.addf %scan3A_5#24, %gather3A_1481 : vector<16xf32>
    %xor3A_1483 = arith.constant 2 : i32
    %xor3A_1484 = vector.broadcast %xor3A_1483 : i32 to vector<16xi32>
    %xor3A_1485 = arith.xori %iota3A_1468, %xor3A_1484 : vector<16xi32>
    %lt3A_1486 = arith.constant 0 : i32
    %lt3A_1487 = vector.broadcast %lt3A_1486 : i32 to vector<16xi32>
    %lt3A_1488 = arith.cmpi slt, %xor3A_1485, %lt3A_1487 : vector<16xi32>
    %add3A_1489 = arith.constant 16 : i32
    %add3A_1490 = vector.broadcast %add3A_1489 : i32 to vector<16xi32>
    %add3A_1491 = arith.addi %xor3A_1485, %add3A_1490 : vector<16xi32>
    %select_n3A_1492 = arith.select %lt3A_1488, %add3A_1491, %xor3A_1485 : vector<16xi1>, vector<16xi32>
    %broadcast_in_dim3A_1493 = vector.shape_cast %select_n3A_1492 : vector<16xi32> to vector<16x1xi32>
    %gather3A_1494 = vector.shape_cast %broadcast_in_dim3A_1493 : vector<16x1xi32> to vector<16xi32>
    %gather3A_1495 = tpu.dynamic_gather %add3A_1482[%gather3A_1494] in [0] : vector<16xf32>, vector<16xi32> -> vector<16xf32>
    %add3A_1496 = arith.addf %add3A_1482, %gather3A_1495 : vector<16xf32>
    %xor3A_1497 = arith.constant 4 : i32
    %xor3A_1498 = vector.broadcast %xor3A_1497 : i32 to vector<16xi32>
    %xor3A_1499 = arith.xori %iota3A_1468, %xor3A_1498 : vector<16xi32>
    %lt3A_1500 = arith.constant 0 : i32
    %lt3A_1501 = vector.broadcast %lt3A_1500 : i32 to vector<16xi32>
    %lt3A_1502 = arith.cmpi slt, %xor3A_1499, %lt3A_1501 : vector<16xi32>
    %add3A_1503 = arith.constant 16 : i32
    %add3A_1504 = vector.broadcast %add3A_1503 : i32 to vector<16xi32>
    %add3A_1505 = arith.addi %xor3A_1499, %add3A_1504 : vector<16xi32>
    %select_n3A_1506 = arith.select %lt3A_1502, %add3A_1505, %xor3A_1499 : vector<16xi1>, vector<16xi32>
    %broadcast_in_dim3A_1507 = vector.shape_cast %select_n3A_1506 : vector<16xi32> to vector<16x1xi32>
    %gather3A_1508 = vector.shape_cast %broadcast_in_dim3A_1507 : vector<16x1xi32> to vector<16xi32>
    %gather3A_1509 = tpu.dynamic_gather %add3A_1496[%gather3A_1508] in [0] : vector<16xf32>, vector<16xi32> -> vector<16xf32>
    %add3A_1510 = arith.addf %add3A_1496, %gather3A_1509 : vector<16xf32>
    %xor3A_1511 = arith.constant 8 : i32
    %xor3A_1512 = vector.broadcast %xor3A_1511 : i32 to vector<16xi32>
    %xor3A_1513 = arith.xori %iota3A_1468, %xor3A_1512 : vector<16xi32>
    %lt3A_1514 = arith.constant 0 : i32
    %lt3A_1515 = vector.broadcast %lt3A_1514 : i32 to vector<16xi32>
    %lt3A_1516 = arith.cmpi slt, %xor3A_1513, %lt3A_1515 : vector<16xi32>
    %add3A_1517 = arith.constant 16 : i32
    %add3A_1518 = vector.broadcast %add3A_1517 : i32 to vector<16xi32>
    %add3A_1519 = arith.addi %xor3A_1513, %add3A_1518 : vector<16xi32>
    %select_n3A_1520 = arith.select %lt3A_1516, %add3A_1519, %xor3A_1513 : vector<16xi1>, vector<16xi32>
    %broadcast_in_dim3A_1521 = vector.shape_cast %select_n3A_1520 : vector<16xi32> to vector<16x1xi32>
    %gather3A_1522 = vector.shape_cast %broadcast_in_dim3A_1521 : vector<16x1xi32> to vector<16xi32>
    %gather3A_1523 = tpu.dynamic_gather %add3A_1510[%gather3A_1522] in [0] : vector<16xf32>, vector<16xi32> -> vector<16xf32>
    %add3A_1524 = arith.addf %add3A_1510, %gather3A_1523 : vector<16xf32>
    %select_n3A_1525 = arith.select %eq3A_1467, %add3A_1524, %select_n3A_1342 : vector<16xi1>, vector<16xf32>
    %eq3A_1526 = arith.constant 8 : i32
    %eq3A_1527 = vector.broadcast %eq3A_1526 : i32 to vector<16xi32>
    %eq3A_1528 = arith.cmpi eq, %iota3A, %eq3A_1527 : vector<16xi32>
    %iota3A_1529 = tpu.iota {dimensions = array<i32: 0>} : vector<16xi32>
    %xor3A_1530 = arith.constant 1 : i32
    %xor3A_1531 = vector.broadcast %xor3A_1530 : i32 to vector<16xi32>
    %xor3A_1532 = arith.xori %iota3A_1529, %xor3A_1531 : vector<16xi32>
    %lt3A_1533 = arith.constant 0 : i32
    %lt3A_1534 = vector.broadcast %lt3A_1533 : i32 to vector<16xi32>
    %lt3A_1535 = arith.cmpi slt, %xor3A_1532, %lt3A_1534 : vector<16xi32>
    %add3A_1536 = arith.constant 16 : i32
    %add3A_1537 = vector.broadcast %add3A_1536 : i32 to vector<16xi32>
    %add3A_1538 = arith.addi %xor3A_1532, %add3A_1537 : vector<16xi32>
    %select_n3A_1539 = arith.select %lt3A_1535, %add3A_1538, %xor3A_1532 : vector<16xi1>, vector<16xi32>
    %broadcast_in_dim3A_1540 = vector.shape_cast %select_n3A_1539 : vector<16xi32> to vector<16x1xi32>
    %gather3A_1541 = vector.shape_cast %broadcast_in_dim3A_1540 : vector<16x1xi32> to vector<16xi32>
    %gather3A_1542 = tpu.dynamic_gather %scan3A_5#25[%gather3A_1541] in [0] : vector<16xf32>, vector<16xi32> -> vector<16xf32>
    %add3A_1543 = arith.addf %scan3A_5#25, %gather3A_1542 : vector<16xf32>
    %xor3A_1544 = arith.constant 2 : i32
    %xor3A_1545 = vector.broadcast %xor3A_1544 : i32 to vector<16xi32>
    %xor3A_1546 = arith.xori %iota3A_1529, %xor3A_1545 : vector<16xi32>
    %lt3A_1547 = arith.constant 0 : i32
    %lt3A_1548 = vector.broadcast %lt3A_1547 : i32 to vector<16xi32>
    %lt3A_1549 = arith.cmpi slt, %xor3A_1546, %lt3A_1548 : vector<16xi32>
    %add3A_1550 = arith.constant 16 : i32
    %add3A_1551 = vector.broadcast %add3A_1550 : i32 to vector<16xi32>
    %add3A_1552 = arith.addi %xor3A_1546, %add3A_1551 : vector<16xi32>
    %select_n3A_1553 = arith.select %lt3A_1549, %add3A_1552, %xor3A_1546 : vector<16xi1>, vector<16xi32>
    %broadcast_in_dim3A_1554 = vector.shape_cast %select_n3A_1553 : vector<16xi32> to vector<16x1xi32>
    %gather3A_1555 = vector.shape_cast %broadcast_in_dim3A_1554 : vector<16x1xi32> to vector<16xi32>
    %gather3A_1556 = tpu.dynamic_gather %add3A_1543[%gather3A_1555] in [0] : vector<16xf32>, vector<16xi32> -> vector<16xf32>
    %add3A_1557 = arith.addf %add3A_1543, %gather3A_1556 : vector<16xf32>
    %xor3A_1558 = arith.constant 4 : i32
    %xor3A_1559 = vector.broadcast %xor3A_1558 : i32 to vector<16xi32>
    %xor3A_1560 = arith.xori %iota3A_1529, %xor3A_1559 : vector<16xi32>
    %lt3A_1561 = arith.constant 0 : i32
    %lt3A_1562 = vector.broadcast %lt3A_1561 : i32 to vector<16xi32>
    %lt3A_1563 = arith.cmpi slt, %xor3A_1560, %lt3A_1562 : vector<16xi32>
    %add3A_1564 = arith.constant 16 : i32
    %add3A_1565 = vector.broadcast %add3A_1564 : i32 to vector<16xi32>
    %add3A_1566 = arith.addi %xor3A_1560, %add3A_1565 : vector<16xi32>
    %select_n3A_1567 = arith.select %lt3A_1563, %add3A_1566, %xor3A_1560 : vector<16xi1>, vector<16xi32>
    %broadcast_in_dim3A_1568 = vector.shape_cast %select_n3A_1567 : vector<16xi32> to vector<16x1xi32>
    %gather3A_1569 = vector.shape_cast %broadcast_in_dim3A_1568 : vector<16x1xi32> to vector<16xi32>
    %gather3A_1570 = tpu.dynamic_gather %add3A_1557[%gather3A_1569] in [0] : vector<16xf32>, vector<16xi32> -> vector<16xf32>
    %add3A_1571 = arith.addf %add3A_1557, %gather3A_1570 : vector<16xf32>
    %xor3A_1572 = arith.constant 8 : i32
    %xor3A_1573 = vector.broadcast %xor3A_1572 : i32 to vector<16xi32>
    %xor3A_1574 = arith.xori %iota3A_1529, %xor3A_1573 : vector<16xi32>
    %lt3A_1575 = arith.constant 0 : i32
    %lt3A_1576 = vector.broadcast %lt3A_1575 : i32 to vector<16xi32>
    %lt3A_1577 = arith.cmpi slt, %xor3A_1574, %lt3A_1576 : vector<16xi32>
    %add3A_1578 = arith.constant 16 : i32
    %add3A_1579 = vector.broadcast %add3A_1578 : i32 to vector<16xi32>
    %add3A_1580 = arith.addi %xor3A_1574, %add3A_1579 : vector<16xi32>
    %select_n3A_1581 = arith.select %lt3A_1577, %add3A_1580, %xor3A_1574 : vector<16xi1>, vector<16xi32>
    %broadcast_in_dim3A_1582 = vector.shape_cast %select_n3A_1581 : vector<16xi32> to vector<16x1xi32>
    %gather3A_1583 = vector.shape_cast %broadcast_in_dim3A_1582 : vector<16x1xi32> to vector<16xi32>
    %gather3A_1584 = tpu.dynamic_gather %add3A_1571[%gather3A_1583] in [0] : vector<16xf32>, vector<16xi32> -> vector<16xf32>
    %add3A_1585 = arith.addf %add3A_1571, %gather3A_1584 : vector<16xf32>
    %select_n3A_1586 = arith.select %eq3A_1528, %add3A_1585, %select_n3A_1403 : vector<16xi1>, vector<16xf32>
    %eq3A_1587 = arith.constant 8 : i32
    %eq3A_1588 = vector.broadcast %eq3A_1587 : i32 to vector<16xi32>
    %eq3A_1589 = arith.cmpi eq, %iota3A, %eq3A_1588 : vector<16xi32>
    %iota3A_1590 = tpu.iota {dimensions = array<i32: 0>} : vector<16xi32>
    %xor3A_1591 = arith.constant 1 : i32
    %xor3A_1592 = vector.broadcast %xor3A_1591 : i32 to vector<16xi32>
    %xor3A_1593 = arith.xori %iota3A_1590, %xor3A_1592 : vector<16xi32>
    %lt3A_1594 = arith.constant 0 : i32
    %lt3A_1595 = vector.broadcast %lt3A_1594 : i32 to vector<16xi32>
    %lt3A_1596 = arith.cmpi slt, %xor3A_1593, %lt3A_1595 : vector<16xi32>
    %add3A_1597 = arith.constant 16 : i32
    %add3A_1598 = vector.broadcast %add3A_1597 : i32 to vector<16xi32>
    %add3A_1599 = arith.addi %xor3A_1593, %add3A_1598 : vector<16xi32>
    %select_n3A_1600 = arith.select %lt3A_1596, %add3A_1599, %xor3A_1593 : vector<16xi1>, vector<16xi32>
    %broadcast_in_dim3A_1601 = vector.shape_cast %select_n3A_1600 : vector<16xi32> to vector<16x1xi32>
    %gather3A_1602 = vector.shape_cast %broadcast_in_dim3A_1601 : vector<16x1xi32> to vector<16xi32>
    %gather3A_1603 = tpu.dynamic_gather %scan3A_5#26[%gather3A_1602] in [0] : vector<16xf32>, vector<16xi32> -> vector<16xf32>
    %add3A_1604 = arith.addf %scan3A_5#26, %gather3A_1603 : vector<16xf32>
    %xor3A_1605 = arith.constant 2 : i32
    %xor3A_1606 = vector.broadcast %xor3A_1605 : i32 to vector<16xi32>
    %xor3A_1607 = arith.xori %iota3A_1590, %xor3A_1606 : vector<16xi32>
    %lt3A_1608 = arith.constant 0 : i32
    %lt3A_1609 = vector.broadcast %lt3A_1608 : i32 to vector<16xi32>
    %lt3A_1610 = arith.cmpi slt, %xor3A_1607, %lt3A_1609 : vector<16xi32>
    %add3A_1611 = arith.constant 16 : i32
    %add3A_1612 = vector.broadcast %add3A_1611 : i32 to vector<16xi32>
    %add3A_1613 = arith.addi %xor3A_1607, %add3A_1612 : vector<16xi32>
    %select_n3A_1614 = arith.select %lt3A_1610, %add3A_1613, %xor3A_1607 : vector<16xi1>, vector<16xi32>
    %broadcast_in_dim3A_1615 = vector.shape_cast %select_n3A_1614 : vector<16xi32> to vector<16x1xi32>
    %gather3A_1616 = vector.shape_cast %broadcast_in_dim3A_1615 : vector<16x1xi32> to vector<16xi32>
    %gather3A_1617 = tpu.dynamic_gather %add3A_1604[%gather3A_1616] in [0] : vector<16xf32>, vector<16xi32> -> vector<16xf32>
    %add3A_1618 = arith.addf %add3A_1604, %gather3A_1617 : vector<16xf32>
    %xor3A_1619 = arith.constant 4 : i32
    %xor3A_1620 = vector.broadcast %xor3A_1619 : i32 to vector<16xi32>
    %xor3A_1621 = arith.xori %iota3A_1590, %xor3A_1620 : vector<16xi32>
    %lt3A_1622 = arith.constant 0 : i32
    %lt3A_1623 = vector.broadcast %lt3A_1622 : i32 to vector<16xi32>
    %lt3A_1624 = arith.cmpi slt, %xor3A_1621, %lt3A_1623 : vector<16xi32>
    %add3A_1625 = arith.constant 16 : i32
    %add3A_1626 = vector.broadcast %add3A_1625 : i32 to vector<16xi32>
    %add3A_1627 = arith.addi %xor3A_1621, %add3A_1626 : vector<16xi32>
    %select_n3A_1628 = arith.select %lt3A_1624, %add3A_1627, %xor3A_1621 : vector<16xi1>, vector<16xi32>
    %broadcast_in_dim3A_1629 = vector.shape_cast %select_n3A_1628 : vector<16xi32> to vector<16x1xi32>
    %gather3A_1630 = vector.shape_cast %broadcast_in_dim3A_1629 : vector<16x1xi32> to vector<16xi32>
    %gather3A_1631 = tpu.dynamic_gather %add3A_1618[%gather3A_1630] in [0] : vector<16xf32>, vector<16xi32> -> vector<16xf32>
    %add3A_1632 = arith.addf %add3A_1618, %gather3A_1631 : vector<16xf32>
    %xor3A_1633 = arith.constant 8 : i32
    %xor3A_1634 = vector.broadcast %xor3A_1633 : i32 to vector<16xi32>
    %xor3A_1635 = arith.xori %iota3A_1590, %xor3A_1634 : vector<16xi32>
    %lt3A_1636 = arith.constant 0 : i32
    %lt3A_1637 = vector.broadcast %lt3A_1636 : i32 to vector<16xi32>
    %lt3A_1638 = arith.cmpi slt, %xor3A_1635, %lt3A_1637 : vector<16xi32>
    %add3A_1639 = arith.constant 16 : i32
    %add3A_1640 = vector.broadcast %add3A_1639 : i32 to vector<16xi32>
    %add3A_1641 = arith.addi %xor3A_1635, %add3A_1640 : vector<16xi32>
    %select_n3A_1642 = arith.select %lt3A_1638, %add3A_1641, %xor3A_1635 : vector<16xi1>, vector<16xi32>
    %broadcast_in_dim3A_1643 = vector.shape_cast %select_n3A_1642 : vector<16xi32> to vector<16x1xi32>
    %gather3A_1644 = vector.shape_cast %broadcast_in_dim3A_1643 : vector<16x1xi32> to vector<16xi32>
    %gather3A_1645 = tpu.dynamic_gather %add3A_1632[%gather3A_1644] in [0] : vector<16xf32>, vector<16xi32> -> vector<16xf32>
    %add3A_1646 = arith.addf %add3A_1632, %gather3A_1645 : vector<16xf32>
    %select_n3A_1647 = arith.select %eq3A_1589, %add3A_1646, %select_n3A_1464 : vector<16xi1>, vector<16xf32>
    %eq3A_1648 = arith.constant 9 : i32
    %eq3A_1649 = vector.broadcast %eq3A_1648 : i32 to vector<16xi32>
    %eq3A_1650 = arith.cmpi eq, %iota3A, %eq3A_1649 : vector<16xi32>
    %iota3A_1651 = tpu.iota {dimensions = array<i32: 0>} : vector<16xi32>
    %xor3A_1652 = arith.constant 1 : i32
    %xor3A_1653 = vector.broadcast %xor3A_1652 : i32 to vector<16xi32>
    %xor3A_1654 = arith.xori %iota3A_1651, %xor3A_1653 : vector<16xi32>
    %lt3A_1655 = arith.constant 0 : i32
    %lt3A_1656 = vector.broadcast %lt3A_1655 : i32 to vector<16xi32>
    %lt3A_1657 = arith.cmpi slt, %xor3A_1654, %lt3A_1656 : vector<16xi32>
    %add3A_1658 = arith.constant 16 : i32
    %add3A_1659 = vector.broadcast %add3A_1658 : i32 to vector<16xi32>
    %add3A_1660 = arith.addi %xor3A_1654, %add3A_1659 : vector<16xi32>
    %select_n3A_1661 = arith.select %lt3A_1657, %add3A_1660, %xor3A_1654 : vector<16xi1>, vector<16xi32>
    %broadcast_in_dim3A_1662 = vector.shape_cast %select_n3A_1661 : vector<16xi32> to vector<16x1xi32>
    %gather3A_1663 = vector.shape_cast %broadcast_in_dim3A_1662 : vector<16x1xi32> to vector<16xi32>
    %gather3A_1664 = tpu.dynamic_gather %scan3A_5#27[%gather3A_1663] in [0] : vector<16xf32>, vector<16xi32> -> vector<16xf32>
    %add3A_1665 = arith.addf %scan3A_5#27, %gather3A_1664 : vector<16xf32>
    %xor3A_1666 = arith.constant 2 : i32
    %xor3A_1667 = vector.broadcast %xor3A_1666 : i32 to vector<16xi32>
    %xor3A_1668 = arith.xori %iota3A_1651, %xor3A_1667 : vector<16xi32>
    %lt3A_1669 = arith.constant 0 : i32
    %lt3A_1670 = vector.broadcast %lt3A_1669 : i32 to vector<16xi32>
    %lt3A_1671 = arith.cmpi slt, %xor3A_1668, %lt3A_1670 : vector<16xi32>
    %add3A_1672 = arith.constant 16 : i32
    %add3A_1673 = vector.broadcast %add3A_1672 : i32 to vector<16xi32>
    %add3A_1674 = arith.addi %xor3A_1668, %add3A_1673 : vector<16xi32>
    %select_n3A_1675 = arith.select %lt3A_1671, %add3A_1674, %xor3A_1668 : vector<16xi1>, vector<16xi32>
    %broadcast_in_dim3A_1676 = vector.shape_cast %select_n3A_1675 : vector<16xi32> to vector<16x1xi32>
    %gather3A_1677 = vector.shape_cast %broadcast_in_dim3A_1676 : vector<16x1xi32> to vector<16xi32>
    %gather3A_1678 = tpu.dynamic_gather %add3A_1665[%gather3A_1677] in [0] : vector<16xf32>, vector<16xi32> -> vector<16xf32>
    %add3A_1679 = arith.addf %add3A_1665, %gather3A_1678 : vector<16xf32>
    %xor3A_1680 = arith.constant 4 : i32
    %xor3A_1681 = vector.broadcast %xor3A_1680 : i32 to vector<16xi32>
    %xor3A_1682 = arith.xori %iota3A_1651, %xor3A_1681 : vector<16xi32>
    %lt3A_1683 = arith.constant 0 : i32
    %lt3A_1684 = vector.broadcast %lt3A_1683 : i32 to vector<16xi32>
    %lt3A_1685 = arith.cmpi slt, %xor3A_1682, %lt3A_1684 : vector<16xi32>
    %add3A_1686 = arith.constant 16 : i32
    %add3A_1687 = vector.broadcast %add3A_1686 : i32 to vector<16xi32>
    %add3A_1688 = arith.addi %xor3A_1682, %add3A_1687 : vector<16xi32>
    %select_n3A_1689 = arith.select %lt3A_1685, %add3A_1688, %xor3A_1682 : vector<16xi1>, vector<16xi32>
    %broadcast_in_dim3A_1690 = vector.shape_cast %select_n3A_1689 : vector<16xi32> to vector<16x1xi32>
    %gather3A_1691 = vector.shape_cast %broadcast_in_dim3A_1690 : vector<16x1xi32> to vector<16xi32>
    %gather3A_1692 = tpu.dynamic_gather %add3A_1679[%gather3A_1691] in [0] : vector<16xf32>, vector<16xi32> -> vector<16xf32>
    %add3A_1693 = arith.addf %add3A_1679, %gather3A_1692 : vector<16xf32>
    %xor3A_1694 = arith.constant 8 : i32
    %xor3A_1695 = vector.broadcast %xor3A_1694 : i32 to vector<16xi32>
    %xor3A_1696 = arith.xori %iota3A_1651, %xor3A_1695 : vector<16xi32>
    %lt3A_1697 = arith.constant 0 : i32
    %lt3A_1698 = vector.broadcast %lt3A_1697 : i32 to vector<16xi32>
    %lt3A_1699 = arith.cmpi slt, %xor3A_1696, %lt3A_1698 : vector<16xi32>
    %add3A_1700 = arith.constant 16 : i32
    %add3A_1701 = vector.broadcast %add3A_1700 : i32 to vector<16xi32>
    %add3A_1702 = arith.addi %xor3A_1696, %add3A_1701 : vector<16xi32>
    %select_n3A_1703 = arith.select %lt3A_1699, %add3A_1702, %xor3A_1696 : vector<16xi1>, vector<16xi32>
    %broadcast_in_dim3A_1704 = vector.shape_cast %select_n3A_1703 : vector<16xi32> to vector<16x1xi32>
    %gather3A_1705 = vector.shape_cast %broadcast_in_dim3A_1704 : vector<16x1xi32> to vector<16xi32>
    %gather3A_1706 = tpu.dynamic_gather %add3A_1693[%gather3A_1705] in [0] : vector<16xf32>, vector<16xi32> -> vector<16xf32>
    %add3A_1707 = arith.addf %add3A_1693, %gather3A_1706 : vector<16xf32>
    %select_n3A_1708 = arith.select %eq3A_1650, %add3A_1707, %select_n3A_1525 : vector<16xi1>, vector<16xf32>
    %eq3A_1709 = arith.constant 9 : i32
    %eq3A_1710 = vector.broadcast %eq3A_1709 : i32 to vector<16xi32>
    %eq3A_1711 = arith.cmpi eq, %iota3A, %eq3A_1710 : vector<16xi32>
    %iota3A_1712 = tpu.iota {dimensions = array<i32: 0>} : vector<16xi32>
    %xor3A_1713 = arith.constant 1 : i32
    %xor3A_1714 = vector.broadcast %xor3A_1713 : i32 to vector<16xi32>
    %xor3A_1715 = arith.xori %iota3A_1712, %xor3A_1714 : vector<16xi32>
    %lt3A_1716 = arith.constant 0 : i32
    %lt3A_1717 = vector.broadcast %lt3A_1716 : i32 to vector<16xi32>
    %lt3A_1718 = arith.cmpi slt, %xor3A_1715, %lt3A_1717 : vector<16xi32>
    %add3A_1719 = arith.constant 16 : i32
    %add3A_1720 = vector.broadcast %add3A_1719 : i32 to vector<16xi32>
    %add3A_1721 = arith.addi %xor3A_1715, %add3A_1720 : vector<16xi32>
    %select_n3A_1722 = arith.select %lt3A_1718, %add3A_1721, %xor3A_1715 : vector<16xi1>, vector<16xi32>
    %broadcast_in_dim3A_1723 = vector.shape_cast %select_n3A_1722 : vector<16xi32> to vector<16x1xi32>
    %gather3A_1724 = vector.shape_cast %broadcast_in_dim3A_1723 : vector<16x1xi32> to vector<16xi32>
    %gather3A_1725 = tpu.dynamic_gather %scan3A_5#28[%gather3A_1724] in [0] : vector<16xf32>, vector<16xi32> -> vector<16xf32>
    %add3A_1726 = arith.addf %scan3A_5#28, %gather3A_1725 : vector<16xf32>
    %xor3A_1727 = arith.constant 2 : i32
    %xor3A_1728 = vector.broadcast %xor3A_1727 : i32 to vector<16xi32>
    %xor3A_1729 = arith.xori %iota3A_1712, %xor3A_1728 : vector<16xi32>
    %lt3A_1730 = arith.constant 0 : i32
    %lt3A_1731 = vector.broadcast %lt3A_1730 : i32 to vector<16xi32>
    %lt3A_1732 = arith.cmpi slt, %xor3A_1729, %lt3A_1731 : vector<16xi32>
    %add3A_1733 = arith.constant 16 : i32
    %add3A_1734 = vector.broadcast %add3A_1733 : i32 to vector<16xi32>
    %add3A_1735 = arith.addi %xor3A_1729, %add3A_1734 : vector<16xi32>
    %select_n3A_1736 = arith.select %lt3A_1732, %add3A_1735, %xor3A_1729 : vector<16xi1>, vector<16xi32>
    %broadcast_in_dim3A_1737 = vector.shape_cast %select_n3A_1736 : vector<16xi32> to vector<16x1xi32>
    %gather3A_1738 = vector.shape_cast %broadcast_in_dim3A_1737 : vector<16x1xi32> to vector<16xi32>
    %gather3A_1739 = tpu.dynamic_gather %add3A_1726[%gather3A_1738] in [0] : vector<16xf32>, vector<16xi32> -> vector<16xf32>
    %add3A_1740 = arith.addf %add3A_1726, %gather3A_1739 : vector<16xf32>
    %xor3A_1741 = arith.constant 4 : i32
    %xor3A_1742 = vector.broadcast %xor3A_1741 : i32 to vector<16xi32>
    %xor3A_1743 = arith.xori %iota3A_1712, %xor3A_1742 : vector<16xi32>
    %lt3A_1744 = arith.constant 0 : i32
    %lt3A_1745 = vector.broadcast %lt3A_1744 : i32 to vector<16xi32>
    %lt3A_1746 = arith.cmpi slt, %xor3A_1743, %lt3A_1745 : vector<16xi32>
    %add3A_1747 = arith.constant 16 : i32
    %add3A_1748 = vector.broadcast %add3A_1747 : i32 to vector<16xi32>
    %add3A_1749 = arith.addi %xor3A_1743, %add3A_1748 : vector<16xi32>
    %select_n3A_1750 = arith.select %lt3A_1746, %add3A_1749, %xor3A_1743 : vector<16xi1>, vector<16xi32>
    %broadcast_in_dim3A_1751 = vector.shape_cast %select_n3A_1750 : vector<16xi32> to vector<16x1xi32>
    %gather3A_1752 = vector.shape_cast %broadcast_in_dim3A_1751 : vector<16x1xi32> to vector<16xi32>
    %gather3A_1753 = tpu.dynamic_gather %add3A_1740[%gather3A_1752] in [0] : vector<16xf32>, vector<16xi32> -> vector<16xf32>
    %add3A_1754 = arith.addf %add3A_1740, %gather3A_1753 : vector<16xf32>
    %xor3A_1755 = arith.constant 8 : i32
    %xor3A_1756 = vector.broadcast %xor3A_1755 : i32 to vector<16xi32>
    %xor3A_1757 = arith.xori %iota3A_1712, %xor3A_1756 : vector<16xi32>
    %lt3A_1758 = arith.constant 0 : i32
    %lt3A_1759 = vector.broadcast %lt3A_1758 : i32 to vector<16xi32>
    %lt3A_1760 = arith.cmpi slt, %xor3A_1757, %lt3A_1759 : vector<16xi32>
    %add3A_1761 = arith.constant 16 : i32
    %add3A_1762 = vector.broadcast %add3A_1761 : i32 to vector<16xi32>
    %add3A_1763 = arith.addi %xor3A_1757, %add3A_1762 : vector<16xi32>
    %select_n3A_1764 = arith.select %lt3A_1760, %add3A_1763, %xor3A_1757 : vector<16xi1>, vector<16xi32>
    %broadcast_in_dim3A_1765 = vector.shape_cast %select_n3A_1764 : vector<16xi32> to vector<16x1xi32>
    %gather3A_1766 = vector.shape_cast %broadcast_in_dim3A_1765 : vector<16x1xi32> to vector<16xi32>
    %gather3A_1767 = tpu.dynamic_gather %add3A_1754[%gather3A_1766] in [0] : vector<16xf32>, vector<16xi32> -> vector<16xf32>
    %add3A_1768 = arith.addf %add3A_1754, %gather3A_1767 : vector<16xf32>
    %select_n3A_1769 = arith.select %eq3A_1711, %add3A_1768, %select_n3A_1586 : vector<16xi1>, vector<16xf32>
    %eq3A_1770 = arith.constant 9 : i32
    %eq3A_1771 = vector.broadcast %eq3A_1770 : i32 to vector<16xi32>
    %eq3A_1772 = arith.cmpi eq, %iota3A, %eq3A_1771 : vector<16xi32>
    %iota3A_1773 = tpu.iota {dimensions = array<i32: 0>} : vector<16xi32>
    %xor3A_1774 = arith.constant 1 : i32
    %xor3A_1775 = vector.broadcast %xor3A_1774 : i32 to vector<16xi32>
    %xor3A_1776 = arith.xori %iota3A_1773, %xor3A_1775 : vector<16xi32>
    %lt3A_1777 = arith.constant 0 : i32
    %lt3A_1778 = vector.broadcast %lt3A_1777 : i32 to vector<16xi32>
    %lt3A_1779 = arith.cmpi slt, %xor3A_1776, %lt3A_1778 : vector<16xi32>
    %add3A_1780 = arith.constant 16 : i32
    %add3A_1781 = vector.broadcast %add3A_1780 : i32 to vector<16xi32>
    %add3A_1782 = arith.addi %xor3A_1776, %add3A_1781 : vector<16xi32>
    %select_n3A_1783 = arith.select %lt3A_1779, %add3A_1782, %xor3A_1776 : vector<16xi1>, vector<16xi32>
    %broadcast_in_dim3A_1784 = vector.shape_cast %select_n3A_1783 : vector<16xi32> to vector<16x1xi32>
    %gather3A_1785 = vector.shape_cast %broadcast_in_dim3A_1784 : vector<16x1xi32> to vector<16xi32>
    %gather3A_1786 = tpu.dynamic_gather %scan3A_5#29[%gather3A_1785] in [0] : vector<16xf32>, vector<16xi32> -> vector<16xf32>
    %add3A_1787 = arith.addf %scan3A_5#29, %gather3A_1786 : vector<16xf32>
    %xor3A_1788 = arith.constant 2 : i32
    %xor3A_1789 = vector.broadcast %xor3A_1788 : i32 to vector<16xi32>
    %xor3A_1790 = arith.xori %iota3A_1773, %xor3A_1789 : vector<16xi32>
    %lt3A_1791 = arith.constant 0 : i32
    %lt3A_1792 = vector.broadcast %lt3A_1791 : i32 to vector<16xi32>
    %lt3A_1793 = arith.cmpi slt, %xor3A_1790, %lt3A_1792 : vector<16xi32>
    %add3A_1794 = arith.constant 16 : i32
    %add3A_1795 = vector.broadcast %add3A_1794 : i32 to vector<16xi32>
    %add3A_1796 = arith.addi %xor3A_1790, %add3A_1795 : vector<16xi32>
    %select_n3A_1797 = arith.select %lt3A_1793, %add3A_1796, %xor3A_1790 : vector<16xi1>, vector<16xi32>
    %broadcast_in_dim3A_1798 = vector.shape_cast %select_n3A_1797 : vector<16xi32> to vector<16x1xi32>
    %gather3A_1799 = vector.shape_cast %broadcast_in_dim3A_1798 : vector<16x1xi32> to vector<16xi32>
    %gather3A_1800 = tpu.dynamic_gather %add3A_1787[%gather3A_1799] in [0] : vector<16xf32>, vector<16xi32> -> vector<16xf32>
    %add3A_1801 = arith.addf %add3A_1787, %gather3A_1800 : vector<16xf32>
    %xor3A_1802 = arith.constant 4 : i32
    %xor3A_1803 = vector.broadcast %xor3A_1802 : i32 to vector<16xi32>
    %xor3A_1804 = arith.xori %iota3A_1773, %xor3A_1803 : vector<16xi32>
    %lt3A_1805 = arith.constant 0 : i32
    %lt3A_1806 = vector.broadcast %lt3A_1805 : i32 to vector<16xi32>
    %lt3A_1807 = arith.cmpi slt, %xor3A_1804, %lt3A_1806 : vector<16xi32>
    %add3A_1808 = arith.constant 16 : i32
    %add3A_1809 = vector.broadcast %add3A_1808 : i32 to vector<16xi32>
    %add3A_1810 = arith.addi %xor3A_1804, %add3A_1809 : vector<16xi32>
    %select_n3A_1811 = arith.select %lt3A_1807, %add3A_1810, %xor3A_1804 : vector<16xi1>, vector<16xi32>
    %broadcast_in_dim3A_1812 = vector.shape_cast %select_n3A_1811 : vector<16xi32> to vector<16x1xi32>
    %gather3A_1813 = vector.shape_cast %broadcast_in_dim3A_1812 : vector<16x1xi32> to vector<16xi32>
    %gather3A_1814 = tpu.dynamic_gather %add3A_1801[%gather3A_1813] in [0] : vector<16xf32>, vector<16xi32> -> vector<16xf32>
    %add3A_1815 = arith.addf %add3A_1801, %gather3A_1814 : vector<16xf32>
    %xor3A_1816 = arith.constant 8 : i32
    %xor3A_1817 = vector.broadcast %xor3A_1816 : i32 to vector<16xi32>
    %xor3A_1818 = arith.xori %iota3A_1773, %xor3A_1817 : vector<16xi32>
    %lt3A_1819 = arith.constant 0 : i32
    %lt3A_1820 = vector.broadcast %lt3A_1819 : i32 to vector<16xi32>
    %lt3A_1821 = arith.cmpi slt, %xor3A_1818, %lt3A_1820 : vector<16xi32>
    %add3A_1822 = arith.constant 16 : i32
    %add3A_1823 = vector.broadcast %add3A_1822 : i32 to vector<16xi32>
    %add3A_1824 = arith.addi %xor3A_1818, %add3A_1823 : vector<16xi32>
    %select_n3A_1825 = arith.select %lt3A_1821, %add3A_1824, %xor3A_1818 : vector<16xi1>, vector<16xi32>
    %broadcast_in_dim3A_1826 = vector.shape_cast %select_n3A_1825 : vector<16xi32> to vector<16x1xi32>
    %gather3A_1827 = vector.shape_cast %broadcast_in_dim3A_1826 : vector<16x1xi32> to vector<16xi32>
    %gather3A_1828 = tpu.dynamic_gather %add3A_1815[%gather3A_1827] in [0] : vector<16xf32>, vector<16xi32> -> vector<16xf32>
    %add3A_1829 = arith.addf %add3A_1815, %gather3A_1828 : vector<16xf32>
    %select_n3A_1830 = arith.select %eq3A_1772, %add3A_1829, %select_n3A_1647 : vector<16xi1>, vector<16xf32>
    %eq3A_1831 = arith.constant 10 : i32
    %eq3A_1832 = vector.broadcast %eq3A_1831 : i32 to vector<16xi32>
    %eq3A_1833 = arith.cmpi eq, %iota3A, %eq3A_1832 : vector<16xi32>
    %iota3A_1834 = tpu.iota {dimensions = array<i32: 0>} : vector<16xi32>
    %xor3A_1835 = arith.constant 1 : i32
    %xor3A_1836 = vector.broadcast %xor3A_1835 : i32 to vector<16xi32>
    %xor3A_1837 = arith.xori %iota3A_1834, %xor3A_1836 : vector<16xi32>
    %lt3A_1838 = arith.constant 0 : i32
    %lt3A_1839 = vector.broadcast %lt3A_1838 : i32 to vector<16xi32>
    %lt3A_1840 = arith.cmpi slt, %xor3A_1837, %lt3A_1839 : vector<16xi32>
    %add3A_1841 = arith.constant 16 : i32
    %add3A_1842 = vector.broadcast %add3A_1841 : i32 to vector<16xi32>
    %add3A_1843 = arith.addi %xor3A_1837, %add3A_1842 : vector<16xi32>
    %select_n3A_1844 = arith.select %lt3A_1840, %add3A_1843, %xor3A_1837 : vector<16xi1>, vector<16xi32>
    %broadcast_in_dim3A_1845 = vector.shape_cast %select_n3A_1844 : vector<16xi32> to vector<16x1xi32>
    %gather3A_1846 = vector.shape_cast %broadcast_in_dim3A_1845 : vector<16x1xi32> to vector<16xi32>
    %gather3A_1847 = tpu.dynamic_gather %scan3A_5#30[%gather3A_1846] in [0] : vector<16xf32>, vector<16xi32> -> vector<16xf32>
    %add3A_1848 = arith.addf %scan3A_5#30, %gather3A_1847 : vector<16xf32>
    %xor3A_1849 = arith.constant 2 : i32
    %xor3A_1850 = vector.broadcast %xor3A_1849 : i32 to vector<16xi32>
    %xor3A_1851 = arith.xori %iota3A_1834, %xor3A_1850 : vector<16xi32>
    %lt3A_1852 = arith.constant 0 : i32
    %lt3A_1853 = vector.broadcast %lt3A_1852 : i32 to vector<16xi32>
    %lt3A_1854 = arith.cmpi slt, %xor3A_1851, %lt3A_1853 : vector<16xi32>
    %add3A_1855 = arith.constant 16 : i32
    %add3A_1856 = vector.broadcast %add3A_1855 : i32 to vector<16xi32>
    %add3A_1857 = arith.addi %xor3A_1851, %add3A_1856 : vector<16xi32>
    %select_n3A_1858 = arith.select %lt3A_1854, %add3A_1857, %xor3A_1851 : vector<16xi1>, vector<16xi32>
    %broadcast_in_dim3A_1859 = vector.shape_cast %select_n3A_1858 : vector<16xi32> to vector<16x1xi32>
    %gather3A_1860 = vector.shape_cast %broadcast_in_dim3A_1859 : vector<16x1xi32> to vector<16xi32>
    %gather3A_1861 = tpu.dynamic_gather %add3A_1848[%gather3A_1860] in [0] : vector<16xf32>, vector<16xi32> -> vector<16xf32>
    %add3A_1862 = arith.addf %add3A_1848, %gather3A_1861 : vector<16xf32>
    %xor3A_1863 = arith.constant 4 : i32
    %xor3A_1864 = vector.broadcast %xor3A_1863 : i32 to vector<16xi32>
    %xor3A_1865 = arith.xori %iota3A_1834, %xor3A_1864 : vector<16xi32>
    %lt3A_1866 = arith.constant 0 : i32
    %lt3A_1867 = vector.broadcast %lt3A_1866 : i32 to vector<16xi32>
    %lt3A_1868 = arith.cmpi slt, %xor3A_1865, %lt3A_1867 : vector<16xi32>
    %add3A_1869 = arith.constant 16 : i32
    %add3A_1870 = vector.broadcast %add3A_1869 : i32 to vector<16xi32>
    %add3A_1871 = arith.addi %xor3A_1865, %add3A_1870 : vector<16xi32>
    %select_n3A_1872 = arith.select %lt3A_1868, %add3A_1871, %xor3A_1865 : vector<16xi1>, vector<16xi32>
    %broadcast_in_dim3A_1873 = vector.shape_cast %select_n3A_1872 : vector<16xi32> to vector<16x1xi32>
    %gather3A_1874 = vector.shape_cast %broadcast_in_dim3A_1873 : vector<16x1xi32> to vector<16xi32>
    %gather3A_1875 = tpu.dynamic_gather %add3A_1862[%gather3A_1874] in [0] : vector<16xf32>, vector<16xi32> -> vector<16xf32>
    %add3A_1876 = arith.addf %add3A_1862, %gather3A_1875 : vector<16xf32>
    %xor3A_1877 = arith.constant 8 : i32
    %xor3A_1878 = vector.broadcast %xor3A_1877 : i32 to vector<16xi32>
    %xor3A_1879 = arith.xori %iota3A_1834, %xor3A_1878 : vector<16xi32>
    %lt3A_1880 = arith.constant 0 : i32
    %lt3A_1881 = vector.broadcast %lt3A_1880 : i32 to vector<16xi32>
    %lt3A_1882 = arith.cmpi slt, %xor3A_1879, %lt3A_1881 : vector<16xi32>
    %add3A_1883 = arith.constant 16 : i32
    %add3A_1884 = vector.broadcast %add3A_1883 : i32 to vector<16xi32>
    %add3A_1885 = arith.addi %xor3A_1879, %add3A_1884 : vector<16xi32>
    %select_n3A_1886 = arith.select %lt3A_1882, %add3A_1885, %xor3A_1879 : vector<16xi1>, vector<16xi32>
    %broadcast_in_dim3A_1887 = vector.shape_cast %select_n3A_1886 : vector<16xi32> to vector<16x1xi32>
    %gather3A_1888 = vector.shape_cast %broadcast_in_dim3A_1887 : vector<16x1xi32> to vector<16xi32>
    %gather3A_1889 = tpu.dynamic_gather %add3A_1876[%gather3A_1888] in [0] : vector<16xf32>, vector<16xi32> -> vector<16xf32>
    %add3A_1890 = arith.addf %add3A_1876, %gather3A_1889 : vector<16xf32>
    %select_n3A_1891 = arith.select %eq3A_1833, %add3A_1890, %select_n3A_1708 : vector<16xi1>, vector<16xf32>
    %eq3A_1892 = arith.constant 10 : i32
    %eq3A_1893 = vector.broadcast %eq3A_1892 : i32 to vector<16xi32>
    %eq3A_1894 = arith.cmpi eq, %iota3A, %eq3A_1893 : vector<16xi32>
    %iota3A_1895 = tpu.iota {dimensions = array<i32: 0>} : vector<16xi32>
    %xor3A_1896 = arith.constant 1 : i32
    %xor3A_1897 = vector.broadcast %xor3A_1896 : i32 to vector<16xi32>
    %xor3A_1898 = arith.xori %iota3A_1895, %xor3A_1897 : vector<16xi32>
    %lt3A_1899 = arith.constant 0 : i32
    %lt3A_1900 = vector.broadcast %lt3A_1899 : i32 to vector<16xi32>
    %lt3A_1901 = arith.cmpi slt, %xor3A_1898, %lt3A_1900 : vector<16xi32>
    %add3A_1902 = arith.constant 16 : i32
    %add3A_1903 = vector.broadcast %add3A_1902 : i32 to vector<16xi32>
    %add3A_1904 = arith.addi %xor3A_1898, %add3A_1903 : vector<16xi32>
    %select_n3A_1905 = arith.select %lt3A_1901, %add3A_1904, %xor3A_1898 : vector<16xi1>, vector<16xi32>
    %broadcast_in_dim3A_1906 = vector.shape_cast %select_n3A_1905 : vector<16xi32> to vector<16x1xi32>
    %gather3A_1907 = vector.shape_cast %broadcast_in_dim3A_1906 : vector<16x1xi32> to vector<16xi32>
    %gather3A_1908 = tpu.dynamic_gather %scan3A_5#31[%gather3A_1907] in [0] : vector<16xf32>, vector<16xi32> -> vector<16xf32>
    %add3A_1909 = arith.addf %scan3A_5#31, %gather3A_1908 : vector<16xf32>
    %xor3A_1910 = arith.constant 2 : i32
    %xor3A_1911 = vector.broadcast %xor3A_1910 : i32 to vector<16xi32>
    %xor3A_1912 = arith.xori %iota3A_1895, %xor3A_1911 : vector<16xi32>
    %lt3A_1913 = arith.constant 0 : i32
    %lt3A_1914 = vector.broadcast %lt3A_1913 : i32 to vector<16xi32>
    %lt3A_1915 = arith.cmpi slt, %xor3A_1912, %lt3A_1914 : vector<16xi32>
    %add3A_1916 = arith.constant 16 : i32
    %add3A_1917 = vector.broadcast %add3A_1916 : i32 to vector<16xi32>
    %add3A_1918 = arith.addi %xor3A_1912, %add3A_1917 : vector<16xi32>
    %select_n3A_1919 = arith.select %lt3A_1915, %add3A_1918, %xor3A_1912 : vector<16xi1>, vector<16xi32>
    %broadcast_in_dim3A_1920 = vector.shape_cast %select_n3A_1919 : vector<16xi32> to vector<16x1xi32>
    %gather3A_1921 = vector.shape_cast %broadcast_in_dim3A_1920 : vector<16x1xi32> to vector<16xi32>
    %gather3A_1922 = tpu.dynamic_gather %add3A_1909[%gather3A_1921] in [0] : vector<16xf32>, vector<16xi32> -> vector<16xf32>
    %add3A_1923 = arith.addf %add3A_1909, %gather3A_1922 : vector<16xf32>
    %xor3A_1924 = arith.constant 4 : i32
    %xor3A_1925 = vector.broadcast %xor3A_1924 : i32 to vector<16xi32>
    %xor3A_1926 = arith.xori %iota3A_1895, %xor3A_1925 : vector<16xi32>
    %lt3A_1927 = arith.constant 0 : i32
    %lt3A_1928 = vector.broadcast %lt3A_1927 : i32 to vector<16xi32>
    %lt3A_1929 = arith.cmpi slt, %xor3A_1926, %lt3A_1928 : vector<16xi32>
    %add3A_1930 = arith.constant 16 : i32
    %add3A_1931 = vector.broadcast %add3A_1930 : i32 to vector<16xi32>
    %add3A_1932 = arith.addi %xor3A_1926, %add3A_1931 : vector<16xi32>
    %select_n3A_1933 = arith.select %lt3A_1929, %add3A_1932, %xor3A_1926 : vector<16xi1>, vector<16xi32>
    %broadcast_in_dim3A_1934 = vector.shape_cast %select_n3A_1933 : vector<16xi32> to vector<16x1xi32>
    %gather3A_1935 = vector.shape_cast %broadcast_in_dim3A_1934 : vector<16x1xi32> to vector<16xi32>
    %gather3A_1936 = tpu.dynamic_gather %add3A_1923[%gather3A_1935] in [0] : vector<16xf32>, vector<16xi32> -> vector<16xf32>
    %add3A_1937 = arith.addf %add3A_1923, %gather3A_1936 : vector<16xf32>
    %xor3A_1938 = arith.constant 8 : i32
    %xor3A_1939 = vector.broadcast %xor3A_1938 : i32 to vector<16xi32>
    %xor3A_1940 = arith.xori %iota3A_1895, %xor3A_1939 : vector<16xi32>
    %lt3A_1941 = arith.constant 0 : i32
    %lt3A_1942 = vector.broadcast %lt3A_1941 : i32 to vector<16xi32>
    %lt3A_1943 = arith.cmpi slt, %xor3A_1940, %lt3A_1942 : vector<16xi32>
    %add3A_1944 = arith.constant 16 : i32
    %add3A_1945 = vector.broadcast %add3A_1944 : i32 to vector<16xi32>
    %add3A_1946 = arith.addi %xor3A_1940, %add3A_1945 : vector<16xi32>
    %select_n3A_1947 = arith.select %lt3A_1943, %add3A_1946, %xor3A_1940 : vector<16xi1>, vector<16xi32>
    %broadcast_in_dim3A_1948 = vector.shape_cast %select_n3A_1947 : vector<16xi32> to vector<16x1xi32>
    %gather3A_1949 = vector.shape_cast %broadcast_in_dim3A_1948 : vector<16x1xi32> to vector<16xi32>
    %gather3A_1950 = tpu.dynamic_gather %add3A_1937[%gather3A_1949] in [0] : vector<16xf32>, vector<16xi32> -> vector<16xf32>
    %add3A_1951 = arith.addf %add3A_1937, %gather3A_1950 : vector<16xf32>
    %select_n3A_1952 = arith.select %eq3A_1894, %add3A_1951, %select_n3A_1769 : vector<16xi1>, vector<16xf32>
    %eq3A_1953 = arith.constant 10 : i32
    %eq3A_1954 = vector.broadcast %eq3A_1953 : i32 to vector<16xi32>
    %eq3A_1955 = arith.cmpi eq, %iota3A, %eq3A_1954 : vector<16xi32>
    %iota3A_1956 = tpu.iota {dimensions = array<i32: 0>} : vector<16xi32>
    %xor3A_1957 = arith.constant 1 : i32
    %xor3A_1958 = vector.broadcast %xor3A_1957 : i32 to vector<16xi32>
    %xor3A_1959 = arith.xori %iota3A_1956, %xor3A_1958 : vector<16xi32>
    %lt3A_1960 = arith.constant 0 : i32
    %lt3A_1961 = vector.broadcast %lt3A_1960 : i32 to vector<16xi32>
    %lt3A_1962 = arith.cmpi slt, %xor3A_1959, %lt3A_1961 : vector<16xi32>
    %add3A_1963 = arith.constant 16 : i32
    %add3A_1964 = vector.broadcast %add3A_1963 : i32 to vector<16xi32>
    %add3A_1965 = arith.addi %xor3A_1959, %add3A_1964 : vector<16xi32>
    %select_n3A_1966 = arith.select %lt3A_1962, %add3A_1965, %xor3A_1959 : vector<16xi1>, vector<16xi32>
    %broadcast_in_dim3A_1967 = vector.shape_cast %select_n3A_1966 : vector<16xi32> to vector<16x1xi32>
    %gather3A_1968 = vector.shape_cast %broadcast_in_dim3A_1967 : vector<16x1xi32> to vector<16xi32>
    %gather3A_1969 = tpu.dynamic_gather %scan3A_5#32[%gather3A_1968] in [0] : vector<16xf32>, vector<16xi32> -> vector<16xf32>
    %add3A_1970 = arith.addf %scan3A_5#32, %gather3A_1969 : vector<16xf32>
    %xor3A_1971 = arith.constant 2 : i32
    %xor3A_1972 = vector.broadcast %xor3A_1971 : i32 to vector<16xi32>
    %xor3A_1973 = arith.xori %iota3A_1956, %xor3A_1972 : vector<16xi32>
    %lt3A_1974 = arith.constant 0 : i32
    %lt3A_1975 = vector.broadcast %lt3A_1974 : i32 to vector<16xi32>
    %lt3A_1976 = arith.cmpi slt, %xor3A_1973, %lt3A_1975 : vector<16xi32>
    %add3A_1977 = arith.constant 16 : i32
    %add3A_1978 = vector.broadcast %add3A_1977 : i32 to vector<16xi32>
    %add3A_1979 = arith.addi %xor3A_1973, %add3A_1978 : vector<16xi32>
    %select_n3A_1980 = arith.select %lt3A_1976, %add3A_1979, %xor3A_1973 : vector<16xi1>, vector<16xi32>
    %broadcast_in_dim3A_1981 = vector.shape_cast %select_n3A_1980 : vector<16xi32> to vector<16x1xi32>
    %gather3A_1982 = vector.shape_cast %broadcast_in_dim3A_1981 : vector<16x1xi32> to vector<16xi32>
    %gather3A_1983 = tpu.dynamic_gather %add3A_1970[%gather3A_1982] in [0] : vector<16xf32>, vector<16xi32> -> vector<16xf32>
    %add3A_1984 = arith.addf %add3A_1970, %gather3A_1983 : vector<16xf32>
    %xor3A_1985 = arith.constant 4 : i32
    %xor3A_1986 = vector.broadcast %xor3A_1985 : i32 to vector<16xi32>
    %xor3A_1987 = arith.xori %iota3A_1956, %xor3A_1986 : vector<16xi32>
    %lt3A_1988 = arith.constant 0 : i32
    %lt3A_1989 = vector.broadcast %lt3A_1988 : i32 to vector<16xi32>
    %lt3A_1990 = arith.cmpi slt, %xor3A_1987, %lt3A_1989 : vector<16xi32>
    %add3A_1991 = arith.constant 16 : i32
    %add3A_1992 = vector.broadcast %add3A_1991 : i32 to vector<16xi32>
    %add3A_1993 = arith.addi %xor3A_1987, %add3A_1992 : vector<16xi32>
    %select_n3A_1994 = arith.select %lt3A_1990, %add3A_1993, %xor3A_1987 : vector<16xi1>, vector<16xi32>
    %broadcast_in_dim3A_1995 = vector.shape_cast %select_n3A_1994 : vector<16xi32> to vector<16x1xi32>
    %gather3A_1996 = vector.shape_cast %broadcast_in_dim3A_1995 : vector<16x1xi32> to vector<16xi32>
    %gather3A_1997 = tpu.dynamic_gather %add3A_1984[%gather3A_1996] in [0] : vector<16xf32>, vector<16xi32> -> vector<16xf32>
    %add3A_1998 = arith.addf %add3A_1984, %gather3A_1997 : vector<16xf32>
    %xor3A_1999 = arith.constant 8 : i32
    %xor3A_2000 = vector.broadcast %xor3A_1999 : i32 to vector<16xi32>
    %xor3A_2001 = arith.xori %iota3A_1956, %xor3A_2000 : vector<16xi32>
    %lt3A_2002 = arith.constant 0 : i32
    %lt3A_2003 = vector.broadcast %lt3A_2002 : i32 to vector<16xi32>
    %lt3A_2004 = arith.cmpi slt, %xor3A_2001, %lt3A_2003 : vector<16xi32>
    %add3A_2005 = arith.constant 16 : i32
    %add3A_2006 = vector.broadcast %add3A_2005 : i32 to vector<16xi32>
    %add3A_2007 = arith.addi %xor3A_2001, %add3A_2006 : vector<16xi32>
    %select_n3A_2008 = arith.select %lt3A_2004, %add3A_2007, %xor3A_2001 : vector<16xi1>, vector<16xi32>
    %broadcast_in_dim3A_2009 = vector.shape_cast %select_n3A_2008 : vector<16xi32> to vector<16x1xi32>
    %gather3A_2010 = vector.shape_cast %broadcast_in_dim3A_2009 : vector<16x1xi32> to vector<16xi32>
    %gather3A_2011 = tpu.dynamic_gather %add3A_1998[%gather3A_2010] in [0] : vector<16xf32>, vector<16xi32> -> vector<16xf32>
    %add3A_2012 = arith.addf %add3A_1998, %gather3A_2011 : vector<16xf32>
    %select_n3A_2013 = arith.select %eq3A_1955, %add3A_2012, %select_n3A_1830 : vector<16xi1>, vector<16xf32>
    %swap3A = arith.constant 0 : index
    %swap3A_2014 = tpu.vector_load %arg7[%swap3A] {strides = array<i32>} : memref<48xf32, #tpu.memory_space<vmem>>, vector<16xf32>,
    %swap3A_2015 = vector.shape_cast %swap3A_2014 : vector<16xf32> to vector<16xf32>
    %swap3A_2016 = vector.shape_cast %select_n3A_1891 : vector<16xf32> to vector<16xf32>
    tpu.vector_store %arg7[%swap3A], %swap3A_2016 {strides = array<i32>} : memref<48xf32, #tpu.memory_space<vmem>>, vector<16xf32>,
    %swap3A_2017 = arith.constant 16 : index
    %swap3A_2018 = tpu.vector_load %arg7[%swap3A_2017] {strides = array<i32>} : memref<48xf32, #tpu.memory_space<vmem>>, vector<16xf32>,
    %swap3A_2019 = vector.shape_cast %swap3A_2018 : vector<16xf32> to vector<16xf32>
    %swap3A_2020 = vector.shape_cast %select_n3A_1952 : vector<16xf32> to vector<16xf32>
    tpu.vector_store %arg7[%swap3A_2017], %swap3A_2020 {strides = array<i32>} : memref<48xf32, #tpu.memory_space<vmem>>, vector<16xf32>,
    %swap3A_2021 = arith.constant 32 : index
    %swap3A_2022 = tpu.vector_load %arg7[%swap3A_2021] {strides = array<i32>} : memref<48xf32, #tpu.memory_space<vmem>>, vector<16xf32>,
    %swap3A_2023 = vector.shape_cast %swap3A_2022 : vector<16xf32> to vector<16xf32>
    %swap3A_2024 = vector.shape_cast %select_n3A_2013 : vector<16xf32> to vector<16xf32>
    tpu.vector_store %arg7[%swap3A_2021], %swap3A_2024 {strides = array<i32>} : memref<48xf32, #tpu.memory_space<vmem>>, vector<16xf32>,
    %mul3A_2025 = arith.constant 48 : i32
    %mul3A_2026 = arith.muli %arg1, %mul3A_2025 : i32
    "tpu.region"() ({
      %run_scoped3A = tpu.sem_alloc : memref<!tpu.dma_semaphore, #tpu.memory_space<semaphore_mem>>
      %dma_start3A = tpu.memref_slice %arg8[%mul3A_2026] : memref<768xf32, #tpu.memory_space<vmem_shared>> -> memref<48xf32, #tpu.memory_space<vmem_shared>>
      %dma_start3A_2030 = tpu.memref_slice %arg8[%mul3A_2026] : memref<768xf32, #tpu.memory_space<vmem_shared>> -> memref<48xf32, #tpu.memory_space<vmem_shared>>
      tpu.enqueue_dma source(%arg7 : memref<48xf32, #tpu.memory_space<vmem>>) target(%dma_start3A_2030 : memref<48xf32, #tpu.memory_space<vmem_shared>>) target_semaphore(%run_scoped3A : memref<!tpu.dma_semaphore, #tpu.memory_space<semaphore_mem>>)
      %dma_wait3A = tpu.memref_slice %arg8[%mul3A_2026] : memref<768xf32, #tpu.memory_space<vmem_shared>> -> memref<48xf32, #tpu.memory_space<vmem_shared>>
      %dma_wait3A_2031 = tpu.memref_slice %arg8[%mul3A_2026] : memref<768xf32, #tpu.memory_space<vmem_shared>> -> memref<48xf32, #tpu.memory_space<vmem_shared>>
      tpu.wait_dma2 semaphore(%run_scoped3A : memref<!tpu.dma_semaphore, #tpu.memory_space<semaphore_mem>>) src(%arg7 : memref<48xf32, #tpu.memory_space<vmem>>) dst(%dma_wait3A_2031 : memref<48xf32, #tpu.memory_space<vmem_shared>>)
      tpu.yield
    }) : () -> ()
    %barrier3A = arith.constant 0 : index
    tpu.barrier barrier_id(%barrier3A)
    %eq3A_2027 = arith.constant 0 : i32
    %eq3A_2028 = arith.cmpi eq, %arg1, %eq3A_2027 : i32
    %convert_element_type3A = arith.extui %eq3A_2028 : i1 to i32
    %cond3A = arith.constant 0 : i32
    %cond3A_2029 = arith.cmpi ne, %convert_element_type3A, %cond3A : i32
    scf.if %cond3A_2029 {
      "tpu.region"() ({
        %run_scoped3A = tpu.sem_alloc : memref<!tpu.dma_semaphore, #tpu.memory_space<semaphore_mem>>
        tpu.enqueue_dma source(%arg8 : memref<768xf32, #tpu.memory_space<vmem_shared>>) target(%arg9 : memref<768xf32, #tpu.memory_space<vmem>>) target_semaphore(%run_scoped3A : memref<!tpu.dma_semaphore, #tpu.memory_space<semaphore_mem>>)
        tpu.wait_dma2 semaphore(%run_scoped3A : memref<!tpu.dma_semaphore, #tpu.memory_space<semaphore_mem>>) src(%arg8 : memref<768xf32, #tpu.memory_space<vmem_shared>>) dst(%arg9 : memref<768xf32, #tpu.memory_space<vmem>>)
        tpu.yield
      }) : () -> ()
      %scan3A_2030 = arith.constant 0 : i32
      %scan3A_2031 = arith.constant 16 : i32
      %scan3A_2032 = arith.addi %scan3A_2030, %scan3A_2031 : i32
      %scan3A_2033 = arith.constant 1 : i32
      %scan3A_2034:3 = scf.for %scan3A_2128 = %scan3A_2030 to %scan3A_2032 step %scan3A_2033 iter_args(%scan3A_2129 = %broadcast_in_dim3A_1, %scan3A_2130 = %broadcast_in_dim3A_1, %scan3A_2131 = %broadcast_in_dim3A_1) -> (vector<16xf32>, vector<16xf32>, vector<16xf32>)  : i32 {
        %mul3A_2132 = arith.constant 48 : i32
        %mul3A_2133 = arith.muli %scan3A_2128, %mul3A_2132 : i32
        %get3A = arith.index_cast %mul3A_2133 : i32 to index
        %get3A_2134 = tpu.vector_load %arg9[%get3A] {strides = array<i32>} : memref<768xf32, #tpu.memory_space<vmem>>, vector<16xf32>,
        %get3A_2135 = vector.shape_cast %get3A_2134 : vector<16xf32> to vector<16xf32>
        %add3A_2136 = arith.addf %scan3A_2129, %get3A_2135 : vector<16xf32>
        %add3A_2137 = arith.constant 16 : i32
        %add3A_2138 = arith.addi %mul3A_2133, %add3A_2137 : i32
        %get3A_2139 = arith.index_cast %add3A_2138 : i32 to index
        %get3A_2140 = tpu.vector_load %arg9[%get3A_2139] {strides = array<i32>} : memref<768xf32, #tpu.memory_space<vmem>>, vector<16xf32>,
        %get3A_2141 = vector.shape_cast %get3A_2140 : vector<16xf32> to vector<16xf32>
        %add3A_2142 = arith.addf %scan3A_2130, %get3A_2141 : vector<16xf32>
        %add3A_2143 = arith.constant 32 : i32
        %add3A_2144 = arith.addi %mul3A_2133, %add3A_2143 : i32
        %get3A_2145 = arith.index_cast %add3A_2144 : i32 to index
        %get3A_2146 = tpu.vector_load %arg9[%get3A_2145] {strides = array<i32>} : memref<768xf32, #tpu.memory_space<vmem>>, vector<16xf32>,
        %get3A_2147 = vector.shape_cast %get3A_2146 : vector<16xf32> to vector<16xf32>
        %add3A_2148 = arith.addf %scan3A_2131, %get3A_2147 : vector<16xf32>
        scf.yield %add3A_2136, %add3A_2142, %add3A_2148 : vector<16xf32>, vector<16xf32>, vector<16xf32>
      }
      %scan3A_2035 = arith.constant 16 : i32
      %gt3A = arith.constant 0.000000e+00 : f32
      %gt3A_2036 = vector.broadcast %gt3A : f32 to vector<16xf32>
      %gt3A_2037 = arith.cmpf ogt, %scan3A_2034#0, %gt3A_2036 : vector<16xf32>
      %max3A = arith.constant 1.000000e+00 : f32
      %max3A_2038 = vector.broadcast %max3A : f32 to vector<16xf32>
      %max3A_2039 = arith.maximumf %scan3A_2034#0, %max3A_2038 : vector<16xf32>
      %div3A = arith.divf %scan3A_2034#2, %max3A_2039 : vector<16xf32>
      %jit3A = arith.constant 0.000000e+00 : f32
      %broadcast_in_dim3A_2040 = vector.broadcast %jit3A : f32 to vector<16xf32>
      %select_n3A_2041 = arith.select %gt3A_2037, %div3A, %broadcast_in_dim3A_2040 : vector<16xi1>, vector<16xf32>
      %div3A_2042 = arith.divf %scan3A_2034#1, %max3A_2039 : vector<16xf32>
      %jit3A_2043 = arith.constant 0.000000e+00 : f32
      %broadcast_in_dim3A_2044 = vector.broadcast %jit3A_2043 : f32 to vector<16xf32>
      %select_n3A_2045 = arith.select %gt3A_2037, %div3A_2042, %broadcast_in_dim3A_2044 : vector<16xi1>, vector<16xf32>
      %sub3A = arith.subf %select_n3A_2045, %select_n3A_2041 : vector<16xf32>
      %abs3A = math.absf %sub3A : vector<16xf32>
      %mul3A_2046 = arith.mulf %abs3A, %scan3A_2034#0 : vector<16xf32>
      %mul3A_2047 = arith.constant 6.10351563E-5 : f32
      %mul3A_2048 = vector.broadcast %mul3A_2047 : f32 to vector<16xf32>
      %mul3A_2049 = arith.mulf %mul3A_2046, %mul3A_2048 : vector<16xf32>
      %jit3A_2050 = arith.constant 0.000000e+00 : f32
      %broadcast_in_dim3A_2051 = vector.broadcast %jit3A_2050 : f32 to vector<16xf32>
      %select_n3A_2052 = arith.select %gt3A_2037, %mul3A_2049, %broadcast_in_dim3A_2051 : vector<16xi1>, vector<16xf32>
      %iota3A_2053 = tpu.iota {dimensions = array<i32: 0>} : vector<16xi32>
      %xor3A_2054 = arith.constant 1 : i32
      %xor3A_2055 = vector.broadcast %xor3A_2054 : i32 to vector<16xi32>
      %xor3A_2056 = arith.xori %iota3A_2053, %xor3A_2055 : vector<16xi32>
      %lt3A_2057 = arith.constant 0 : i32
      %lt3A_2058 = vector.broadcast %lt3A_2057 : i32 to vector<16xi32>
      %lt3A_2059 = arith.cmpi slt, %xor3A_2056, %lt3A_2058 : vector<16xi32>
      %add3A_2060 = arith.constant 16 : i32
      %add3A_2061 = vector.broadcast %add3A_2060 : i32 to vector<16xi32>
      %add3A_2062 = arith.addi %xor3A_2056, %add3A_2061 : vector<16xi32>
      %select_n3A_2063 = arith.select %lt3A_2059, %add3A_2062, %xor3A_2056 : vector<16xi1>, vector<16xi32>
      %broadcast_in_dim3A_2064 = vector.shape_cast %select_n3A_2063 : vector<16xi32> to vector<16x1xi32>
      %gather3A_2065 = vector.shape_cast %broadcast_in_dim3A_2064 : vector<16x1xi32> to vector<16xi32>
      %gather3A_2066 = tpu.dynamic_gather %select_n3A_2052[%gather3A_2065] in [0] : vector<16xf32>, vector<16xi32> -> vector<16xf32>
      %add3A_2067 = arith.addf %select_n3A_2052, %gather3A_2066 : vector<16xf32>
      %xor3A_2068 = arith.constant 2 : i32
      %xor3A_2069 = vector.broadcast %xor3A_2068 : i32 to vector<16xi32>
      %xor3A_2070 = arith.xori %iota3A_2053, %xor3A_2069 : vector<16xi32>
      %lt3A_2071 = arith.constant 0 : i32
      %lt3A_2072 = vector.broadcast %lt3A_2071 : i32 to vector<16xi32>
      %lt3A_2073 = arith.cmpi slt, %xor3A_2070, %lt3A_2072 : vector<16xi32>
      %add3A_2074 = arith.constant 16 : i32
      %add3A_2075 = vector.broadcast %add3A_2074 : i32 to vector<16xi32>
      %add3A_2076 = arith.addi %xor3A_2070, %add3A_2075 : vector<16xi32>
      %select_n3A_2077 = arith.select %lt3A_2073, %add3A_2076, %xor3A_2070 : vector<16xi1>, vector<16xi32>
      %broadcast_in_dim3A_2078 = vector.shape_cast %select_n3A_2077 : vector<16xi32> to vector<16x1xi32>
      %gather3A_2079 = vector.shape_cast %broadcast_in_dim3A_2078 : vector<16x1xi32> to vector<16xi32>
      %gather3A_2080 = tpu.dynamic_gather %add3A_2067[%gather3A_2079] in [0] : vector<16xf32>, vector<16xi32> -> vector<16xf32>
      %add3A_2081 = arith.addf %add3A_2067, %gather3A_2080 : vector<16xf32>
      %xor3A_2082 = arith.constant 4 : i32
      %xor3A_2083 = vector.broadcast %xor3A_2082 : i32 to vector<16xi32>
      %xor3A_2084 = arith.xori %iota3A_2053, %xor3A_2083 : vector<16xi32>
      %lt3A_2085 = arith.constant 0 : i32
      %lt3A_2086 = vector.broadcast %lt3A_2085 : i32 to vector<16xi32>
      %lt3A_2087 = arith.cmpi slt, %xor3A_2084, %lt3A_2086 : vector<16xi32>
      %add3A_2088 = arith.constant 16 : i32
      %add3A_2089 = vector.broadcast %add3A_2088 : i32 to vector<16xi32>
      %add3A_2090 = arith.addi %xor3A_2084, %add3A_2089 : vector<16xi32>
      %select_n3A_2091 = arith.select %lt3A_2087, %add3A_2090, %xor3A_2084 : vector<16xi1>, vector<16xi32>
      %broadcast_in_dim3A_2092 = vector.shape_cast %select_n3A_2091 : vector<16xi32> to vector<16x1xi32>
      %gather3A_2093 = vector.shape_cast %broadcast_in_dim3A_2092 : vector<16x1xi32> to vector<16xi32>
      %gather3A_2094 = tpu.dynamic_gather %add3A_2081[%gather3A_2093] in [0] : vector<16xf32>, vector<16xi32> -> vector<16xf32>
      %add3A_2095 = arith.addf %add3A_2081, %gather3A_2094 : vector<16xf32>
      %xor3A_2096 = arith.constant 8 : i32
      %xor3A_2097 = vector.broadcast %xor3A_2096 : i32 to vector<16xi32>
      %xor3A_2098 = arith.xori %iota3A_2053, %xor3A_2097 : vector<16xi32>
      %lt3A_2099 = arith.constant 0 : i32
      %lt3A_2100 = vector.broadcast %lt3A_2099 : i32 to vector<16xi32>
      %lt3A_2101 = arith.cmpi slt, %xor3A_2098, %lt3A_2100 : vector<16xi32>
      %add3A_2102 = arith.constant 16 : i32
      %add3A_2103 = vector.broadcast %add3A_2102 : i32 to vector<16xi32>
      %add3A_2104 = arith.addi %xor3A_2098, %add3A_2103 : vector<16xi32>
      %select_n3A_2105 = arith.select %lt3A_2101, %add3A_2104, %xor3A_2098 : vector<16xi1>, vector<16xi32>
      %broadcast_in_dim3A_2106 = vector.shape_cast %select_n3A_2105 : vector<16xi32> to vector<16x1xi32>
      %gather3A_2107 = vector.shape_cast %broadcast_in_dim3A_2106 : vector<16x1xi32> to vector<16xi32>
      %gather3A_2108 = tpu.dynamic_gather %add3A_2095[%gather3A_2107] in [0] : vector<16xf32>, vector<16xi32> -> vector<16xf32>
      %add3A_2109 = arith.addf %add3A_2095, %gather3A_2108 : vector<16xf32>
      %eq3A_2110 = arith.constant 0 : i32
      %eq3A_2111 = vector.broadcast %eq3A_2110 : i32 to vector<16xi32>
      %eq3A_2112 = arith.cmpi eq, %iota3A, %eq3A_2111 : vector<16xi32>
      %jit3A_2113 = arith.constant 0.000000e+00 : f32
      %broadcast_in_dim3A_2114 = vector.broadcast %jit3A_2113 : f32 to vector<16xf32>
      %select_n3A_2115 = arith.select %eq3A_2112, %add3A_2109, %broadcast_in_dim3A_2114 : vector<16xi1>, vector<16xf32>
      %swap3A_2116 = arith.constant 0 : index
      %swap3A_2117 = tpu.vector_load %arg7[%swap3A_2116] {strides = array<i32>} : memref<48xf32, #tpu.memory_space<vmem>>, vector<16xf32>,
      %swap3A_2118 = vector.shape_cast %swap3A_2117 : vector<16xf32> to vector<16xf32>
      %swap3A_2119 = vector.shape_cast %select_n3A_2115 : vector<16xf32> to vector<16xf32>
      tpu.vector_store %arg7[%swap3A_2116], %swap3A_2119 {strides = array<i32>} : memref<48xf32, #tpu.memory_space<vmem>>, vector<16xf32>,
      %swap3A_2120 = arith.constant 16 : index
      %swap3A_2121 = tpu.vector_load %arg7[%swap3A_2120] {strides = array<i32>} : memref<48xf32, #tpu.memory_space<vmem>>, vector<16xf32>,
      %swap3A_2122 = vector.shape_cast %swap3A_2121 : vector<16xf32> to vector<16xf32>
      %swap3A_2123 = vector.shape_cast %select_n3A_2041 : vector<16xf32> to vector<16xf32>
      tpu.vector_store %arg7[%swap3A_2120], %swap3A_2123 {strides = array<i32>} : memref<48xf32, #tpu.memory_space<vmem>>, vector<16xf32>,
      %swap3A_2124 = arith.constant 32 : index
      %swap3A_2125 = tpu.vector_load %arg7[%swap3A_2124] {strides = array<i32>} : memref<48xf32, #tpu.memory_space<vmem>>, vector<16xf32>,
      %swap3A_2126 = vector.shape_cast %swap3A_2125 : vector<16xf32> to vector<16xf32>
      %swap3A_2127 = vector.shape_cast %select_n3A_2045 : vector<16xf32> to vector<16xf32>
      tpu.vector_store %arg7[%swap3A_2124], %swap3A_2127 {strides = array<i32>} : memref<48xf32, #tpu.memory_space<vmem>>, vector<16xf32>,
      "tpu.region"() ({
        %run_scoped3A = tpu.sem_alloc : memref<!tpu.dma_semaphore, #tpu.memory_space<semaphore_mem>>
        tpu.enqueue_dma source(%arg7 : memref<48xf32, #tpu.memory_space<vmem>>) target(%arg4 : memref<48xf32, #tpu.memory_space<hbm>>) target_semaphore(%run_scoped3A : memref<!tpu.dma_semaphore, #tpu.memory_space<semaphore_mem>>)
        tpu.wait_dma2 semaphore(%run_scoped3A : memref<!tpu.dma_semaphore, #tpu.memory_space<semaphore_mem>>) src(%arg7 : memref<48xf32, #tpu.memory_space<vmem>>) dst(%arg4 : memref<48xf32, #tpu.memory_space<hbm>>)
        tpu.yield
      }) : () -> ()
    } else {
    }
    return
  }
}

module attributes {stable_mosaic.version = 14 : i64} {
  func.func @_tc_body(%arg0: i32, %arg1: memref<1000x2048xf32, #tpu.memory_space<vmem>>, %arg2: memref<1x1x2048xi32, #tpu.memory_space<vmem>>, %arg3: memref<1x2048xf32, #tpu.memory_space<vmem>>, %arg4: memref<1x2048xf32, #tpu.memory_space<vmem>>) attributes {dimension_semantics = [#tpu.dimension_semantics<arbitrary>], iteration_bounds = array<i64: 8>, scalar_prefetch = 0 : i64, scratch_operands = 0 : i64, tpu.core_type = #tpu.core_type<tc>, window_params = [{transform_indices = @transform_0, window_bounds = array<i64: 1000, 2048>}, {transform_indices = @transform_1, window_bounds = array<i64: 1, 1, 2048>}, {transform_indices = @transform_2, window_bounds = array<i64: 1, 2048>}, {transform_indices = @transform_3, window_bounds = array<i64: 1, 2048>}]} {
    %get3A = arith.constant 0 : index
    %get3A_0 = arith.constant 0 : index
    %get3A_1 = vector.load %arg1[%get3A, %get3A_0] : memref<1000x2048xf32, #tpu.memory_space<vmem>>, vector<1000x2048xf32>
    %reduce_max3A = arith.constant dense<0xFF800000> : vector<2048xf32>
    %reduce_max3A_2 = vector.multi_reduction <maximumf>, %get3A_1, %reduce_max3A [0] : vector<1000x2048xf32> to vector<2048xf32>
    %broadcast_in_dim3A = vector.shape_cast %reduce_max3A_2 : vector<2048xf32> to vector<1x2048xf32>
    %sub3A = vector.broadcast %broadcast_in_dim3A : vector<1x2048xf32> to vector<1000x2048xf32>
    %sub3A_3 = arith.subf %get3A_1, %sub3A : vector<1000x2048xf32>
    %exp3A = math.exp %sub3A_3 : vector<1000x2048xf32>
    %reduce_sum3A = arith.constant dense<0.000000e+00> : vector<2048xf32>
    %reduce_sum3A_4 = vector.multi_reduction <add>, %exp3A, %reduce_sum3A [0] : vector<1000x2048xf32> to vector<2048xf32>
    %broadcast_in_dim3A_5 = vector.shape_cast %reduce_sum3A_4 : vector<2048xf32> to vector<1x2048xf32>
    %div3A = arith.constant 1.000000e+00 : f32
    %div3A_6 = vector.broadcast %div3A : f32 to vector<1x2048xf32>
    %div3A_7 = arith.divf %div3A_6, %broadcast_in_dim3A_5 : vector<1x2048xf32>
    %iota3A = tpu.iota {dimensions = array<i32: 0>} : vector<1000x2048xi32>
    %eq3A = vector.broadcast %broadcast_in_dim3A : vector<1x2048xf32> to vector<1000x2048xf32>
    %eq3A_8 = arith.cmpf oeq, %get3A_1, %eq3A : vector<1000x2048xf32>
    %jit3A = arith.constant 1000 : i32
    %broadcast_in_dim3A_9 = vector.broadcast %jit3A : i32 to vector<1000x2048xi32>
    %select_n3A = arith.select %eq3A_8, %iota3A, %broadcast_in_dim3A_9 : vector<1000x2048xi1>, vector<1000x2048xi32>
    %reduce_min3A = arith.constant dense<2147483647> : vector<2048xi32>
    %reduce_min3A_10 = vector.multi_reduction <minsi>, %select_n3A, %reduce_min3A [0] : vector<1000x2048xi32> to vector<2048xi32>
    %broadcast_in_dim3A_11 = vector.shape_cast %reduce_min3A_10 : vector<2048xi32> to vector<1x2048xi32>
    %get3A_12 = arith.constant 0 : index
    %get3A_13 = arith.constant 0 : index
    %get3A_14 = arith.constant 0 : index
    %get3A_15 = vector.load %arg2[%get3A_12, %get3A_13, %get3A_14] : memref<1x1x2048xi32, #tpu.memory_space<vmem>>, vector<1x1x2048xi32>
    %get3A_16 = vector.shape_cast %get3A_15 : vector<1x1x2048xi32> to vector<1x2048xi32>
    %swap3A = arith.constant 0 : index
    %swap3A_17 = arith.constant 0 : index
    %swap3A_18 = vector.load %arg3[%swap3A, %swap3A_17] : memref<1x2048xf32, #tpu.memory_space<vmem>>, vector<1x2048xf32>
    tpu.vector_store %arg3[%swap3A, %swap3A_17], %div3A_7 {strides = array<i32>} : memref<1x2048xf32, #tpu.memory_space<vmem>>, vector<1x2048xf32>,
    %eq3A_19 = arith.cmpi eq, %broadcast_in_dim3A_11, %get3A_16 : vector<1x2048xi32>
    %convert_element_type3A = arith.extui %eq3A_19 : vector<1x2048xi1> to vector<1x2048xi32>
    %convert_element_type3A_20 = arith.sitofp %convert_element_type3A : vector<1x2048xi32> to vector<1x2048xf32>
    %swap3A_21 = arith.constant 0 : index
    %swap3A_22 = arith.constant 0 : index
    %swap3A_23 = vector.load %arg4[%swap3A_21, %swap3A_22] : memref<1x2048xf32, #tpu.memory_space<vmem>>, vector<1x2048xf32>
    tpu.vector_store %arg4[%swap3A_21, %swap3A_22], %convert_element_type3A_20 {strides = array<i32>} : memref<1x2048xf32, #tpu.memory_space<vmem>>, vector<1x2048xf32>,
    return
  }
  func.func @transform_0(%arg0: i32) -> (i32, i32) {
    %c0_i32 = arith.constant 0 : i32
    %c0_i32_0 = arith.constant 0 : i32
    return %c0_i32, %arg0 : i32, i32
  }
  func.func @transform_1(%arg0: i32) -> (i32, i32, i32) {
    %c0_i32 = arith.constant 0 : i32
    %c0_i32_0 = arith.constant 0 : i32
    %c0_i32_1 = arith.constant 0 : i32
    return %arg0, %c0_i32, %c0_i32_0 : i32, i32, i32
  }
  func.func @transform_2(%arg0: i32) -> (i32, i32) {
    %c0_i32 = arith.constant 0 : i32
    %c0_i32_0 = arith.constant 0 : i32
    return %c0_i32, %arg0 : i32, i32
  }
  func.func @transform_3(%arg0: i32) -> (i32, i32) {
    %c0_i32 = arith.constant 0 : i32
    %c0_i32_0 = arith.constant 0 : i32
    return %c0_i32, %arg0 : i32, i32
  }
}

</mosaic_0001>

<sc_bundles>
// kernel: kernel.4.cloned.1.call-start
scs
__scs_entry_jumppad:
0x0: {  	(pc) =	sbr.rel $0x88, $3  }
0x1: {  	(tag) =	ssettag $0x0;
	lr =	simm.s32 $0x1  }
0x2: {  	[smem:$0x3F9F] =	sst lr;
	_ =	strace $0xD0000000  }
0x3: {  	_ = 	snop  }
0x4: {  	_ = 	snop  }
0x5: {  	_ = 	snop  }
0x6: {  	_ = 	snop  }
0x7: {  	_ = 	snop  }
__scs_overlays_trampoline_lowered:
0x8: {  	[smem:$0x3FAE] =	sst s0  }
0x9: {  	[smem:$0x3FAF] =	sst s1  }
0xa: {  	[smem:$0x3FB0] =	sst s2  }
0xb: {  	[smem:$0x3FB1] =	sst s3  }
0xc: {  	[smem:$0x3FB2] =	sst s4  }
0xd: {  	[smem:$0x3FB3] =	sst s5  }
0xe: {  	[smem:$0x3FB4] =	sst s6  }
0xf: {  	[smem:$0x3FB5] =	sst s7  }
0x10: {  	[smem:$0x3FB6] =	sst s8  }
0x11: {  	[smem:$0x3FB7] =	sst s9;
	s0 =	simm.s32 @!p0 $0x0  }
0x12: {  	s1 =	sld [smem:$0x3F9D];
	s0 =	simm.s32 @p0 $0x1  }
0x13: {  	[smem:$0x3FB8] =	sst s0;
	s0 =	simm.s32 @!p1 $0x0  }
0x14: {  	s2 =	sld [smem:$0x3F9C];
	s0 =	simm.s32 @p1 $0x1  }
0x15: {  	[smem:$0x3FB9] =	sst s0;
	s0 =	simm.s32 @!p2 $0x0  }
0x16: {  	s3 =	sld [smem:$0x3FDB];
	s0 =	simm.s32 @p2 $0x1  }
0x17: {  	s4 =	simm.s32 $0x1BF5;
	[smem:$0x3FBB] =	sst s0  }
0x18: {  	s0 =	sld [smem:$0x3F9E];
	_ =	swait.ge [sflag:s4], $0x0  }
0x19: {  	s7 =	sld [smem:$0x3F9F]  }
0x1a: {  	s8 =	sadd.s32 $0xFFFFE003, lr  }
0x1b: {  	s9 =	sadd.s32 $0xFFFFFEF7, lr;
	s5 =	simm.s32 $0xFFFFFFFF;
	p2 =	slt.u32 s8, $0xFFFFF086  }
0x1c: {  	p1 =	slt.u32 s9, $0xF7A;
	s5 =	simm.s32 @!p2 $0x0  }
0x1d: {  	s5 =	simm.s32 @p1 $0x1;
	p0 =	seq.s32 s7, s2  }
0x1e: {  	s7 =	smul.u32 @!p0 $0xF7A, s2;
	p2 =	seq.s32 @!p0 s5, $0x0  }
0x1f: {  	s9 =	smul.u32 $0xF7A, s1;
	s8 =	simm.s32 @!p0 $0x1BF5;
	p2 =	por !p2, p0  }
0x20: {  	[sflag:s8] =	ssyncset.s32 @!p0 $0xFFFFF086;
	s6 =	sadd.s32 @!p0 s3, s7;
	s7 =	simm.s32 @!p0 $0x108  }
0x21: {  	s3 =	sadd.s32 s3, s9;
	s6 =	sadd.s32 @!p0 $0x88, s6;
	s7 =	simm.s32 @p2 $0x1082  }
0x22: {  	[simem:s7], [sflag:s8] =	dma.local @!p0 [hbm:s6], $0xF7A  }
0x23: {  	s9 =	sor.u32 $0xD0000000, s2;
	s6 =	simm.s32 $0x108;
	_ =	swait.ge @!p0 [sflag:s8], $0x0  }
0x24: {  	s3 =	sadd.s32 $0x88, s3;
	s6 =	simm.s32 @!p1 $0x1082;
	[sflag:s4] =	ssyncset.s32 $0xFFFFF086  }
0x25: {  	[simem:s6], [sflag:s4] =	dma.local [hbm:s3], $0xF7A  }
0x26: {  	[smem:$0x3F9F] =	sst s1;
	(tag) =	ssettag s2;
	_ =	strace s9  }
0x27: {  	s1 =	sld [smem:$0x3FAF]  }
0x28: {  	s2 =	sld [smem:$0x3FB0]  }
0x29: {  	s4 =	sld [smem:$0x3FB2]  }
0x2a: {  	p0 =	seq.s32 s5, $0x0;
	s5 =	sld [smem:$0x3FB3]  }
0x2b: {  	s6 =	sld [smem:$0x3FB4]  }
0x2c: {  	s7 =	sld [smem:$0x3FB5]  }
0x2d: {  	s3 =	simm.s32 $0x108;
	s8 =	sld [smem:$0x3FB6]  }
0x2e: {  	s3 =	simm.s32 @!p0 $0x1082;
	s9 =	sld [smem:$0x3FB7]  }
0x2f: {  	lr =	sadd.s32 s0, s3;
	s0 =	sld [smem:$0x3FAE]  }
0x30: {  	s3 =	sld [smem:$0x3FB1]  }
0x31: {  	[smem:$0x3FBA] =	sst s10  }
0x32: {  	s10 =	sld [smem:$0x3FB8];
	_ =	sdelay $0x3  }
0x33: {  	p0 =	seq.s32 s10, $0x1;
	s10 =	sld [smem:$0x3FBA];
	_ =	sdelay $0x3  }
0x34: {  	[smem:$0x3FBA] =	sst s10  }
0x35: {  	s10 =	sld [smem:$0x3FB9];
	_ =	sdelay $0x3  }
0x36: {  	p1 =	seq.s32 s10, $0x1;
	s10 =	sld [smem:$0x3FBA];
	_ =	sdelay $0x3  }
0x37: {  	[smem:$0x3FBA] =	sst s10  }
0x38: {  	s10 =	sld [smem:$0x3FBB]  }
0x39: {  	_ = 	snop;
	(pc) =	sbr.ind lr, $3  }
0x3a: {  	_ = 	snop  }
0x3b: {  	_ = 	snop  }
0x3c: {  	p2 =	seq.s32 s10, $0x1;
	s10 =	sld [smem:$0x3FBA]  }
0x3d: {  	_ =	shalt  }
0x3e: {  	_ =	shalt  }
0x3f: {  	_ =	shalt  }
0x40: {  	_ =	shalt  }
0x41: {  	_ =	shalt  }
0x42: {  	_ =	shalt  }
0x43: {  	_ =	shalt  }
0x44: {  	_ =	shalt  }
0x45: {  	_ =	shalt  }
0x46: {  	_ =	shalt  }
0x47: {  	_ =	shalt  }
0x48: {  	_ =	shalt  }
0x49: {  	_ =	shalt  }
0x4a: {  	_ =	shalt  }
0x4b: {  	_ =	shalt  }
0x4c: {  	_ =	shalt  }
0x4d: {  	_ =	shalt  }
0x4e: {  	_ =	shalt  }
0x4f: {  	_ =	shalt  }
0x50: {  	_ =	shalt  }
0x51: {  	_ =	shalt  }
0x52: {  	_ =	shalt  }
0x53: {  	_ =	shalt  }
0x54: {  	_ =	shalt  }
0x55: {  	_ =	shalt  }
0x56: {  	_ =	shalt  }
0x57: {  	_ =	shalt  }
0x58: {  	_ =	shalt  }
0x59: {  	_ =	shalt  }
0x5a: {  	_ =	shalt  }
0x5b: {  	_ =	shalt  }
0x5c: {  	_ =	shalt  }
0x5d: {  	_ =	shalt  }
0x5e: {  	_ =	shalt  }
0x5f: {  	_ =	shalt  }
0x60: {  	_ =	shalt  }
0x61: {  	_ =	shalt  }
0x62: {  	_ =	shalt  }
0x63: {  	_ =	shalt  }
0x64: {  	_ =	shalt  }
0x65: {  	_ =	shalt  }
0x66: {  	_ =	shalt  }
0x67: {  	_ =	shalt  }
0x68: {  	_ =	shalt  }
0x69: {  	_ =	shalt  }
0x6a: {  	_ =	shalt  }
0x6b: {  	_ =	shalt  }
0x6c: {  	_ =	shalt  }
0x6d: {  	_ =	shalt  }
0x6e: {  	_ =	shalt  }
0x6f: {  	_ =	shalt  }
0x70: {  	_ =	shalt  }
0x71: {  	_ =	shalt  }
0x72: {  	_ =	shalt  }
0x73: {  	_ =	shalt  }
0x74: {  	_ =	shalt  }
0x75: {  	_ =	shalt  }
0x76: {  	_ =	shalt  }
0x77: {  	_ =	shalt  }
0x78: {  	_ =	shalt  }
0x79: {  	_ =	shalt  }
0x7a: {  	_ =	shalt  }
0x7b: {  	_ =	shalt  }
0x7c: {  	_ =	shalt  }
0x7d: {  	_ =	shalt  }
0x7e: {  	_ =	shalt  }
0x7f: {  	_ =	shalt  }
0x80: {  	_ =	shalt  }
0x81: {  	_ =	shalt  }
0x82: {  	_ =	shalt  }
0x83: {  	_ =	shalt  }
0x84: {  	_ =	shalt  }
0x85: {  	_ =	shalt  }
0x86: {  	_ =	shalt  }
0x87: {  	_ =	shalt  }
.Lfunc_end0:
.L_simem_size_0:
called_computation_lowered:
.L_overlay_start_0:
0x88: {  	s0 =	sld [smem:$0x3FD9]  }
0x89: {  	s1 =	sld [smem:$0x3FFE];
	_ =	sdelay $0x3  }
0x8a: {  	s0 =	sadd.s32 s1, s0  }
0x8b: {  	[smem:$0x3FC6] =	sst s0  }
0x8c: {  	_ = 	snop  }
0x8d: {  	s0 =	sld [smem:$0x3FD0];
	_ =	sdelay $0x2  }
0x8e: {  	s13 =	simm.s32 $0xA;
	s2 =	simm.s32 $0x10  }
0x8f: {  	[smem:s2], [sflag:s13] =	dma.local [hbm:s0], $0x1  }
0x90: {  	_ =	swait.eq [sflag:s13], $0x1  }
0x91: {  	[sflag:s13] =	ssyncset.done $0x0  }
0x92: {  	[sflag:s13] =	ssyncadd.s32 $0xFFFFFFFF  }
0x93: {  	s14 =	sld [smem:$0x10];
	(tm) =	ssettm $0x1  }
0x94: {  	s15 =	sld [smem:$0x3FFB];
	_ =	sdelay $0x3  }
0x95: {  	_ =	strace s15  }
0x96: {  	s1 =	sld [smem:$0x3FFC];
	_ =	sdelay $0x3  }
0x97: {  	_ =	strace s1  }
0x98: {  	s1 =	sld [smem:$0x3FFD];
	_ =	sdelay $0x3  }
0x99: {  	_ =	strace s1  }
0x9a: {  	_ =	strace $0x8FFFFFFF  }
0x9b: {  	s16 =	sld [smem:$0x3FDB];
	_ =	sdelay $0x1  }
0x9c: {  	s17 =	simm.s32 $_scs_section_size  }
0x9d: {  	s3 =	simm.s32 $_size__tile_overlayer_lowered;
	s4 =	simm.s32 $_tile_overlayer_lowered  }
0x9e: {  	s20 =	simm.s32 $0x1BFF;
	s19 =	sshll.u32 s4, $0x1;
	s1 =	sadd.s32 s17, s16  }
0x9f: {  	s5 =	simm.s32 $0x0;
	s18 =	sshll.u32 s3, $0x1;
	s3 =	sadd.s32 s19, s1  }
0xa0: {  	[timem:s5], [sflag:s20] =	dma.local [hbm:s3], s18  }
0xa1: {  	_ =	swait.ge [sflag:s20], s18  }
0xa2: {  	s2 =	ssub.s32 $0x0, s18;
	[sflag:s20] =	ssyncset.done $0x0  }
0xa3: {  	[sflag:s20] =	ssyncadd.s32 s2;
	_ =	sdelay $0x1  }
0xa4: {  	s21 =	simm.s32 $0x1B8B  }
0xa5: {  	_ =	swait.ge [sflag:s21], $0x1  }
0xa6: {  	[sflag:s21] =	ssyncset.done $0x0  }
0xa7: {  	s23 =	simm.s32 $0x1B8E;
	s22 =	sld [smem:$0x3FFE];
	[sflag:s21] =	ssyncadd.s32 $0xFFFFFFFF  }
0xa8: {  	s24 =	simm.s32 $execute0_lowered;
	[smem:$0x3FD2] =	sst s23  }
0xa9: {  	s3 =	sshll.u32 s24, $0x1;
	_ =	strace $0x80000046;
	[dreg:$0x1] =	wrdreg $0xFFFFFFFF  }
0xaa: {  	s25 =	simm.s32 $_size_execute0_lowered;
	s1 =	sadd.s32 s1, s3;
	[dreg:$0x0] =	wrdreg $0x0  }
0xab: {  	s3 =	sshll.u32 s25, $0x1;
	[dreg:$0x2] =	wrdreg s1  }
0xac: {  	[dreg:$0x3] =	wrdreg s3  }
0xad: {  	[dreg:$0x4] =	wrdreg $0xC0  }
0xae: {  	_ =	task [dreg:s5], $0x5FFFF  }
0xaf: {  	[dreg:$0x1] =	wrdreg $0xFFFFFFFF  }
0xb0: {  	[dreg:$0x0] =	wrdreg $0x60  }
0xb1: {  	[dreg:$0x2] =	wrdreg s22  }
0xb2: {  	[dreg:$0x3] =	wrdreg s14  }
0xb3: {  	[dreg:$0x4] =	wrdreg $0x8800  }
0xb4: {  	[dreg:$0x5] =	wrdreg $0x9  }
0xb5: {  	_ =	task.clear_ibuf [dreg:s5], $0x6FFFF;
	_ =	strace $0x90000046  }
0xb6: {  	s26 =	simm.s32 $0x9;
	_ =	strace $0x80000048  }
0xb7: {  	_ =	swait.ge [sflag:s26], $0x1  }
0xb8: {  	[sflag:s26] =	ssyncadd.s32 $0xFFFFFFFF  }
0xb9: {  	_ =	strace $0x90000048  }
0xba: {  	_ =	sfence  }
0xbb: {  	s28 =	sld [smem:$0x0];
	_ =	sdelay $0x1  }
0xbc: {  	s29 =	srdreg.scid  }
0xbd: {  	s30 =	sshll.u32 s29, $0xD;
	s31 =	sshrl.u32 s29, $0x2  }
0xbe: {  	s2 =	sand.u32 $0x4000, s30;
	s1 =	sand.u32 $0x1, s29;
	s0 =	sadd.s32 s31, s28  }
0xbf: {  	s1 =	sor.u32 s2, s1;
	s0 =	sshll.u32 s0, $0x11  }
0xc0: {  	s0 =	sor.u32 s0, s1  }
0xc1: {  	s0 =	sadd.s32 $0x8F2B, s0  }
0xc2: {  	[sflag:s0] =	ssyncadd.remote.s32 $0x1  }
0xc3: {  	_ =	sfence.sel $0xFFFF  }
0xc4: {  	[dreg:$0x0] =	wrdreg $0xFFFFFFFF;
	(pc) =	sbr.abs _section_cstart, $3  }
0xc5: {  	[dreg:$0x1] =	wrdreg $0xFFFFFFFF  }
0xc6: {  	_ =	task.clear_ibuf [dreg:s5], $0x2FFFF;
	_ =	strace $0x9FFFFFFF  }
0xc7: {  	(tm) =	ssettm $0x7FFFFFFF  }
tec
execute0_lowered:
.L_overlay_start_1:
0x0: {  	(tag) =	ssettag $0x1  }
0x1: {  	s4 =	rddreg [dreg:$0x0]  }
0x2: {  	s1 =	rddreg [dreg:$0x1]  }
0x3: {  	s2 =	rddreg [dreg:$0x2];
	s3 =	stileid.u32  }
0x4: {  	s0 =	rddreg [dreg:$0x3];
	s5 =	simm.s32 $0x0;
	s6 =	sshll.u32 s3, $0x7  }
0x5: {  	[smem:$0x7FF] =	sst s5;
	s4 =	sadd.s32 s6, s4  }
0x6: {  	s30 =	simm.s32 $0x1;
	_ =	strace $0x80000047;
	s6 =	sadd.s32 $0xE00, s4  }
0x7: {  	[tilespmem:s5], [sflag:$0x1] =	stream.linear.gather [hbm4b:s6+s5], $0x400, $0x38;
	[tilespmem:$0xBB0] =	vst v63  }
0x8: {  	_ =	swait.ge [sflag:s30], $0x400  }
0x9: {  	[sflag:s30] =	ssyncset.done $0x0  }
0xa: {  	s7 =	simm.s32 $0x400;
	s4 =	sadd.s32 $0x1600, s4;
	[sflag:s30] =	ssyncadd.s32 $0xFFFFFC00  }
0xb: {  	[tilespmem:s7], [sflag:$0x1] =	stream.linear.gather [hbm4b:s4+s5], $0x400, $0x38;
	[tilespmem:$0xBB0] =	vst v63  }
0xc: {  	_ =	swait.ge [sflag:s30], $0x400  }
0xd: {  	[sflag:s30] =	ssyncset.done $0x0  }
0xe: {  	s31 =	simm.s32 $0x0;
	[sflag:s30] =	ssyncadd.s32 $0xFFFFFC00  }
0xf: {  	v5 =	vimm.f32 $0.0e+00;
	v36 =	vimm.f32 $0.0e+00;
	v25 =	vimm.f32 $0.0e+00;
	v4 =	vld [tilespmem:s31+$0x0]  }
0x10: {  	v31 =	vimm.f32 $0.0e+00;
	v24 =	vimm.f32 $0.0e+00;
	v34 =	vimm.f32 $0.0e+00  }
0x11: {  	v20 =	vimm.f32 $0.0e+00;
	v33 =	vimm.f32 $0.0e+00;
	v32 =	vimm.f32 $0.0e+00  }
0x12: {  	v30 =	vimm.f32 $0.0e+00;
	v19 =	vimm.f32 $0.0e+00;
	v35 =	vimm.f32 $0.0e+00  }
0x13: {  	v28 =	vimm.f32 $0.0e+00;
	v29 =	vimm.f32 $0.0e+00;
	v27 =	vimm.f32 $0.0e+00  }
0x14: {  	v7 =	vld [tilespmem:s31+$0x400];
	vm2 =	vgt.f32 v4, $0.0e+00;
	vm4 =	vle.f32 v4, $9.090909360e-02;
	vm0 =	vle.f32 v4, $1.818181870e-01  }
0x15: {  	vm1 =	vgt.f32 v4, $1.818181870e-01;
	vm3 =	vgt.f32 v4, $2.727272810e-01;
	vm5 =	vle.f32 v4, $3.636363740e-01  }
0x16: {  	vm6 =	vgt.f32 v4, $9.090909360e-02;
	vm7 =	vle.f32 v4, $2.727272810e-01;
	vm8 =	vgt.f32 v4, $8.181818720e-01  }
0x17: {  	vm13 =	vmand vm1, vm7;
	vm7 =	vle.f32 v4, $9.090909360e-01;
	vm10 =	vmand vm3, vm5  }
0x18: {  	vm5 =	vle.f32 v4, $4.545454680e-01;
	vm0 =	vmand vm6, vm0;
	vm6 =	vle.f32 v4, $7.272727490e-01  }
0x19: {  	vm9 =	vmand vm2, vm4;
	vm2 =	vle.f32 v4, $6.363636260e-01;
	vm4 =	vgt.f32 v4, $9.090909360e-01  }
0x1a: {  	vm7 =	vmand vm8, vm7;
	vm8 =	vgt.f32 v4, $6.363636260e-01;
	v37 =	vsel vm9, $0x3F800000, v5  }
0x1b: {  	v38 =	vnsel vm9, $0x0, v4;
	v8 =	vnsel vm9, $0x0, v7;
	v11 =	vnsel vm13, $0x0, v7  }
0x1c: {  	v18 =	vsel vm13, $0x3F800000, v5;
	v39 =	vsel vm0, $0x3F800000, v5;
	v46 =	vnsel vm0, $0x0, v4  }
0x1d: {  	v1 =	vnsel vm7, $0x0, v4;
	v0 =	vnsel vm7, $0x0, v7;
	v2 =	vsel vm7, $0x3F800000, v5  }
0x1e: {  	vm7 =	vle.f32 v4, $1.000000000e+00;
	vm6 =	vmand vm8, vm6;
	vm8 =	vgt.f32 v4, $3.636363740e-01  }
0x1f: {  	v21 =	vadd.f32 v11, v5;
	v11 =	vsel vm10, $0x3F800000, v5;
	v22 =	vadd.f32 v8, v5  }
0x20: {  	v23 =	vadd.f32 v18, v5;
	v18 =	vimm.f32 $0.0e+00;
	vm5 =	vmand vm8, vm5  }
0x21: {  	vm8 =	vgt.f32 v4, $5.454545620e-01;
	vm4 =	vmand vm4, vm7;
	vm7 =	vgt.f32 v4, $7.272727490e-01  }
0x22: {  	v40 =	vnsel vm6, $0x0, v7;
	v15 =	vsel vm6, $0x3F800000, v5;
	v17 =	vnsel vm6, $0x0, v4  }
0x23: {  	vm6 =	vgt.f32 v4, $4.545454680e-01;
	v2 =	vadd.f32 v2, v5;
	v0 =	vadd.f32 v0, v5  }
0x24: {  	v1 =	vadd.f32 v1, v5;
	v16 =	vadd.f32 v11, v5;
	v3 =	vsel vm5, $0x3F800000, v5  }
0x25: {  	v6 =	vnsel vm5, $0x0, v4;
	v26 =	vnsel vm5, $0x0, v7;
	vm1 =	vmand vm8, vm2  }
0x26: {  	vm5 =	vle.f32 v4, $8.181818720e-01;
	v42 =	vsel vm4, $0x3F800000, v5;
	v44 =	vnsel vm4, $0x0, v4  }
0x27: {  	vm5 =	vmand vm7, vm5;
	v12 =	vadd.f32 v6, v5;
	v6 =	vnsel vm1, $0x0, v4  }
0x28: {  	v13 =	vadd.f32 v3, v5;
	v3 =	vnsel vm10, $0x0, v7;
	v9 =	vsel vm5, $0x3F800000, v5  }
0x29: {  	v10 =	vnsel vm5, $0x0, v7;
	v41 =	vnsel vm5, $0x0, v4;
	vm5 =	vle.f32 v4, $5.454545620e-01  }
0x2a: {  	v11 =	vadd.f32 v6, v5;
	v14 =	vadd.f32 v3, v5;
	v3 =	vimm.f32 $0.0e+00  }
0x2b: {  	vm5 =	vmand vm6, vm5;
	v6 =	vadd.f32 v10, v5;
	v10 =	vadd.f32 v15, v5  }
0x2c: {  	v8 =	vadd.f32 v9, v5;
	v9 =	vadd.f32 v17, v5;
	v15 =	vimm.f32 $0.0e+00  }
0x2d: {  	s4 =	simm.s32 $0x40;
	v17 =	vimm.f32 $0.0e+00;
	v45 =	vsel vm5, $0x3F800000, v5;
	v43 =	vnsel vm5, $0x0, v4  }
.LBB2_1:
0x2e: {  	v15 =	vadd.f32 v46, v15;
	v59 =	vnsel vm1, $0x0, v7  }
0x2f: {  	v47 =	vnsel vm10, $0x0, v4;
	v25 =	vadd.f32 v45, v25;
	v24 =	vadd.f32 v41, v24  }
0x30: {  	v61 =	vnsel vm4, $0x0, v7;
	v20 =	vadd.f32 v39, v20;
	v19 =	vadd.f32 v37, v19  }
0x31: {  	s5 =	sshra.s32 s4, $0x2;
	v48 =	vnsel vm13, $0x0, v4;
	v29 =	vadd.f32 v26, v29;
	v36 =	vadd.f32 v44, v36  }
0x32: {  	v62 =	vnsel vm5, $0x0, v7;
	v60 =	vld [tilespmem:s5+$0x0];
	v31 =	vadd.f32 v59, v31;
	v3 =	vadd.f32 v40, v3  }
0x33: {  	v63 =	vnsel vm0, $0x0, v7;
	v17 =	vadd.f32 v42, v17;
	v18 =	vadd.f32 v43, v18  }
0x34: {  	v45 =	vsel vm1, $0x3F800000, v5;
	v34 =	vadd.f32 v61, v34;
	v33 =	vadd.f32 v47, v33  }
0x35: {  	v46 =	vimm.s32 $0x0;
	v32 =	vadd.f32 v63, v32;
	v30 =	vadd.f32 v45, v30  }
0x36: {  	v35 =	vadd.f32 v38, v35;
	v28 =	vadd.f32 v62, v28;
	v47 =	vimm.s32 $0x0  }
0x37: {  	v27 =	vadd.f32 v48, v27;
	vm6 =	vgt.f32 v60, $0.0e+00;
	vm5 =	vle.f32 v60, $9.090909360e-02;
	v4 =	vmovc v60  }
0x38: {  	vm0 =	vle.f32 v4, $1.818181870e-01;
	vm1 =	vgt.f32 v4, $1.818181870e-01;
	vm3 =	vgt.f32 v4, $2.727272810e-01  }
0x39: {  	vm9 =	vle.f32 v4, $3.636363740e-01;
	vm12 =	vgt.f32 v4, $9.090909360e-02;
	vm11 =	vle.f32 v4, $4.545454680e-01  }
0x3a: {  	vm7 =	vle.f32 v4, $2.727272810e-01;
	vm2 =	vle.f32 v4, $5.454545620e-01;
	vm8 =	vle.f32 v4, $1.000000000e+00  }
0x3b: {  	vm13 =	vle.f32 v4, $9.090909360e-01;
	vm14 =	vgt.f32 v4, $8.181818720e-01;
	vm4 =	vgt.f32 v4, $9.090909360e-01  }
0x3c: {  	v7 =	vld [tilespmem:s5+$0x400];
	vm15 =	vle.f32 v4, $7.272727490e-01;
	v37 =	vsel vm2, $0xFFFFFFFF, v46;
	vm2 =	vgt.f32 v4, $4.545454680e-01  }
0x3d: {  	vm10 =	vmand vm3, vm9;
	vm9 =	vgt.f32 v4, $6.363636260e-01;
	vm13 =	vmand vm14, vm13  }
0x3e: {  	vm3 =	vmand vm12, vm0;
	vm14 =	vgt.f32 v4, $5.454545620e-01;
	vm12 =	vgt.f32 v4, $7.272727490e-01  }
0x3f: {  	vm0 =	vgt.f32 v4, $3.636363740e-01;
	vm4 =	vmand vm4, vm8;
	[tilespmem:$0x1FFE0] =	vst v37;
	v37 =	vsel vm2, $0xFFFFFFFF, v47  }
0x40: {  	vm2 =	vmand vm1, vm7;
	vm7 =	vle.f32 v4, $8.181818720e-01;
	v48 =	vnsel vm13, $0x0, v4  }
0x41: {  	v26 =	vnsel vm13, $0x0, v7;
	vm1 =	vle.f32 v4, $6.363636260e-01;
	v49 =	vsel vm13, $0x3F800000, v5  }
0x42: {  	vm9 =	vmand vm9, vm15;
	vm0 =	vmand vm0, vm11;
	vm11 =	vmand vm6, vm5  }
0x43: {  	v54 =	vsel vm10, $0x3F800000, v5;
	v39 =	vsel vm3, $0x3F800000, v5;
	v56 =	vnsel vm10, $0x0, v7  }
0x44: {  	v42 =	vsel vm4, $0x3F800000, v5;
	v44 =	vnsel vm4, $0x0, v4;
	vm13 =	vmmov vm2  }
0x45: {  	v50 =	vnsel vm2, $0x0, v7;
	v2 =	vadd.f32 v49, v2;
	v0 =	vadd.f32 v26, v0  }
0x46: {  	v51 =	vsel vm2, $0x3F800000, v5;
	v52 =	vsel vm0, $0x3F800000, v5;
	v53 =	vnsel vm0, $0x0, v4  }
0x47: {  	v26 =	vnsel vm0, $0x0, v7;
	vm1 =	vmand vm14, vm1;
	v1 =	vadd.f32 v48, v1  }
0x48: {  	[tilespmem:$0x1FFF0] =	vst v37;
	v16 =	vadd.f32 v54, v16;
	vm0 =	vmand vm12, vm7;
	v37 =	vsel vm11, $0x3F800000, v5  }
0x49: {  	v40 =	vnsel vm9, $0x0, v7;
	v38 =	vnsel vm11, $0x0, v4;
	v59 =	vsel vm9, $0x3F800000, v5;
	v62 =	vld [tilespmem:$0x1FFE0]  }
0x4a: {  	v60 =	vnsel vm11, $0x0, v7;
	v14 =	vadd.f32 v56, v14;
	v61 =	vnsel vm9, $0x0, v4;
	v63 =	vld [tilespmem:$0x1FFF0]  }
0x4b: {  	v21 =	vadd.f32 v50, v21;
	v12 =	vadd.f32 v53, v12;
	v55 =	vnsel vm1, $0x0, v4  }
0x4c: {  	p0 =	sne.s32 s4, $0xFC0;
	v13 =	vadd.f32 v52, v13;
	v57 =	vsel vm0, $0x3F800000, v5;
	v58 =	vnsel vm0, $0x0, v7  }
.Ltmp0:
0x4d: {  	v41 =	vnsel vm0, $0x0, v4;
	v22 =	vadd.f32 v60, v22;
	v10 =	vadd.f32 v59, v10;
	(pc) =	sbr.rel @p0 .LBB2_1-.Ltmp0, $4  }
0x4e: {  	vm0 =	vmmov vm3;
	v23 =	vadd.f32 v51, v23;
	v9 =	vadd.f32 v61, v9  }
0x4f: {  	v11 =	vadd.f32 v55, v11;
	vm2 =	vnez.u8 v62;
	vm3 =	vnez.u8 v63  }
0x50: {  	v6 =	vadd.f32 v58, v6;
	v8 =	vadd.f32 v57, v8;
	vm5 =	vmand vm3, vm2  }
0x51: {  	s4 =	sadd.s32 $0x40, s4;
	v46 =	vnsel vm0, $0x0, v4;
	v45 =	vsel vm5, $0x3F800000, v5;
	v43 =	vnsel vm5, $0x0, v4  }
0x52: {  	v46 =	vadd.f32 v46, v15;
	v15 =	vadd.f32 v44, v36  }
0x53: {  	v55 =	vimm.s32 $0xEFCDAB89;
	v56 =	vimm.s32 $0x67452301;
	v47 =	vnsel vm1, $0x0, v7  }
0x54: {  	v36 =	vadd.f32 v45, v25;
	v57 =	vnsel vm10, $0x0, v4;
	v24 =	vadd.f32 v41, v24  }
0x55: {  	v59 =	vnsel vm4, $0x0, v7;
	v25 =	vadd.f32 v40, v3;
	v60 =	vimm.s32 $0xDCFE98BA  }
0x56: {  	v61 =	vimm.s32 $0x54761032;
	v17 =	vadd.f32 v42, v17;
	v63 =	vadd.f32 v37, v19  }
0x57: {  	v42 =	vnsel vm5, $0x0, v7;
	v37 =	vadd.f32 v43, v18;
	v39 =	vadd.f32 v39, v20  }
0x58: {  	v7 =	vnsel vm0, $0x0, v7;
	v35 =	vadd.f32 v38, v35;
	v49 =	vimm.s32 $0x32107654  }
0x59: {  	v51 =	vsel vm1, $0x3F800000, v5;
	v53 =	vimm.s32 $0xFEDCBA98;
	v26 =	vadd.f32 v26, v29  }
0x5a: {  	vm0 =	vmmov $0x1;
	vm1 =	vcmask $0x32C;
	vm2 =	vcmask $0xF2C  }
0x5b: {  	v48 =	vunpack.c.l.s4.s8 v55;
	v44 =	vunpack.c.l.s4.s8 v56;
	v31 =	vadd.f32 v47, v31  }
0x5c: {  	v47 =	vnsel vm13, $0x0, v4;
	v4 =	vunpack.c.l.s4.s8 v60;
	v18 =	vadd.f32 v59, v34  }
0x5d: {  	v62 =	vunpack.c.l.s4.s8 v61;
	v33 =	vadd.f32 v57, v33;
	v32 =	vadd.f32 v7, v32  }
0x5e: {  	v55 =	vunpack.c.l.s4.s8 v53;
	v58 =	vunpack.c.0.s8.s32 v48;
	v44 =	vunpack.c.0.s8.s32 v44  }
0x5f: {  	v4 =	vunpack.c.0.s8.s32 v4;
	v40 =	vunpack.c.0.s8.s32 v62;
	v48 =	vimm.s32 $0xBA98FEDC  }
0x60: {  	v30 =	vadd.f32 v51, v30;
	v38 =	vunpack.c.l.s4.s8 v48;
	v3 =	vcombine.low v44, v58  }
0x61: {  	v28 =	vadd.f32 v42, v28;
	v27 =	vadd.f32 v47, v27;
	v4 =	vcombine.low v40, v4  }
0x62: {  	v40 =	vunpack.c.l.s4.s8 v49;
	v7 =	vunpack.c.0.s8.s32 v38;
	v19 =	vand.u32 $0xF, v3  }
0x63: {  	v38 =	vunpack.c.0.s8.s32 v55;
	v20 =	vand.u32 $0xF, v4;
	v43 =	vperm.xlane v63, v19  }
0x64: {  	v52 =	vunpack.c.0.s8.s32 v40;
	v5 =	vperm.xlane v35, v19;
	v54 =	vperm.xlane v22, v19  }
0x65: {  	v57 =	vperm.xlane v39, v19;
	v38 =	vand.u32 $0xF, v38;
	v34 =	vadd.f32 v43, v63  }
0x66: {  	v35 =	vadd.f32 v5, v35;
	v5 =	vcombine.low v52, v7;
	v7 =	vimm.s32 $0x76543210  }
0x67: {  	v41 =	vadd.f32 v54, v22;
	v39 =	vadd.f32 v57, v39;
	v52 =	vperm.xlane v32, v19  }
0x68: {  	v7 =	vunpack.c.l.s4.s8 v7;
	v50 =	vperm.xlane v34, v20;
	v56 =	vperm.xlane v35, v20  }
0x69: {  	v22 =	vand.u32 $0xF, v5;
	v58 =	vperm.xlane v41, v20;
	v62 =	vperm.xlane v39, v20  }
0x6a: {  	v32 =	vadd.f32 v52, v32;
	v7 =	vunpack.c.0.s8.s32 v7;
	v34 =	vadd.f32 v50, v34  }
0x6b: {  	v35 =	vadd.f32 v56, v35;
	v50 =	vperm.xlane v46, v19;
	v56 =	vperm.xlane v23, v19  }
0x6c: {  	v60 =	vadd.f32 v58, v41;
	v57 =	vperm.xlane v32, v20;
	v58 =	vperm.xlane v27, v19  }
0x6d: {  	v39 =	vadd.f32 v62, v39;
	v7 =	vcombine.low v38, v7;
	v59 =	vperm.xlane v34, v22  }
0x6e: {  	v61 =	vperm.xlane v35, v22;
	v63 =	vperm.xlane v60, v22;
	v53 =	vadd.f32 v50, v46  }
0x6f: {  	v48 =	vperm.xlane v39, v22;
	v23 =	vadd.f32 v56, v23;
	v32 =	vadd.f32 v57, v32  }
0x70: {  	v27 =	vadd.f32 v58, v27;
	v57 =	vperm.xlane v14, v19;
	v34 =	vadd.f32 v59, v34  }
0x71: {  	v35 =	vadd.f32 v61, v35;
	v55 =	vperm.xlane v53, v20;
	v59 =	vperm.xlane v21, v19  }
0x72: {  	v29 =	vadd.f32 v63, v60;
	v42 =	vperm.xlane v23, v20;
	v61 =	vperm.xlane v32, v22  }
0x73: {  	v51 =	vadd.f32 v48, v39;
	v62 =	vperm.xlane v27, v20;
	v45 =	vperm.xlane v34, v7  }
0x74: {  	v14 =	vadd.f32 v57, v14;
	v47 =	vperm.xlane v35, v7;
	v49 =	vperm.xlane v29, v7  }
0x75: {  	v54 =	vperm.xlane v51, v7;
	v39 =	vadd.f32 v55, v53;
	v21 =	vadd.f32 v59, v21  }
0x76: {  	v23 =	vadd.f32 v42, v23;
	v32 =	vadd.f32 v61, v32;
	v55 =	vperm.xlane v33, v19  }
0x77: {  	v27 =	vadd.f32 v62, v27;
	v59 =	vperm.xlane v13, v19;
	v61 =	vperm.xlane v12, v19  }
0x78: {  	v62 =	vperm.xlane v26, v19;
	v34 =	vadd.f32 v45, v34;
	v35 =	vadd.f32 v47, v35  }
0x79: {  	v29 =	vadd.f32 v49, v29;
	v60 =	vperm.xlane v39, v22;
	v63 =	vperm.xlane v21, v20  }
0x7a: {  	v38 =	vadd.f32 v54, v51;
	v45 =	vperm.xlane v16, v19;
	v42 =	vperm.xlane v23, v22  }
0x7b: {  	v47 =	vperm.xlane v32, v7;
	v48 =	vperm.xlane v27, v22;
	v33 =	vadd.f32 v55, v33  }
0x7c: {  	v13 =	vadd.f32 v59, v13;
	v12 =	vadd.f32 v61, v12;
	v59 =	vperm.xlane v30, v19  }
0x7d: {  	v26 =	vadd.f32 v62, v26;
	v61 =	vperm.xlane v11, v19;
	v62 =	vperm.xlane v31, v19  }
0x7e: {  	v34 =	vnsel vm0, $0x0, v34;
	v35 =	vnsel vm0, $0x0, v35;
	v39 =	vadd.f32 v60, v39  }
0x7f: {  	v29 =	vnsel vm0, $0x0, v29;
	v21 =	vadd.f32 v63, v21;
	v16 =	vadd.f32 v45, v16  }
0x80: {  	v23 =	vadd.f32 v42, v23;
	v32 =	vadd.f32 v47, v32;
	v58 =	vperm.xlane v33, v20  }
0x81: {  	v27 =	vadd.f32 v48, v27;
	v63 =	vperm.xlane v14, v20;
	v40 =	vperm.xlane v12, v20  }
0x82: {  	v41 =	vperm.xlane v26, v20;
	v11 =	vadd.f32 v61, v11;
	v46 =	vperm.xlane v39, v7  }
0x83: {  	v34 =	vsel vm1, v34, v38;
	v50 =	vperm.xlane v21, v22;
	v51 =	vperm.xlane v16, v20  }
0x84: {  	v52 =	vperm.xlane v23, v7;
	v14 =	vadd.f32 v63, v14;
	v12 =	vadd.f32 v40, v12  }
0x85: {  	v29 =	vsel vm1, v29, v32;
	v26 =	vadd.f32 v41, v26;
	v49 =	vadd.f32 v46, v39  }
0x86: {  	v53 =	vperm.xlane v27, v7;
	v21 =	vadd.f32 v50, v21;
	v16 =	vadd.f32 v51, v16  }
0x87: {  	v23 =	vadd.f32 v52, v23;
	v39 =	vperm.xlane v13, v20;
	v42 =	vperm.xlane v14, v22  }
0x88: {  	v27 =	vadd.f32 v53, v27;
	v45 =	vperm.xlane v12, v22;
	v46 =	vperm.xlane v36, v19  }
0x89: {  	v47 =	vperm.xlane v26, v22;
	v35 =	vsel vm1, v35, v49;
	v54 =	vperm.xlane v21, v7  }
0x8a: {  	vm1 =	vcmask $0x72C;
	v13 =	vadd.f32 v39, v13;
	v14 =	vadd.f32 v42, v14  }
0x8b: {  	v56 =	vperm.xlane v16, v22;
	v12 =	vadd.f32 v45, v12;
	v49 =	vadd.f32 v46, v36  }
0x8c: {  	v26 =	vadd.f32 v47, v26;
	v36 =	vperm.xlane v11, v20;
	v23 =	vsel vm1, v34, v23  }
0x8d: {  	v21 =	vadd.f32 v54, v21;
	v44 =	vperm.xlane v13, v22;
	v48 =	vperm.xlane v14, v7  }
0x8e: {  	v16 =	vadd.f32 v56, v16;
	v51 =	vperm.xlane v12, v7;
	v52 =	vperm.xlane v49, v20  }
0x8f: {  	v27 =	vsel vm1, v35, v27;
	v53 =	vperm.xlane v26, v7;
	v54 =	vperm.xlane v37, v19  }
0x90: {  	v11 =	vadd.f32 v36, v11;
	v21 =	vsel vm1, v29, v21;
	v60 =	vperm.xlane v16, v7  }
0x91: {  	v29 =	vadd.f32 v58, v33;
	vm1 =	vcmask $0xB2C;
	v13 =	vadd.f32 v44, v13  }
0x92: {  	v14 =	vadd.f32 v48, v14;
	v12 =	vadd.f32 v51, v12;
	v58 =	vperm.xlane v28, v19  }
0x93: {  	v55 =	vadd.f32 v53, v26;
	v42 =	vperm.xlane v11, v22;
	v44 =	vperm.xlane v10, v19  }
0x94: {  	v57 =	vadd.f32 v54, v37;
	v51 =	vperm.xlane v9, v19;
	v53 =	vperm.xlane v8, v19  }
0x95: {  	v16 =	vadd.f32 v60, v16;
	v38 =	vperm.xlane v29, v22;
	v50 =	vperm.xlane v13, v7  }
0x96: {  	v14 =	vsel vm1, v21, v14;
	v11 =	vadd.f32 v42, v11;
	v10 =	vadd.f32 v44, v10  }
0x97: {  	v60 =	vperm.xlane v57, v20;
	v9 =	vadd.f32 v51, v9;
	v8 =	vadd.f32 v53, v8  }
0x98: {  	v42 =	vperm.xlane v0, v19;
	v14 =	vsel vm2, v14, v55;
	v55 =	vperm.xlane v24, v19  }
0x99: {  	v29 =	vadd.f32 v38, v29;
	v16 =	vsel vm1, v23, v16;
	v13 =	vadd.f32 v50, v13  }
0x9a: {  	v23 =	vadd.f32 v52, v49;
	v46 =	vperm.xlane v11, v7;
	v49 =	vperm.xlane v10, v20  }
0x9b: {  	v0 =	vadd.f32 v42, v0;
	v43 =	vperm.xlane v29, v7;
	v13 =	vsel vm2, v16, v13  }
0x9c: {  	v56 =	vperm.xlane v23, v22;
	v16 =	vadd.f32 v58, v28;
	v28 =	vadd.f32 v62, v31  }
0x9d: {  	v52 =	vperm.xlane v25, v19;
	v11 =	vadd.f32 v46, v11;
	v10 =	vadd.f32 v49, v10  }
0x9e: {  	v29 =	vadd.f32 v43, v29;
	v21 =	vadd.f32 v56, v23;
	v33 =	vperm.xlane v16, v20  }
0x9f: {  	v23 =	vadd.f32 v60, v57;
	v38 =	vperm.xlane v28, v20;
	v54 =	vperm.xlane v10, v22  }
0xa0: {  	v56 =	vperm.xlane v6, v19;
	v57 =	vperm.xlane v9, v20;
	v27 =	vsel vm1, v27, v29  }
0xa1: {  	v63 =	vperm.xlane v21, v7;
	v35 =	vperm.xlane v23, v22;
	v16 =	vadd.f32 v33, v16  }
0xa2: {  	vm1 =	vcmask $0x132C;
	v10 =	vadd.f32 v54, v10;
	v6 =	vadd.f32 v56, v6  }
0xa3: {  	v9 =	vadd.f32 v57, v9;
	v12 =	vsel vm2, v27, v12;
	v27 =	vadd.f32 v59, v30  }
0xa4: {  	vm2 =	vcmask $0x172C;
	v59 =	vperm.xlane v8, v20;
	v39 =	vperm.xlane v16, v22  }
0xa5: {  	v21 =	vadd.f32 v63, v21;
	v60 =	vperm.xlane v10, v7;
	v62 =	vperm.xlane v6, v20  }
0xa6: {  	v23 =	vadd.f32 v35, v23;
	v63 =	vperm.xlane v9, v22;
	v35 =	vperm.xlane v2, v19  }
0xa7: {  	v34 =	vperm.xlane v27, v20;
	v8 =	vadd.f32 v59, v8;
	v16 =	vadd.f32 v39, v16  }
0xa8: {  	v13 =	vsel vm1, v13, v21;
	v6 =	vadd.f32 v62, v6;
	v9 =	vadd.f32 v63, v9  }
0xa9: {  	v41 =	vperm.xlane v23, v7;
	v2 =	vadd.f32 v35, v2;
	v37 =	vadd.f32 v34, v27  }
0xaa: {  	v27 =	vadd.f32 v38, v28;
	v45 =	vperm.xlane v16, v7;
	v31 =	vperm.xlane v9, v7  }
0xab: {  	v21 =	vadd.f32 v41, v23;
	v39 =	vperm.xlane v2, v20;
	v41 =	vperm.xlane v17, v19  }
0xac: {  	v40 =	vperm.xlane v37, v22;
	v43 =	vperm.xlane v27, v22;
	v16 =	vadd.f32 v45, v16  }
0xad: {  	v12 =	vsel vm1, v12, v21;
	v9 =	vadd.f32 v31, v9;
	v2 =	vadd.f32 v39, v2  }
0xae: {  	v44 =	vadd.f32 v41, v17;
	v45 =	vperm.xlane v18, v19;
	v26 =	vadd.f32 v40, v37  }
0xaf: {  	v27 =	vadd.f32 v43, v27;
	v11 =	vsel vm2, v12, v11;
	v12 =	vadd.f32 v55, v24  }
0xb0: {  	v40 =	vperm.xlane v1, v19;
	v43 =	vperm.xlane v15, v19;
	v14 =	vsel vm1, v14, v16  }
0xb1: {  	v16 =	vadd.f32 v52, v25;
	v25 =	vperm.xlane v8, v22;
	v46 =	vperm.xlane v2, v22  }
0xb2: {  	vm1 =	vcmask $0x1B2C;
	v49 =	vperm.xlane v44, v20;
	v30 =	vperm.xlane v26, v7  }
0xb3: {  	v48 =	vperm.xlane v27, v7;
	v61 =	vperm.xlane v12, v20;
	v1 =	vadd.f32 v40, v1  }
0xb4: {  	v58 =	vperm.xlane v16, v20;
	v8 =	vadd.f32 v25, v8;
	v2 =	vadd.f32 v46, v2  }
0xb5: {  	v9 =	vsel vm1, v11, v9;
	v11 =	vadd.f32 v49, v44;
	v12 =	vadd.f32 v61, v12  }
0xb6: {  	v47 =	vadd.f32 v30, v26;
	v30 =	vperm.xlane v6, v22;
	v16 =	vadd.f32 v58, v16  }
0xb7: {  	v50 =	vadd.f32 v48, v27;
	v48 =	vperm.xlane v1, v20;
	v29 =	vperm.xlane v12, v22  }
0xb8: {  	v10 =	vadd.f32 v60, v10;
	v33 =	vperm.xlane v8, v7;
	v28 =	vperm.xlane v16, v22  }
0xb9: {  	v53 =	vperm.xlane v2, v7;
	v55 =	vperm.xlane v11, v22;
	v12 =	vadd.f32 v29, v12  }
0xba: {  	v13 =	vsel vm2, v13, v47;
	v14 =	vsel vm2, v14, v50;
	v16 =	vadd.f32 v28, v16  }
0xbb: {  	v6 =	vadd.f32 v30, v6;
	v47 =	vadd.f32 v43, v15;
	v34 =	vperm.xlane v12, v7  }
0xbc: {  	v1 =	vadd.f32 v48, v1;
	v8 =	vadd.f32 v33, v8;
	v32 =	vperm.xlane v16, v7  }
0xbd: {  	v50 =	vperm.xlane v0, v20;
	v2 =	vadd.f32 v53, v2;
	v37 =	vadd.f32 v34, v12  }
0xbe: {  	v10 =	vsel vm1, v13, v10;
	v12 =	vadd.f32 v45, v18;
	v16 =	vadd.f32 v32, v16  }
0xbf: {  	v11 =	vadd.f32 v55, v11;
	v51 =	vperm.xlane v47, v20;
	v0 =	vadd.f32 v50, v0  }
0xc0: {  	v52 =	vperm.xlane v12, v20;
	v38 =	vsel vm1, v14, v16;
	vm1 =	vcmask $0x1F2C  }
0xc1: {  	v54 =	vperm.xlane v1, v22;
	v8 =	vsel vm1, v10, v8;
	v10 =	vadd.f32 v51, v47  }
0xc2: {  	v36 =	vperm.xlane v6, v7;
	v56 =	vperm.xlane v0, v22;
	v12 =	vadd.f32 v52, v12  }
0xc3: {  	v60 =	vperm.xlane v11, v7;
	v1 =	vadd.f32 v54, v1;
	v57 =	vperm.xlane v10, v22  }
0xc4: {  	v6 =	vadd.f32 v36, v6;
	v0 =	vadd.f32 v56, v0;
	v58 =	vperm.xlane v12, v22  }
0xc5: {  	v59 =	vperm.xlane v1, v7;
	v9 =	vsel vm1, v9, v37;
	v10 =	vadd.f32 v57, v10  }
0xc6: {  	v6 =	vsel vm1, v38, v6;
	vm1 =	vcmask $0x232C;
	v12 =	vadd.f32 v58, v12  }
0xc7: {  	v2 =	vsel vm1, v8, v2;
	v8 =	vperm.xlane v0, v7;
	v61 =	vperm.xlane v10, v7  }
0xc8: {  	v11 =	vadd.f32 v60, v11;
	v1 =	vadd.f32 v59, v1;
	v62 =	vperm.xlane v12, v7  }
0xc9: {  	vm2 =	vcmask $0x272C;
	v0 =	vadd.f32 v8, v0;
	v8 =	vadd.f32 v61, v10  }
0xca: {  	s4 =	smul.u32 $0xC0, s3;
	v1 =	vsel vm1, v9, v1;
	v2 =	vsel vm2, v2, v11;
	v63 =	vadd.f32 v62, v12  }
0xcb: {  	[tilespmem:$0x800] =	vst v2;
	v0 =	vsel vm1, v6, v0;
	v1 =	vsel vm2, v1, v8  }
0xcc: {  	s4 =	sshrl.u32 s4, $0x2;
	v0 =	vsel vm2, v0, v63;
	[tilespmem:$0x810] =	vst v1  }
0xcd: {  	s5 =	simm.s32 $0x800;
	s4 =	sadd.s32 s4, s2;
	[tilespmem:$0x820] =	vst v0  }
0xce: {  	[spmem:s4] =	stream.linear.scatter [tilespmem:s5], [sflag:$0x1], $0x30, $0x38;
	[tilespmem:$0xBB0] =	vst v63  }
0xcf: {  	s4 =	simm.s32 $0x1  }
0xd0: {  	_ =	swait.ge [sflag:s4], $0x30  }
0xd1: {  	[sflag:s4] =	ssyncset.done $0x0  }
0xd2: {  	[sflag:s4] =	ssyncadd.s32 $0xFFFFFFD0  }
0xd3: {  	p0 =	sne.s32 s3, $0x0;
	[bflag:$0x0] =	sbarrier.arrive $0xFFFF  }
0xd4: {  	_ =	sfence.sel @p0 $0x180000  }
0xd5: {  	[bflag:$0x0] =	sbarrier.arrive @p0 $0xFFFF  }
0xd6: {  	_ =	strace @p0 $0x90000047  }
0xd7: {  	[bflag:$0x2] =	sbarrier.arrive @p0 $0xFFFF  }
0xd8: {  	_ =	shalt @p0  }
.LBB2_3:
0xd9: {  	s3 =	simm.s32 $0x8B0  }
0xda: {  	[tilespmem:s3], [sflag:$0x1] =	stream.linear.gather [spmem:s2], $0x300, $0x38;
	[tilespmem:$0xBB0] =	vst v63  }
0xdb: {  	_ =	swait.ge [sflag:s4], $0x300  }
0xdc: {  	[sflag:s4] =	ssyncset.done $0x0  }
0xdd: {  	[sflag:s4] =	ssyncadd.s32 $0xFFFFFD00  }
0xde: {  	v0 =	vld [tilespmem:$0x8B0]  }
0xdf: {  	v1 =	vld [tilespmem:$0x8C0]  }
0xe0: {  	v2 =	vld [tilespmem:$0x8D0]  }
0xe1: {  	v6 =	vld [tilespmem:$0x8E0]  }
0xe2: {  	v8 =	vld [tilespmem:$0x8F0]  }
0xe3: {  	v9 =	vld [tilespmem:$0x900]  }
0xe4: {  	v10 =	vld [tilespmem:$0x910]  }
0xe5: {  	v11 =	vld [tilespmem:$0x920]  }
0xe6: {  	v12 =	vld [tilespmem:$0x930]  }
0xe7: {  	v13 =	vld [tilespmem:$0x940]  }
0xe8: {  	v14 =	vld [tilespmem:$0x950]  }
0xe9: {  	v15 =	vld [tilespmem:$0x960];
	v0 =	vadd.f32 $0.0e+00, v0  }
0xea: {  	v16 =	vld [tilespmem:$0x970]  }
0xeb: {  	v31 =	vld [tilespmem:$0x980];
	v0 =	vadd.f32 v6, v0  }
0xec: {  	v17 =	vld [tilespmem:$0x990]  }
0xed: {  	v32 =	vld [tilespmem:$0x9A0];
	v0 =	vadd.f32 v10, v0  }
0xee: {  	v18 =	vld [tilespmem:$0x9B0]  }
0xef: {  	v33 =	vld [tilespmem:$0x9C0];
	v0 =	vadd.f32 v13, v0  }
0xf0: {  	v19 =	vld [tilespmem:$0x9D0]  }
0xf1: {  	v34 =	vld [tilespmem:$0x9E0];
	v0 =	vadd.f32 v16, v0  }
0xf2: {  	v20 =	vld [tilespmem:$0xA00]  }
0xf3: {  	v35 =	vld [tilespmem:$0x9F0];
	v0 =	vadd.f32 v32, v0  }
0xf4: {  	v21 =	vld [tilespmem:$0xA30];
	v1 =	vadd.f32 $0.0e+00, v1;
	v2 =	vadd.f32 $0.0e+00, v2  }
0xf5: {  	v36 =	vld [tilespmem:$0xA10];
	v0 =	vadd.f32 v19, v0  }
0xf6: {  	v37 =	vld [tilespmem:$0xA60];
	v1 =	vadd.f32 v8, v1;
	v2 =	vadd.f32 v9, v2  }
0xf7: {  	v38 =	vld [tilespmem:$0xA20];
	v0 =	vadd.f32 v20, v0  }
0xf8: {  	v39 =	vld [tilespmem:$0xA90];
	v1 =	vadd.f32 v11, v1;
	v2 =	vadd.f32 v12, v2  }
0xf9: {  	v40 =	vld [tilespmem:$0xA40];
	v0 =	vadd.f32 v21, v0  }
0xfa: {  	v41 =	vld [tilespmem:$0xAC0];
	v1 =	vadd.f32 v14, v1;
	v2 =	vadd.f32 v15, v2  }
0xfb: {  	v42 =	vld [tilespmem:$0xA50];
	v0 =	vadd.f32 v37, v0  }
0xfc: {  	v43 =	vld [tilespmem:$0xAF0];
	v1 =	vadd.f32 v31, v1;
	v2 =	vadd.f32 v17, v2  }
0xfd: {  	v44 =	vld [tilespmem:$0xA70];
	v0 =	vadd.f32 v39, v0  }
0xfe: {  	v45 =	vld [tilespmem:$0xB20];
	v1 =	vadd.f32 v18, v1;
	v2 =	vadd.f32 v33, v2  }
0xff: {  	v46 =	vld [tilespmem:$0xA80];
	v0 =	vadd.f32 v41, v0  }
0x100: {  	v47 =	vld [tilespmem:$0xB50];
	v1 =	vadd.f32 v34, v1;
	v2 =	vadd.f32 v35, v2  }
0x101: {  	v48 =	vld [tilespmem:$0xAA0];
	v0 =	vadd.f32 v43, v0  }
0x102: {  	v49 =	vld [tilespmem:$0xB80];
	v1 =	vadd.f32 v36, v1;
	v2 =	vadd.f32 v38, v2  }
0x103: {  	v50 =	vld [tilespmem:$0xAB0];
	v0 =	vadd.f32 v45, v0  }
0x104: {  	v51 =	vld [tilespmem:$0xAD0];
	v1 =	vadd.f32 v40, v1;
	v2 =	vadd.f32 v42, v2  }
0x105: {  	v52 =	vld [tilespmem:$0xAE0];
	v0 =	vadd.f32 v47, v0  }
0x106: {  	v53 =	vld [tilespmem:$0xB00];
	v1 =	vadd.f32 v44, v1;
	v2 =	vadd.f32 v46, v2  }
0x107: {  	v54 =	vld [tilespmem:$0xB10];
	v0 =	vadd.f32 v49, v0  }
0x108: {  	v55 =	vld [tilespmem:$0xB30];
	v1 =	vadd.f32 v48, v1;
	v2 =	vadd.f32 v50, v2  }
0x109: {  	v56 =	vld [tilespmem:$0xB40];
	v57 =	vmax.f32 v0, $1.000000000e+00  }
0x10a: {  	v58 =	vld [tilespmem:$0xB60];
	v1 =	vadd.f32 v51, v1;
	v2 =	vadd.f32 v52, v2;
	(erf) = vrcp.f32 v57  }
0x10b: {  	v59 =	vld [tilespmem:$0xB70]  }
0x10c: {  	v60 =	vld [tilespmem:$0xB90];
	v1 =	vadd.f32 v53, v1;
	v2 =	vadd.f32 v54, v2  }
0x10d: {  	v61 =	vld [tilespmem:$0xBA0]  }
0x10e: {  	v1 =	vadd.f32 v55, v1;
	v2 =	vadd.f32 v56, v2;
	_ =	sdelay $0x1  }
0x10f: {  	v1 =	vadd.f32 v58, v1;
	v2 =	vadd.f32 v59, v2;
	_ =	sdelay $0x1  }
0x110: {  	v1 =	vadd.f32 v60, v1;
	v2 =	vadd.f32 v61, v2  }
0x111: {  	v62 =	vpop (erf)  }
0x112: {  	v2 =	vmul.f32 v62, v2;
	v1 =	vmul.f32 v62, v1  }
0x113: {  	vm1 =	vgt.f32 v0, $0.0e+00  }
0x114: {  	v2 =	vnsel vm1, $0x0, v2;
	v1 =	vnsel vm1, $0x0, v1  }
0x115: {  	v63 =	vsub.f32 v1, v2;
	_ =	sdelay $0x1  }
0x116: {  	v6 =	vand.u32 $0x7FFFFFFF, v63  }
0x117: {  	v0 =	vmul.f32 v6, v0;
	_ =	sdelay $0x1  }
0x118: {  	v0 =	vmul.f32 $6.103515630e-05, v0;
	_ =	sdelay $0x1  }
0x119: {  	v0 =	vnsel vm1, $0x0, v0  }
0x11a: {  	v3 =	vperm.xlane v0, v3;
	_ =	sdelay $0x1  }
0x11b: {  	v0 =	vadd.f32 v3, v0;
	_ =	sdelay $0x1  }
0x11c: {  	v3 =	vperm.xlane v0, v4;
	_ =	sdelay $0x1  }
0x11d: {  	v0 =	vadd.f32 v3, v0;
	_ =	sdelay $0x1  }
0x11e: {  	v3 =	vperm.xlane v0, v5;
	_ =	sdelay $0x1  }
0x11f: {  	v0 =	vadd.f32 v3, v0;
	_ =	sdelay $0x1  }
0x120: {  	v3 =	vperm.xlane v0, v7;
	_ =	sdelay $0x1  }
0x121: {  	v0 =	vadd.f32 v3, v0  }
0x122: {  	[tilespmem:$0x810] =	vst v2  }
0x123: {  	[tilespmem:$0x820] =	vst v1;
	v0 =	vnsel vm0, $0x0, v0  }
0x124: {  	s31 =	simm.s32 $0x0;
	[tilespmem:$0x800] =	vst v0  }
0x125: {  	[hbm4b:s1+s31] =	stream.linear.scatter [tilespmem:s5], [sflag:$0x1], $0x80, $0x38;
	[tilespmem:$0xBB0] =	vst v63  }
0x126: {  	_ =	swait.ge [sflag:s4], $0x80  }
0x127: {  	[sflag:s4] =	ssyncset.done $0x0  }
0x128: {  	[sflag:s4] =	ssyncadd.s32 $0xFFFFFF80  }
0x129: {  	_ =	sfence.sel $0x180000  }
0x12a: {  	[bflag:$0x0] =	sbarrier.arrive $0xFFFF  }
0x12b: {  	_ =	strace $0x90000047  }
0x12c: {  	s0 =	sadd.s32 $0x100000, s0;
	[bflag:$0x2] =	sbarrier.arrive $0xFFFF  }
0x12d: {  	[sflag:s0] =	ssyncadd.tile.s32 $0x1;
	_ =	shalt  }
.Lfunc_end2:
_tile_overlayer_lowered:
.L_overlay_start_2:
0x12e: {  	(tag) =	ssettag $0x2  }
0x12f: {  	s0 =	rddreg [dreg:$0x0];
	s2 =	stileid.u32  }
0x130: {  	s1 =	rddreg [dreg:$0x1];
	p0 =	sne.s32 s2, $0x0  }
0x131: {  	s3 =	rddreg [dreg:$0x2];
	[bflag:$0x3] =	sbarrier.arrive $0xFFFF;
	s2 =	simm.s32 @!p0 $0x1C01  }
0x132: {  	[timem:s3], [sflag:s2] =	dma.local @!p0 [hbm:s0], s1  }
0x133: {  	s0 =	simm.s32 @!p0 $0x1  }
0x134: {  	_ =	swait.ge @!p0 [sflag:s0], s1  }
0x135: {  	s1 =	ssub.s32 @!p0 $0x0, s1;
	[sflag:s0] =	ssyncset.done @!p0 $0x0  }
0x136: {  	[sflag:s0] =	ssyncadd.s32 @!p0 s1  }
0x137: {  	[bflag:$0x3] =	sbarrier.arrive $0xFFFF  }
0x138: {  	_ =	shalt  }

</sc_bundles>
